<compile_context>
chip_gen: v7x
topology: tpu7x:2x2x1
jax: 0.10.2.dev20260603
libtpu: 0.0.44.dev20260713+nightly
codegen_flags: <defaults>
</compile_context>

<pallas_src>
import functools

import jax
import jax.numpy as jnp
from jax import lax
from jax.experimental import pallas as pl
from jax.experimental.pallas import tpu as pltpu
from jax.experimental.pallas import tpu_sc as plsc

B, P, V, D = 16384, 10, 14, 32
NC, NS, L = 2, 16, 16
NW = NC * NS
CG = 8
NCG = D // CG
BQ = 4096
NBQ = B // BQ
NTASK = P * NCG * NBQ
TPW = NTASK // NW


def _make_kernel():
    mesh = plsc.VectorSubcoreMesh(core_axis_name="c", subcore_axis_name="s")

    @functools.partial(
        pl.kernel,
        mesh=mesh,
        out_type=jax.ShapeDtypeStruct((P, D, B), jnp.float32),
        scratch_types=[
            pltpu.VMEM((V, D), jnp.float32),
            pltpu.VMEM((P, D), jnp.float32),
            pltpu.VMEM((V * P, D), jnp.float32),
            pltpu.VMEM((D,), jnp.float32),
            pltpu.VMEM((BQ,), jnp.int32),
            pltpu.VMEM((BQ,), jnp.int32),
            pltpu.VMEM((CG, BQ), jnp.float32),
            pltpu.VMEM((CG, BQ), jnp.float32),
            pltpu.SemaphoreType.DMA,
            pltpu.SemaphoreType.DMA,
            pltpu.SemaphoreType.DMA,
            pltpu.SemaphoreType.DMA,
        ],
        compiler_params=pltpu.CompilerParams(
            use_tc_tiling_on_sc=True, needs_layout_passes=False),
    )
    def sc_kernel(e_hbm, pe_hbm, xt_hbm, out_hbm, e_v, pe_v, tab_v,
                  tmp_v, xv0, xv1, s0, s1, xs0, xs1, w0, w1):
        wid = lax.axis_index("s") * NC + lax.axis_index("c")
        slab = (s0, s1)
        wsem = (w0, w1)
        xv = (xv0, xv1)
        xsem = (xs0, xs1)

        def task_coords(t):
            tid = t * NW + wid
            p = tid // (NCG * NBQ)
            rem = tid % (NCG * NBQ)
            return p, rem // NBQ, (rem % NBQ) * BQ

        p0_, _, b0_ = task_coords(0)
        xcopies = [None, None]
        xcopies[0] = pltpu.async_copy(
            xt_hbm.at[p0_, pl.ds(b0_, BQ)], xv[0], xsem[0])

        pltpu.sync_copy(e_hbm, e_v)
        pltpu.sync_copy(pe_hbm, pe_v)

        def tab_body(v, _):
            def tab_inner(p, _):
                row = v * P + p
                for h in range(D // L):
                    tmp_v[pl.ds(h * L, L)] = (
                        e_v[v, pl.ds(h * L, L)] + pe_v[p, pl.ds(h * L, L)])
                for h in range(D // L):
                    src = (h * L + lax.iota(jnp.int32, L) - row) & (D - 1)
                    tab_v[row, pl.ds(h * L, L)] = plsc.load_gather(
                        tmp_v, [src])
                return 0

            lax.fori_loop(0, P, tab_inner, 0)
            return 0

        lax.fori_loop(0, V, tab_body, 0)

        writes = [None, None]
        for t in range(TPW):
            p, cg, b0 = task_coords(t)
            buf = slab[t % 2]
            x_v = xv[t % 2]
            cols = [jnp.full((L,), cg * CG + r, jnp.int32) for r in range(CG)]

            xcopies[t % 2].wait()
            if t + 1 < TPW:
                pn, _, bn = task_coords(t + 1)
                xcopies[(t + 1) % 2] = pltpu.async_copy(
                    xt_hbm.at[pn, pl.ds(bn, BQ)], xv[(t + 1) % 2],
                    xsem[(t + 1) % 2])

            if writes[t % 2] is not None:
                writes[t % 2].wait()

            @plsc.parallel_loop(0, BQ // L, unroll=2)
            def gat_body(j, buf=buf, p=p, x_v=x_v):
                iv = x_v[pl.ds(j * L, L)] * P + p
                for r in range(CG):
                    skewed = (cols[r] + iv) & (D - 1)
                    buf[r, pl.ds(j * L, L)] = plsc.load_gather(
                        tab_v, [iv, skewed])
            writes[t % 2] = pltpu.async_copy(
                buf, out_hbm.at[p, pl.ds(cg * CG, CG), pl.ds(b0, BQ)],
                wsem[t % 2])

        writes[(TPW - 2) % 2].wait()
        writes[(TPW - 1) % 2].wait()

    return sc_kernel


_sc_kernel = _make_kernel()


def kernel(x, embed_weight, pe):
    xt = x.astype(jnp.int32).T
    out_t = _sc_kernel(embed_weight, pe, xt)
    return jnp.transpose(out_t, (2, 0, 1))

# --- scband reference (transcript-rebuilt; emitter-appended) ---
"""Pipeline reference for scband-position-embedding-29850022707462 (READ-ONLY COPY).

The authoritative reference and input builder live on the scoring server;
editing this copy changes nothing except your own understanding.
"""

import jax, jax.numpy as jnp
import numpy as np


def _make_pe():
    pos = np.arange(10, dtype=np.float64)[:, None]
    i = np.arange(32, dtype=np.float64)[None, :]
    d = 10000.0 ** (i / 32.0)
    pe = pos / d
    out = np.where((np.arange(32)[None, :] % 2) == 0, np.sin(pe), np.cos(pe))
    return jnp.asarray(out, dtype=jnp.float32)


def setup_inputs(seed: int = 0) -> dict:
    key = jax.random.key(seed)
    k1, k2 = jax.random.split(key)
    x = jax.random.randint(k1, (16384, 10), 0, 14)
    embed_weight = jax.random.normal(k2, (14, 32), dtype=jnp.float32) * 0.1
    pe = _make_pe()
    return {"x": x, "embed_weight": embed_weight, "pe": pe}


def reference(x, embed_weight, pe):
    # embedding lookup (gather) + positional encoding broadcast-add
    embed = jnp.take(embed_weight, x, axis=0)  # [B, 10, 32]
    return embed + pe[None, :, :]

if __name__ == "__main__":
    import jax
    _d = setup_inputs()
    print(jax.jit(kernel)(*tuple(_d.values())))

</pallas_src>

<mosaic_0001>
#map = affine_map<(d0, d1) -> (0, 0)>
#map1 = affine_map<(d0, d1) -> (0, 0, 0)>
module attributes {stable_mosaic.version = 14 : i64} {
  func.func @sc_kernel(%arg0: i32, %arg1: i32, %arg2: memref<14x32xf32, #tpu.memory_space<hbm>>, %arg3: memref<10x32xf32, #tpu.memory_space<hbm>>, %arg4: memref<10x16384xi32, #tpu.memory_space<hbm>>, %arg5: memref<10x32x16384xf32, #tpu.memory_space<hbm>>, %arg6: memref<14x32xf32, #tpu.memory_space<vmem>>, %arg7: memref<10x32xf32, #tpu.memory_space<vmem>>, %arg8: memref<140x32xf32, #tpu.memory_space<vmem>>, %arg9: memref<32xf32, #tpu.memory_space<vmem>>, %arg10: memref<4096xi32, #tpu.memory_space<vmem>>, %arg11: memref<4096xi32, #tpu.memory_space<vmem>>, %arg12: memref<8x4096xf32, #tpu.memory_space<vmem>>, %arg13: memref<8x4096xf32, #tpu.memory_space<vmem>>, %arg14: memref<!tpu.dma_semaphore, #tpu.memory_space<semaphore_mem>>, %arg15: memref<!tpu.dma_semaphore, #tpu.memory_space<semaphore_mem>>, %arg16: memref<!tpu.dma_semaphore, #tpu.memory_space<semaphore_mem>>, %arg17: memref<!tpu.dma_semaphore, #tpu.memory_space<semaphore_mem>>) attributes {dimension_semantics = [#tpu.dimension_semantics<core_parallel>, #tpu.dimension_semantics<subcore_parallel>], iteration_bounds = array<i64: 2, 16>, scalar_prefetch = 0 : i64, scratch_operands = 12 : i64, tpu.core_type = #tpu.core_type<sc_vector_subcore>, window_params = [{transform_indices = #map}, {transform_indices = #map}, {transform_indices = #map}, {transform_indices = #map1}]} {
    %mul3A = arith.constant 2 : i32
    %mul3A_0 = arith.muli %arg1, %mul3A : i32
    %add3A = arith.addi %mul3A_0, %arg0 : i32
    %add3A_1 = arith.constant 0 : i32
    %add3A_2 = arith.addi %add3A_1, %add3A : i32
    %jit3A = arith.constant 16 : i32
    %div3A = arith.divsi %add3A_2, %jit3A : i32
    %sign3A = arith.constant 0 : i32
    %sign3A_3 = arith.cmpi sgt, %add3A_2, %sign3A : i32
    %sign3A_4 = arith.extui %sign3A_3 : i1 to i32
    %sign3A_5 = arith.constant 0 : i32
    %sign3A_6 = arith.cmpi slt, %add3A_2, %sign3A_5 : i32
    %sign3A_7 = arith.extui %sign3A_6 : i1 to i32
    %sign3A_8 = arith.subi %sign3A_4, %sign3A_7 : i32
    %sign3A_9 = arith.constant 0 : i32
    %sign3A_10 = arith.cmpi sgt, %jit3A, %sign3A_9 : i32
    %sign3A_11 = arith.extui %sign3A_10 : i1 to i32
    %sign3A_12 = arith.constant 0 : i32
    %sign3A_13 = arith.cmpi slt, %jit3A, %sign3A_12 : i32
    %sign3A_14 = arith.extui %sign3A_13 : i1 to i32
    %sign3A_15 = arith.subi %sign3A_11, %sign3A_14 : i32
    %ne3A = arith.cmpi ne, %sign3A_8, %sign3A_15 : i32
    %rem3A = arith.remsi %add3A_2, %jit3A : i32
    %ne3A_16 = arith.constant 0 : i32
    %ne3A_17 = arith.cmpi ne, %rem3A, %ne3A_16 : i32
    %and3A = arith.andi %ne3A, %ne3A_17 : i1
    %sub3A = arith.constant 1 : i32
    %sub3A_18 = arith.subi %div3A, %sub3A : i32
    %select_n3A = arith.select %and3A, %sub3A_18, %div3A : i32
    %jit3A_19 = arith.constant 16 : i32
    %eq3A = arith.constant 0 : i32
    %eq3A_20 = arith.cmpi eq, %jit3A_19, %eq3A : i32
    %jit3A_21 = arith.constant 1 : i32
    %select_n3A_22 = arith.select %eq3A_20, %jit3A_21, %jit3A_19 : i32
    %rem3A_23 = arith.remsi %add3A_2, %select_n3A_22 : i32
    %ne3A_24 = arith.constant 0 : i32
    %ne3A_25 = arith.cmpi ne, %rem3A_23, %ne3A_24 : i32
    %lt3A = arith.constant 0 : i32
    %lt3A_26 = arith.cmpi slt, %rem3A_23, %lt3A : i32
    %lt3A_27 = arith.constant 0 : i32
    %lt3A_28 = arith.cmpi slt, %select_n3A_22, %lt3A_27 : i32
    %ne3A_29 = arith.xori %lt3A_26, %lt3A_28 : i1
    %and3A_30 = arith.andi %ne3A_29, %ne3A_25 : i1
    %add3A_31 = arith.addi %rem3A_23, %select_n3A_22 : i32
    %select_n3A_32 = arith.select %and3A_30, %add3A_31, %rem3A_23 : i32
    %jit3A_33 = arith.constant 4 : i32
    %div3A_34 = arith.divsi %select_n3A_32, %jit3A_33 : i32
    %sign3A_35 = arith.constant 0 : i32
    %sign3A_36 = arith.cmpi sgt, %select_n3A_32, %sign3A_35 : i32
    %sign3A_37 = arith.extui %sign3A_36 : i1 to i32
    %sign3A_38 = arith.constant 0 : i32
    %sign3A_39 = arith.cmpi slt, %select_n3A_32, %sign3A_38 : i32
    %sign3A_40 = arith.extui %sign3A_39 : i1 to i32
    %sign3A_41 = arith.subi %sign3A_37, %sign3A_40 : i32
    %sign3A_42 = arith.constant 0 : i32
    %sign3A_43 = arith.cmpi sgt, %jit3A_33, %sign3A_42 : i32
    %sign3A_44 = arith.extui %sign3A_43 : i1 to i32
    %sign3A_45 = arith.constant 0 : i32
    %sign3A_46 = arith.cmpi slt, %jit3A_33, %sign3A_45 : i32
    %sign3A_47 = arith.extui %sign3A_46 : i1 to i32
    %sign3A_48 = arith.subi %sign3A_44, %sign3A_47 : i32
    %ne3A_49 = arith.cmpi ne, %sign3A_41, %sign3A_48 : i32
    %rem3A_50 = arith.remsi %select_n3A_32, %jit3A_33 : i32
    %ne3A_51 = arith.constant 0 : i32
    %ne3A_52 = arith.cmpi ne, %rem3A_50, %ne3A_51 : i32
    %and3A_53 = arith.andi %ne3A_49, %ne3A_52 : i1
    %sub3A_54 = arith.constant 1 : i32
    %sub3A_55 = arith.subi %div3A_34, %sub3A_54 : i32
    %select_n3A_56 = arith.select %and3A_53, %sub3A_55, %div3A_34 : i32
    %jit3A_57 = arith.constant 4 : i32
    %eq3A_58 = arith.constant 0 : i32
    %eq3A_59 = arith.cmpi eq, %jit3A_57, %eq3A_58 : i32
    %jit3A_60 = arith.constant 1 : i32
    %select_n3A_61 = arith.select %eq3A_59, %jit3A_60, %jit3A_57 : i32
    %rem3A_62 = arith.remsi %select_n3A_32, %select_n3A_61 : i32
    %ne3A_63 = arith.constant 0 : i32
    %ne3A_64 = arith.cmpi ne, %rem3A_62, %ne3A_63 : i32
    %lt3A_65 = arith.constant 0 : i32
    %lt3A_66 = arith.cmpi slt, %rem3A_62, %lt3A_65 : i32
    %lt3A_67 = arith.constant 0 : i32
    %lt3A_68 = arith.cmpi slt, %select_n3A_61, %lt3A_67 : i32
    %ne3A_69 = arith.xori %lt3A_66, %lt3A_68 : i1
    %and3A_70 = arith.andi %ne3A_69, %ne3A_64 : i1
    %add3A_71 = arith.addi %rem3A_62, %select_n3A_61 : i32
    %select_n3A_72 = arith.select %and3A_70, %add3A_71, %rem3A_62 : i32
    %mul3A_73 = arith.constant 4096 : i32
    %mul3A_74 = arith.muli %select_n3A_72, %mul3A_73 : i32
    %dma_start3A = tpu.memref_slice %arg4[%select_n3A, %mul3A_74] : memref<10x16384xi32, #tpu.memory_space<hbm>> -> memref<1x4096xi32, #tpu.memory_space<hbm>>
    %dma_start3A_75 = tpu.memref_squeeze %dma_start3A : memref<1x4096xi32, #tpu.memory_space<hbm>> -> memref<4096xi32, #tpu.memory_space<hbm>>
    %dma_start3A_76 = tpu.memref_slice %arg4[%select_n3A, %mul3A_74] : memref<10x16384xi32, #tpu.memory_space<hbm>> -> memref<1x4096xi32, #tpu.memory_space<hbm>>
    %dma_start3A_77 = tpu.memref_squeeze %dma_start3A_76 : memref<1x4096xi32, #tpu.memory_space<hbm>> -> memref<4096xi32, #tpu.memory_space<hbm>>
    tpu.enqueue_dma source(%dma_start3A_77 : memref<4096xi32, #tpu.memory_space<hbm>>) target(%arg10 : memref<4096xi32, #tpu.memory_space<vmem>>) target_semaphore(%arg14 : memref<!tpu.dma_semaphore, #tpu.memory_space<semaphore_mem>>)
    "tpu.region"() ({
      %run_scoped3A = tpu.sem_alloc : memref<!tpu.dma_semaphore, #tpu.memory_space<semaphore_mem>>
      tpu.enqueue_dma source(%arg2 : memref<14x32xf32, #tpu.memory_space<hbm>>) target(%arg6 : memref<14x32xf32, #tpu.memory_space<vmem>>) target_semaphore(%run_scoped3A : memref<!tpu.dma_semaphore, #tpu.memory_space<semaphore_mem>>)
      tpu.wait_dma2 semaphore(%run_scoped3A : memref<!tpu.dma_semaphore, #tpu.memory_space<semaphore_mem>>) src(%arg2 : memref<14x32xf32, #tpu.memory_space<hbm>>) dst(%arg6 : memref<14x32xf32, #tpu.memory_space<vmem>>)
      tpu.yield
    }) : () -> ()
    "tpu.region"() ({
      %run_scoped3A = tpu.sem_alloc : memref<!tpu.dma_semaphore, #tpu.memory_space<semaphore_mem>>
      tpu.enqueue_dma source(%arg3 : memref<10x32xf32, #tpu.memory_space<hbm>>) target(%arg7 : memref<10x32xf32, #tpu.memory_space<vmem>>) target_semaphore(%run_scoped3A : memref<!tpu.dma_semaphore, #tpu.memory_space<semaphore_mem>>)
      tpu.wait_dma2 semaphore(%run_scoped3A : memref<!tpu.dma_semaphore, #tpu.memory_space<semaphore_mem>>) src(%arg3 : memref<10x32xf32, #tpu.memory_space<hbm>>) dst(%arg7 : memref<10x32xf32, #tpu.memory_space<vmem>>)
      tpu.yield
    }) : () -> ()
    %scan3A = arith.constant 0 : i32
    %scan3A_78 = arith.constant 0 : i32
    %scan3A_79 = arith.constant 14 : i32
    %scan3A_80 = arith.addi %scan3A_78, %scan3A_79 : i32
    %scan3A_81 = arith.constant 1 : i32
    %scan3A_82 = scf.for %scan3A_1138 = %scan3A_78 to %scan3A_80 step %scan3A_81 iter_args(%scan3A_1139 = %scan3A) -> (i32)  : i32 {
      %scan3A_1140 = arith.constant 0 : i32
      %scan3A_1141 = arith.constant 0 : i32
      %scan3A_1142 = arith.constant 10 : i32
      %scan3A_1143 = arith.addi %scan3A_1141, %scan3A_1142 : i32
      %scan3A_1144 = arith.constant 1 : i32
      %scan3A_1145 = scf.for %scan3A_1148 = %scan3A_1141 to %scan3A_1143 step %scan3A_1144 iter_args(%scan3A_1149 = %scan3A_1140) -> (i32)  : i32 {
        %mul3A_1150 = arith.constant 10 : i32
        %mul3A_1151 = arith.muli %scan3A_1138, %mul3A_1150 : i32
        %add3A_1152 = arith.addi %mul3A_1151, %scan3A_1148 : i32
        %get3A = arith.index_cast %scan3A_1138 : i32 to index
        %get3A_1153 = arith.constant 0 : index
        %get3A_1154 = tpu.vector_load %arg6[%get3A, %get3A_1153] {strides = array<i32>} : memref<14x32xf32, #tpu.memory_space<vmem>>, vector<16xf32>,
        %get3A_1155 = arith.index_cast %scan3A_1148 : i32 to index
        %get3A_1156 = arith.constant 0 : index
        %get3A_1157 = tpu.vector_load %arg7[%get3A_1155, %get3A_1156] {strides = array<i32>} : memref<10x32xf32, #tpu.memory_space<vmem>>, vector<16xf32>,
        %add3A_1158 = arith.addf %get3A_1154, %get3A_1157 : vector<16xf32>
        %swap3A = arith.constant 0 : index
        %swap3A_1159 = tpu.vector_load %arg9[%swap3A] {strides = array<i32>} : memref<32xf32, #tpu.memory_space<vmem>>, vector<16xf32>,
        tpu.vector_store %arg9[%swap3A], %add3A_1158 {strides = array<i32>} : memref<32xf32, #tpu.memory_space<vmem>>, vector<16xf32>,
        %get3A_1160 = arith.index_cast %scan3A_1138 : i32 to index
        %get3A_1161 = arith.constant 16 : index
        %get3A_1162 = tpu.vector_load %arg6[%get3A_1160, %get3A_1161] {strides = array<i32>} : memref<14x32xf32, #tpu.memory_space<vmem>>, vector<16xf32>,
        %get3A_1163 = arith.index_cast %scan3A_1148 : i32 to index
        %get3A_1164 = arith.constant 16 : index
        %get3A_1165 = tpu.vector_load %arg7[%get3A_1163, %get3A_1164] {strides = array<i32>} : memref<10x32xf32, #tpu.memory_space<vmem>>, vector<16xf32>,
        %add3A_1166 = arith.addf %get3A_1162, %get3A_1165 : vector<16xf32>
        %swap3A_1167 = arith.constant 16 : index
        %swap3A_1168 = tpu.vector_load %arg9[%swap3A_1167] {strides = array<i32>} : memref<32xf32, #tpu.memory_space<vmem>>, vector<16xf32>,
        tpu.vector_store %arg9[%swap3A_1167], %add3A_1166 {strides = array<i32>} : memref<32xf32, #tpu.memory_space<vmem>>, vector<16xf32>,
        %iota3A = tpu.iota {dimensions = array<i32: 0>} : vector<16xi32>
        %add3A_1169 = arith.constant 0 : i32
        %add3A_1170 = vector.broadcast %add3A_1169 : i32 to vector<16xi32>
        %add3A_1171 = arith.addi %add3A_1170, %iota3A : vector<16xi32>
        %sub3A_1172 = vector.broadcast %add3A_1152 : i32 to vector<16xi32>
        %sub3A_1173 = arith.subi %add3A_1171, %sub3A_1172 : vector<16xi32>
        %and3A_1174 = arith.constant 31 : i32
        %and3A_1175 = vector.broadcast %and3A_1174 : i32 to vector<16xi32>
        %and3A_1176 = arith.andi %sub3A_1173, %and3A_1175 : vector<16xi32>
        %gather3A = tpu.vector_load_idx %arg9[%and3A_1176] : memref<32xf32, #tpu.memory_space<vmem>>[vector<16xi32>], vector<16xf32>,
        %swap3A_1177 = arith.index_cast %add3A_1152 : i32 to index
        %swap3A_1178 = arith.constant 0 : index
        %swap3A_1179 = tpu.vector_load %arg8[%swap3A_1177, %swap3A_1178] {strides = array<i32>} : memref<140x32xf32, #tpu.memory_space<vmem>>, vector<16xf32>,
        tpu.vector_store %arg8[%swap3A_1177, %swap3A_1178], %gather3A {strides = array<i32>} : memref<140x32xf32, #tpu.memory_space<vmem>>, vector<16xf32>,
        %iota3A_1180 = tpu.iota {dimensions = array<i32: 0>} : vector<16xi32>
        %add3A_1181 = arith.constant 16 : i32
        %add3A_1182 = vector.broadcast %add3A_1181 : i32 to vector<16xi32>
        %add3A_1183 = arith.addi %add3A_1182, %iota3A_1180 : vector<16xi32>
        %sub3A_1184 = vector.broadcast %add3A_1152 : i32 to vector<16xi32>
        %sub3A_1185 = arith.subi %add3A_1183, %sub3A_1184 : vector<16xi32>
        %and3A_1186 = arith.constant 31 : i32
        %and3A_1187 = vector.broadcast %and3A_1186 : i32 to vector<16xi32>
        %and3A_1188 = arith.andi %sub3A_1185, %and3A_1187 : vector<16xi32>
        %gather3A_1189 = tpu.vector_load_idx %arg9[%and3A_1188] : memref<32xf32, #tpu.memory_space<vmem>>[vector<16xi32>], vector<16xf32>,
        %swap3A_1190 = arith.index_cast %add3A_1152 : i32 to index
        %swap3A_1191 = arith.constant 16 : index
        %swap3A_1192 = tpu.vector_load %arg8[%swap3A_1190, %swap3A_1191] {strides = array<i32>} : memref<140x32xf32, #tpu.memory_space<vmem>>, vector<16xf32>,
        tpu.vector_store %arg8[%swap3A_1190, %swap3A_1191], %gather3A_1189 {strides = array<i32>} : memref<140x32xf32, #tpu.memory_space<vmem>>, vector<16xf32>,
        %scan3A_1193 = arith.constant 0 : i32
        scf.yield %scan3A_1193 : i32
      }
      %scan3A_1146 = arith.constant 10 : i32
      %scan3A_1147 = arith.constant 0 : i32
      scf.yield %scan3A_1147 : i32
    }
    %scan3A_83 = arith.constant 14 : i32
    %add3A_84 = arith.constant 0 : i32
    %add3A_85 = arith.addi %add3A_84, %add3A : i32
    %jit3A_86 = arith.constant 16 : i32
    %div3A_87 = arith.divsi %add3A_85, %jit3A_86 : i32
    %sign3A_88 = arith.constant 0 : i32
    %sign3A_89 = arith.cmpi sgt, %add3A_85, %sign3A_88 : i32
    %sign3A_90 = arith.extui %sign3A_89 : i1 to i32
    %sign3A_91 = arith.constant 0 : i32
    %sign3A_92 = arith.cmpi slt, %add3A_85, %sign3A_91 : i32
    %sign3A_93 = arith.extui %sign3A_92 : i1 to i32
    %sign3A_94 = arith.subi %sign3A_90, %sign3A_93 : i32
    %sign3A_95 = arith.constant 0 : i32
    %sign3A_96 = arith.cmpi sgt, %jit3A_86, %sign3A_95 : i32
    %sign3A_97 = arith.extui %sign3A_96 : i1 to i32
    %sign3A_98 = arith.constant 0 : i32
    %sign3A_99 = arith.cmpi slt, %jit3A_86, %sign3A_98 : i32
    %sign3A_100 = arith.extui %sign3A_99 : i1 to i32
    %sign3A_101 = arith.subi %sign3A_97, %sign3A_100 : i32
    %ne3A_102 = arith.cmpi ne, %sign3A_94, %sign3A_101 : i32
    %rem3A_103 = arith.remsi %add3A_85, %jit3A_86 : i32
    %ne3A_104 = arith.constant 0 : i32
    %ne3A_105 = arith.cmpi ne, %rem3A_103, %ne3A_104 : i32
    %and3A_106 = arith.andi %ne3A_102, %ne3A_105 : i1
    %sub3A_107 = arith.constant 1 : i32
    %sub3A_108 = arith.subi %div3A_87, %sub3A_107 : i32
    %select_n3A_109 = arith.select %and3A_106, %sub3A_108, %div3A_87 : i32
    %jit3A_110 = arith.constant 16 : i32
    %eq3A_111 = arith.constant 0 : i32
    %eq3A_112 = arith.cmpi eq, %jit3A_110, %eq3A_111 : i32
    %jit3A_113 = arith.constant 1 : i32
    %select_n3A_114 = arith.select %eq3A_112, %jit3A_113, %jit3A_110 : i32
    %rem3A_115 = arith.remsi %add3A_85, %select_n3A_114 : i32
    %ne3A_116 = arith.constant 0 : i32
    %ne3A_117 = arith.cmpi ne, %rem3A_115, %ne3A_116 : i32
    %lt3A_118 = arith.constant 0 : i32
    %lt3A_119 = arith.cmpi slt, %rem3A_115, %lt3A_118 : i32
    %lt3A_120 = arith.constant 0 : i32
    %lt3A_121 = arith.cmpi slt, %select_n3A_114, %lt3A_120 : i32
    %ne3A_122 = arith.xori %lt3A_119, %lt3A_121 : i1
    %and3A_123 = arith.andi %ne3A_122, %ne3A_117 : i1
    %add3A_124 = arith.addi %rem3A_115, %select_n3A_114 : i32
    %select_n3A_125 = arith.select %and3A_123, %add3A_124, %rem3A_115 : i32
    %jit3A_126 = arith.constant 4 : i32
    %div3A_127 = arith.divsi %select_n3A_125, %jit3A_126 : i32
    %sign3A_128 = arith.constant 0 : i32
    %sign3A_129 = arith.cmpi sgt, %select_n3A_125, %sign3A_128 : i32
    %sign3A_130 = arith.extui %sign3A_129 : i1 to i32
    %sign3A_131 = arith.constant 0 : i32
    %sign3A_132 = arith.cmpi slt, %select_n3A_125, %sign3A_131 : i32
    %sign3A_133 = arith.extui %sign3A_132 : i1 to i32
    %sign3A_134 = arith.subi %sign3A_130, %sign3A_133 : i32
    %sign3A_135 = arith.constant 0 : i32
    %sign3A_136 = arith.cmpi sgt, %jit3A_126, %sign3A_135 : i32
    %sign3A_137 = arith.extui %sign3A_136 : i1 to i32
    %sign3A_138 = arith.constant 0 : i32
    %sign3A_139 = arith.cmpi slt, %jit3A_126, %sign3A_138 : i32
    %sign3A_140 = arith.extui %sign3A_139 : i1 to i32
    %sign3A_141 = arith.subi %sign3A_137, %sign3A_140 : i32
    %ne3A_142 = arith.cmpi ne, %sign3A_134, %sign3A_141 : i32
    %rem3A_143 = arith.remsi %select_n3A_125, %jit3A_126 : i32
    %ne3A_144 = arith.constant 0 : i32
    %ne3A_145 = arith.cmpi ne, %rem3A_143, %ne3A_144 : i32
    %and3A_146 = arith.andi %ne3A_142, %ne3A_145 : i1
    %sub3A_147 = arith.constant 1 : i32
    %sub3A_148 = arith.subi %div3A_127, %sub3A_147 : i32
    %select_n3A_149 = arith.select %and3A_146, %sub3A_148, %div3A_127 : i32
    %jit3A_150 = arith.constant 4 : i32
    %eq3A_151 = arith.constant 0 : i32
    %eq3A_152 = arith.cmpi eq, %jit3A_150, %eq3A_151 : i32
    %jit3A_153 = arith.constant 1 : i32
    %select_n3A_154 = arith.select %eq3A_152, %jit3A_153, %jit3A_150 : i32
    %rem3A_155 = arith.remsi %select_n3A_125, %select_n3A_154 : i32
    %ne3A_156 = arith.constant 0 : i32
    %ne3A_157 = arith.cmpi ne, %rem3A_155, %ne3A_156 : i32
    %lt3A_158 = arith.constant 0 : i32
    %lt3A_159 = arith.cmpi slt, %rem3A_155, %lt3A_158 : i32
    %lt3A_160 = arith.constant 0 : i32
    %lt3A_161 = arith.cmpi slt, %select_n3A_154, %lt3A_160 : i32
    %ne3A_162 = arith.xori %lt3A_159, %lt3A_161 : i1
    %and3A_163 = arith.andi %ne3A_162, %ne3A_157 : i1
    %add3A_164 = arith.addi %rem3A_155, %select_n3A_154 : i32
    %select_n3A_165 = arith.select %and3A_163, %add3A_164, %rem3A_155 : i32
    %mul3A_166 = arith.constant 4096 : i32
    %mul3A_167 = arith.muli %select_n3A_165, %mul3A_166 : i32
    %mul3A_168 = arith.constant 8 : i32
    %mul3A_169 = arith.muli %select_n3A_149, %mul3A_168 : i32
    %add3A_170 = arith.constant 0 : i32
    %add3A_171 = arith.addi %mul3A_169, %add3A_170 : i32
    %broadcast_in_dim3A = vector.broadcast %add3A_171 : i32 to vector<16xi32>
    %mul3A_172 = arith.constant 8 : i32
    %mul3A_173 = arith.muli %select_n3A_149, %mul3A_172 : i32
    %add3A_174 = arith.constant 1 : i32
    %add3A_175 = arith.addi %mul3A_173, %add3A_174 : i32
    %broadcast_in_dim3A_176 = vector.broadcast %add3A_175 : i32 to vector<16xi32>
    %mul3A_177 = arith.constant 8 : i32
    %mul3A_178 = arith.muli %select_n3A_149, %mul3A_177 : i32
    %add3A_179 = arith.constant 2 : i32
    %add3A_180 = arith.addi %mul3A_178, %add3A_179 : i32
    %broadcast_in_dim3A_181 = vector.broadcast %add3A_180 : i32 to vector<16xi32>
    %mul3A_182 = arith.constant 8 : i32
    %mul3A_183 = arith.muli %select_n3A_149, %mul3A_182 : i32
    %add3A_184 = arith.constant 3 : i32
    %add3A_185 = arith.addi %mul3A_183, %add3A_184 : i32
    %broadcast_in_dim3A_186 = vector.broadcast %add3A_185 : i32 to vector<16xi32>
    %mul3A_187 = arith.constant 8 : i32
    %mul3A_188 = arith.muli %select_n3A_149, %mul3A_187 : i32
    %add3A_189 = arith.constant 4 : i32
    %add3A_190 = arith.addi %mul3A_188, %add3A_189 : i32
    %broadcast_in_dim3A_191 = vector.broadcast %add3A_190 : i32 to vector<16xi32>
    %mul3A_192 = arith.constant 8 : i32
    %mul3A_193 = arith.muli %select_n3A_149, %mul3A_192 : i32
    %add3A_194 = arith.constant 5 : i32
    %add3A_195 = arith.addi %mul3A_193, %add3A_194 : i32
    %broadcast_in_dim3A_196 = vector.broadcast %add3A_195 : i32 to vector<16xi32>
    %mul3A_197 = arith.constant 8 : i32
    %mul3A_198 = arith.muli %select_n3A_149, %mul3A_197 : i32
    %add3A_199 = arith.constant 6 : i32
    %add3A_200 = arith.addi %mul3A_198, %add3A_199 : i32
    %broadcast_in_dim3A_201 = vector.broadcast %add3A_200 : i32 to vector<16xi32>
    %mul3A_202 = arith.constant 8 : i32
    %mul3A_203 = arith.muli %select_n3A_149, %mul3A_202 : i32
    %add3A_204 = arith.constant 7 : i32
    %add3A_205 = arith.addi %mul3A_203, %add3A_204 : i32
    %broadcast_in_dim3A_206 = vector.broadcast %add3A_205 : i32 to vector<16xi32>
    %dma_wait3A = tpu.memref_slice %arg4[%select_n3A, %mul3A_74] : memref<10x16384xi32, #tpu.memory_space<hbm>> -> memref<1x4096xi32, #tpu.memory_space<hbm>>
    %dma_wait3A_207 = tpu.memref_squeeze %dma_wait3A : memref<1x4096xi32, #tpu.memory_space<hbm>> -> memref<4096xi32, #tpu.memory_space<hbm>>
    %dma_wait3A_208 = tpu.memref_slice %arg4[%select_n3A, %mul3A_74] : memref<10x16384xi32, #tpu.memory_space<hbm>> -> memref<1x4096xi32, #tpu.memory_space<hbm>>
    %dma_wait3A_209 = tpu.memref_squeeze %dma_wait3A_208 : memref<1x4096xi32, #tpu.memory_space<hbm>> -> memref<4096xi32, #tpu.memory_space<hbm>>
    tpu.wait_dma2 semaphore(%arg14 : memref<!tpu.dma_semaphore, #tpu.memory_space<semaphore_mem>>) src(%dma_wait3A_209 : memref<4096xi32, #tpu.memory_space<hbm>>) dst(%arg10 : memref<4096xi32, #tpu.memory_space<vmem>>)
    %add3A_210 = arith.constant 32 : i32
    %add3A_211 = arith.addi %add3A_210, %add3A : i32
    %jit3A_212 = arith.constant 16 : i32
    %div3A_213 = arith.divsi %add3A_211, %jit3A_212 : i32
    %sign3A_214 = arith.constant 0 : i32
    %sign3A_215 = arith.cmpi sgt, %add3A_211, %sign3A_214 : i32
    %sign3A_216 = arith.extui %sign3A_215 : i1 to i32
    %sign3A_217 = arith.constant 0 : i32
    %sign3A_218 = arith.cmpi slt, %add3A_211, %sign3A_217 : i32
    %sign3A_219 = arith.extui %sign3A_218 : i1 to i32
    %sign3A_220 = arith.subi %sign3A_216, %sign3A_219 : i32
    %sign3A_221 = arith.constant 0 : i32
    %sign3A_222 = arith.cmpi sgt, %jit3A_212, %sign3A_221 : i32
    %sign3A_223 = arith.extui %sign3A_222 : i1 to i32
    %sign3A_224 = arith.constant 0 : i32
    %sign3A_225 = arith.cmpi slt, %jit3A_212, %sign3A_224 : i32
    %sign3A_226 = arith.extui %sign3A_225 : i1 to i32
    %sign3A_227 = arith.subi %sign3A_223, %sign3A_226 : i32
    %ne3A_228 = arith.cmpi ne, %sign3A_220, %sign3A_227 : i32
    %rem3A_229 = arith.remsi %add3A_211, %jit3A_212 : i32
    %ne3A_230 = arith.constant 0 : i32
    %ne3A_231 = arith.cmpi ne, %rem3A_229, %ne3A_230 : i32
    %and3A_232 = arith.andi %ne3A_228, %ne3A_231 : i1
    %sub3A_233 = arith.constant 1 : i32
    %sub3A_234 = arith.subi %div3A_213, %sub3A_233 : i32
    %select_n3A_235 = arith.select %and3A_232, %sub3A_234, %div3A_213 : i32
    %jit3A_236 = arith.constant 16 : i32
    %eq3A_237 = arith.constant 0 : i32
    %eq3A_238 = arith.cmpi eq, %jit3A_236, %eq3A_237 : i32
    %jit3A_239 = arith.constant 1 : i32
    %select_n3A_240 = arith.select %eq3A_238, %jit3A_239, %jit3A_236 : i32
    %rem3A_241 = arith.remsi %add3A_211, %select_n3A_240 : i32
    %ne3A_242 = arith.constant 0 : i32
    %ne3A_243 = arith.cmpi ne, %rem3A_241, %ne3A_242 : i32
    %lt3A_244 = arith.constant 0 : i32
    %lt3A_245 = arith.cmpi slt, %rem3A_241, %lt3A_244 : i32
    %lt3A_246 = arith.constant 0 : i32
    %lt3A_247 = arith.cmpi slt, %select_n3A_240, %lt3A_246 : i32
    %ne3A_248 = arith.xori %lt3A_245, %lt3A_247 : i1
    %and3A_249 = arith.andi %ne3A_248, %ne3A_243 : i1
    %add3A_250 = arith.addi %rem3A_241, %select_n3A_240 : i32
    %select_n3A_251 = arith.select %and3A_249, %add3A_250, %rem3A_241 : i32
    %jit3A_252 = arith.constant 4 : i32
    %div3A_253 = arith.divsi %select_n3A_251, %jit3A_252 : i32
    %sign3A_254 = arith.constant 0 : i32
    %sign3A_255 = arith.cmpi sgt, %select_n3A_251, %sign3A_254 : i32
    %sign3A_256 = arith.extui %sign3A_255 : i1 to i32
    %sign3A_257 = arith.constant 0 : i32
    %sign3A_258 = arith.cmpi slt, %select_n3A_251, %sign3A_257 : i32
    %sign3A_259 = arith.extui %sign3A_258 : i1 to i32
    %sign3A_260 = arith.subi %sign3A_256, %sign3A_259 : i32
    %sign3A_261 = arith.constant 0 : i32
    %sign3A_262 = arith.cmpi sgt, %jit3A_252, %sign3A_261 : i32
    %sign3A_263 = arith.extui %sign3A_262 : i1 to i32
    %sign3A_264 = arith.constant 0 : i32
    %sign3A_265 = arith.cmpi slt, %jit3A_252, %sign3A_264 : i32
    %sign3A_266 = arith.extui %sign3A_265 : i1 to i32
    %sign3A_267 = arith.subi %sign3A_263, %sign3A_266 : i32
    %ne3A_268 = arith.cmpi ne, %sign3A_260, %sign3A_267 : i32
    %rem3A_269 = arith.remsi %select_n3A_251, %jit3A_252 : i32
    %ne3A_270 = arith.constant 0 : i32
    %ne3A_271 = arith.cmpi ne, %rem3A_269, %ne3A_270 : i32
    %and3A_272 = arith.andi %ne3A_268, %ne3A_271 : i1
    %sub3A_273 = arith.constant 1 : i32
    %sub3A_274 = arith.subi %div3A_253, %sub3A_273 : i32
    %select_n3A_275 = arith.select %and3A_272, %sub3A_274, %div3A_253 : i32
    %jit3A_276 = arith.constant 4 : i32
    %eq3A_277 = arith.constant 0 : i32
    %eq3A_278 = arith.cmpi eq, %jit3A_276, %eq3A_277 : i32
    %jit3A_279 = arith.constant 1 : i32
    %select_n3A_280 = arith.select %eq3A_278, %jit3A_279, %jit3A_276 : i32
    %rem3A_281 = arith.remsi %select_n3A_251, %select_n3A_280 : i32
    %ne3A_282 = arith.constant 0 : i32
    %ne3A_283 = arith.cmpi ne, %rem3A_281, %ne3A_282 : i32
    %lt3A_284 = arith.constant 0 : i32
    %lt3A_285 = arith.cmpi slt, %rem3A_281, %lt3A_284 : i32
    %lt3A_286 = arith.constant 0 : i32
    %lt3A_287 = arith.cmpi slt, %select_n3A_280, %lt3A_286 : i32
    %ne3A_288 = arith.xori %lt3A_285, %lt3A_287 : i1
    %and3A_289 = arith.andi %ne3A_288, %ne3A_283 : i1
    %add3A_290 = arith.addi %rem3A_281, %select_n3A_280 : i32
    %select_n3A_291 = arith.select %and3A_289, %add3A_290, %rem3A_281 : i32
    %mul3A_292 = arith.constant 4096 : i32
    %mul3A_293 = arith.muli %select_n3A_291, %mul3A_292 : i32
    %dma_start3A_294 = tpu.memref_slice %arg4[%select_n3A_235, %mul3A_293] : memref<10x16384xi32, #tpu.memory_space<hbm>> -> memref<1x4096xi32, #tpu.memory_space<hbm>>
    %dma_start3A_295 = tpu.memref_squeeze %dma_start3A_294 : memref<1x4096xi32, #tpu.memory_space<hbm>> -> memref<4096xi32, #tpu.memory_space<hbm>>
    %dma_start3A_296 = tpu.memref_slice %arg4[%select_n3A_235, %mul3A_293] : memref<10x16384xi32, #tpu.memory_space<hbm>> -> memref<1x4096xi32, #tpu.memory_space<hbm>>
    %dma_start3A_297 = tpu.memref_squeeze %dma_start3A_296 : memref<1x4096xi32, #tpu.memory_space<hbm>> -> memref<4096xi32, #tpu.memory_space<hbm>>
    tpu.enqueue_dma source(%dma_start3A_297 : memref<4096xi32, #tpu.memory_space<hbm>>) target(%arg11 : memref<4096xi32, #tpu.memory_space<vmem>>) target_semaphore(%arg15 : memref<!tpu.dma_semaphore, #tpu.memory_space<semaphore_mem>>)
    %parallel_loop3A = arith.constant 0 : i32
    %parallel_loop3A_298 = arith.constant 256 : i32
    %parallel_loop3A_299 = arith.constant 1 : i32
    scf.for %parallel_loop3A_1138 = %parallel_loop3A to %parallel_loop3A_298 step %parallel_loop3A_299  : i32 {
      %parallel_loop3A_1139 = arith.constant 16 : i32
      %parallel_loop3A_1140 = arith.muli %parallel_loop3A_1138, %parallel_loop3A_1139 : i32
      %parallel_loop3A_1141 = arith.index_cast %parallel_loop3A_1140 : i32 to index
      %parallel_loop3A_1142 = tpu.vector_load %arg10[%parallel_loop3A_1141] {strides = array<i32>} : memref<4096xi32, #tpu.memory_space<vmem>>, vector<16xi32>,
      %parallel_loop3A_1143 = arith.constant 10 : i32
      %parallel_loop3A_1144 = vector.broadcast %parallel_loop3A_1143 : i32 to vector<16xi32>
      %parallel_loop3A_1145 = arith.muli %parallel_loop3A_1142, %parallel_loop3A_1144 : vector<16xi32>
      %parallel_loop3A_1146 = vector.broadcast %select_n3A_109 : i32 to vector<16xi32>
      %parallel_loop3A_1147 = arith.addi %parallel_loop3A_1145, %parallel_loop3A_1146 : vector<16xi32>
      %parallel_loop3A_1148 = arith.addi %broadcast_in_dim3A, %parallel_loop3A_1147 : vector<16xi32>
      %parallel_loop3A_1149 = arith.constant 31 : i32
      %parallel_loop3A_1150 = vector.broadcast %parallel_loop3A_1149 : i32 to vector<16xi32>
      %parallel_loop3A_1151 = arith.andi %parallel_loop3A_1148, %parallel_loop3A_1150 : vector<16xi32>
      %parallel_loop3A_1152 = tpu.vector_load_idx %arg8[%parallel_loop3A_1147, %parallel_loop3A_1151] : memref<140x32xf32, #tpu.memory_space<vmem>>[vector<16xi32>, vector<16xi32>], vector<16xf32>,
      %parallel_loop3A_1153 = arith.constant 16 : i32
      %parallel_loop3A_1154 = arith.muli %parallel_loop3A_1138, %parallel_loop3A_1153 : i32
      %parallel_loop3A_1155 = arith.constant 0 : i32
      %parallel_loop3A_1156 = arith.index_cast %parallel_loop3A_1155 : i32 to index
      %parallel_loop3A_1157 = arith.index_cast %parallel_loop3A_1154 : i32 to index
      %parallel_loop3A_1158 = tpu.vector_load %arg12[%parallel_loop3A_1156, %parallel_loop3A_1157] {strides = array<i32>} : memref<8x4096xf32, #tpu.memory_space<vmem>>, vector<16xf32>,
      tpu.vector_store %arg12[%parallel_loop3A_1156, %parallel_loop3A_1157], %parallel_loop3A_1152 {strides = array<i32>} : memref<8x4096xf32, #tpu.memory_space<vmem>>, vector<16xf32>,
      %parallel_loop3A_1159 = arith.addi %broadcast_in_dim3A_176, %parallel_loop3A_1147 : vector<16xi32>
      %parallel_loop3A_1160 = arith.constant 31 : i32
      %parallel_loop3A_1161 = vector.broadcast %parallel_loop3A_1160 : i32 to vector<16xi32>
      %parallel_loop3A_1162 = arith.andi %parallel_loop3A_1159, %parallel_loop3A_1161 : vector<16xi32>
      %parallel_loop3A_1163 = tpu.vector_load_idx %arg8[%parallel_loop3A_1147, %parallel_loop3A_1162] : memref<140x32xf32, #tpu.memory_space<vmem>>[vector<16xi32>, vector<16xi32>], vector<16xf32>,
      %parallel_loop3A_1164 = arith.constant 16 : i32
      %parallel_loop3A_1165 = arith.muli %parallel_loop3A_1138, %parallel_loop3A_1164 : i32
      %parallel_loop3A_1166 = arith.constant 1 : i32
      %parallel_loop3A_1167 = arith.index_cast %parallel_loop3A_1166 : i32 to index
      %parallel_loop3A_1168 = arith.index_cast %parallel_loop3A_1165 : i32 to index
      %parallel_loop3A_1169 = tpu.vector_load %arg12[%parallel_loop3A_1167, %parallel_loop3A_1168] {strides = array<i32>} : memref<8x4096xf32, #tpu.memory_space<vmem>>, vector<16xf32>,
      tpu.vector_store %arg12[%parallel_loop3A_1167, %parallel_loop3A_1168], %parallel_loop3A_1163 {strides = array<i32>} : memref<8x4096xf32, #tpu.memory_space<vmem>>, vector<16xf32>,
      %parallel_loop3A_1170 = arith.addi %broadcast_in_dim3A_181, %parallel_loop3A_1147 : vector<16xi32>
      %parallel_loop3A_1171 = arith.constant 31 : i32
      %parallel_loop3A_1172 = vector.broadcast %parallel_loop3A_1171 : i32 to vector<16xi32>
      %parallel_loop3A_1173 = arith.andi %parallel_loop3A_1170, %parallel_loop3A_1172 : vector<16xi32>
      %parallel_loop3A_1174 = tpu.vector_load_idx %arg8[%parallel_loop3A_1147, %parallel_loop3A_1173] : memref<140x32xf32, #tpu.memory_space<vmem>>[vector<16xi32>, vector<16xi32>], vector<16xf32>,
      %parallel_loop3A_1175 = arith.constant 16 : i32
      %parallel_loop3A_1176 = arith.muli %parallel_loop3A_1138, %parallel_loop3A_1175 : i32
      %parallel_loop3A_1177 = arith.constant 2 : i32
      %parallel_loop3A_1178 = arith.index_cast %parallel_loop3A_1177 : i32 to index
      %parallel_loop3A_1179 = arith.index_cast %parallel_loop3A_1176 : i32 to index
      %parallel_loop3A_1180 = tpu.vector_load %arg12[%parallel_loop3A_1178, %parallel_loop3A_1179] {strides = array<i32>} : memref<8x4096xf32, #tpu.memory_space<vmem>>, vector<16xf32>,
      tpu.vector_store %arg12[%parallel_loop3A_1178, %parallel_loop3A_1179], %parallel_loop3A_1174 {strides = array<i32>} : memref<8x4096xf32, #tpu.memory_space<vmem>>, vector<16xf32>,
      %parallel_loop3A_1181 = arith.addi %broadcast_in_dim3A_186, %parallel_loop3A_1147 : vector<16xi32>
      %parallel_loop3A_1182 = arith.constant 31 : i32
      %parallel_loop3A_1183 = vector.broadcast %parallel_loop3A_1182 : i32 to vector<16xi32>
      %parallel_loop3A_1184 = arith.andi %parallel_loop3A_1181, %parallel_loop3A_1183 : vector<16xi32>
      %parallel_loop3A_1185 = tpu.vector_load_idx %arg8[%parallel_loop3A_1147, %parallel_loop3A_1184] : memref<140x32xf32, #tpu.memory_space<vmem>>[vector<16xi32>, vector<16xi32>], vector<16xf32>,
      %parallel_loop3A_1186 = arith.constant 16 : i32
      %parallel_loop3A_1187 = arith.muli %parallel_loop3A_1138, %parallel_loop3A_1186 : i32
      %parallel_loop3A_1188 = arith.constant 3 : i32
      %parallel_loop3A_1189 = arith.index_cast %parallel_loop3A_1188 : i32 to index
      %parallel_loop3A_1190 = arith.index_cast %parallel_loop3A_1187 : i32 to index
      %parallel_loop3A_1191 = tpu.vector_load %arg12[%parallel_loop3A_1189, %parallel_loop3A_1190] {strides = array<i32>} : memref<8x4096xf32, #tpu.memory_space<vmem>>, vector<16xf32>,
      tpu.vector_store %arg12[%parallel_loop3A_1189, %parallel_loop3A_1190], %parallel_loop3A_1185 {strides = array<i32>} : memref<8x4096xf32, #tpu.memory_space<vmem>>, vector<16xf32>,
      %parallel_loop3A_1192 = arith.addi %broadcast_in_dim3A_191, %parallel_loop3A_1147 : vector<16xi32>
      %parallel_loop3A_1193 = arith.constant 31 : i32
      %parallel_loop3A_1194 = vector.broadcast %parallel_loop3A_1193 : i32 to vector<16xi32>
      %parallel_loop3A_1195 = arith.andi %parallel_loop3A_1192, %parallel_loop3A_1194 : vector<16xi32>
      %parallel_loop3A_1196 = tpu.vector_load_idx %arg8[%parallel_loop3A_1147, %parallel_loop3A_1195] : memref<140x32xf32, #tpu.memory_space<vmem>>[vector<16xi32>, vector<16xi32>], vector<16xf32>,
      %parallel_loop3A_1197 = arith.constant 16 : i32
      %parallel_loop3A_1198 = arith.muli %parallel_loop3A_1138, %parallel_loop3A_1197 : i32
      %parallel_loop3A_1199 = arith.constant 4 : i32
      %parallel_loop3A_1200 = arith.index_cast %parallel_loop3A_1199 : i32 to index
      %parallel_loop3A_1201 = arith.index_cast %parallel_loop3A_1198 : i32 to index
      %parallel_loop3A_1202 = tpu.vector_load %arg12[%parallel_loop3A_1200, %parallel_loop3A_1201] {strides = array<i32>} : memref<8x4096xf32, #tpu.memory_space<vmem>>, vector<16xf32>,
      tpu.vector_store %arg12[%parallel_loop3A_1200, %parallel_loop3A_1201], %parallel_loop3A_1196 {strides = array<i32>} : memref<8x4096xf32, #tpu.memory_space<vmem>>, vector<16xf32>,
      %parallel_loop3A_1203 = arith.addi %broadcast_in_dim3A_196, %parallel_loop3A_1147 : vector<16xi32>
      %parallel_loop3A_1204 = arith.constant 31 : i32
      %parallel_loop3A_1205 = vector.broadcast %parallel_loop3A_1204 : i32 to vector<16xi32>
      %parallel_loop3A_1206 = arith.andi %parallel_loop3A_1203, %parallel_loop3A_1205 : vector<16xi32>
      %parallel_loop3A_1207 = tpu.vector_load_idx %arg8[%parallel_loop3A_1147, %parallel_loop3A_1206] : memref<140x32xf32, #tpu.memory_space<vmem>>[vector<16xi32>, vector<16xi32>], vector<16xf32>,
      %parallel_loop3A_1208 = arith.constant 16 : i32
      %parallel_loop3A_1209 = arith.muli %parallel_loop3A_1138, %parallel_loop3A_1208 : i32
      %parallel_loop3A_1210 = arith.constant 5 : i32
      %parallel_loop3A_1211 = arith.index_cast %parallel_loop3A_1210 : i32 to index
      %parallel_loop3A_1212 = arith.index_cast %parallel_loop3A_1209 : i32 to index
      %parallel_loop3A_1213 = tpu.vector_load %arg12[%parallel_loop3A_1211, %parallel_loop3A_1212] {strides = array<i32>} : memref<8x4096xf32, #tpu.memory_space<vmem>>, vector<16xf32>,
      tpu.vector_store %arg12[%parallel_loop3A_1211, %parallel_loop3A_1212], %parallel_loop3A_1207 {strides = array<i32>} : memref<8x4096xf32, #tpu.memory_space<vmem>>, vector<16xf32>,
      %parallel_loop3A_1214 = arith.addi %broadcast_in_dim3A_201, %parallel_loop3A_1147 : vector<16xi32>
      %parallel_loop3A_1215 = arith.constant 31 : i32
      %parallel_loop3A_1216 = vector.broadcast %parallel_loop3A_1215 : i32 to vector<16xi32>
      %parallel_loop3A_1217 = arith.andi %parallel_loop3A_1214, %parallel_loop3A_1216 : vector<16xi32>
      %parallel_loop3A_1218 = tpu.vector_load_idx %arg8[%parallel_loop3A_1147, %parallel_loop3A_1217] : memref<140x32xf32, #tpu.memory_space<vmem>>[vector<16xi32>, vector<16xi32>], vector<16xf32>,
      %parallel_loop3A_1219 = arith.constant 16 : i32
      %parallel_loop3A_1220 = arith.muli %parallel_loop3A_1138, %parallel_loop3A_1219 : i32
      %parallel_loop3A_1221 = arith.constant 6 : i32
      %parallel_loop3A_1222 = arith.index_cast %parallel_loop3A_1221 : i32 to index
      %parallel_loop3A_1223 = arith.index_cast %parallel_loop3A_1220 : i32 to index
      %parallel_loop3A_1224 = tpu.vector_load %arg12[%parallel_loop3A_1222, %parallel_loop3A_1223] {strides = array<i32>} : memref<8x4096xf32, #tpu.memory_space<vmem>>, vector<16xf32>,
      tpu.vector_store %arg12[%parallel_loop3A_1222, %parallel_loop3A_1223], %parallel_loop3A_1218 {strides = array<i32>} : memref<8x4096xf32, #tpu.memory_space<vmem>>, vector<16xf32>,
      %parallel_loop3A_1225 = arith.addi %broadcast_in_dim3A_206, %parallel_loop3A_1147 : vector<16xi32>
      %parallel_loop3A_1226 = arith.constant 31 : i32
      %parallel_loop3A_1227 = vector.broadcast %parallel_loop3A_1226 : i32 to vector<16xi32>
      %parallel_loop3A_1228 = arith.andi %parallel_loop3A_1225, %parallel_loop3A_1227 : vector<16xi32>
      %parallel_loop3A_1229 = tpu.vector_load_idx %arg8[%parallel_loop3A_1147, %parallel_loop3A_1228] : memref<140x32xf32, #tpu.memory_space<vmem>>[vector<16xi32>, vector<16xi32>], vector<16xf32>,
      %parallel_loop3A_1230 = arith.constant 16 : i32
      %parallel_loop3A_1231 = arith.muli %parallel_loop3A_1138, %parallel_loop3A_1230 : i32
      %parallel_loop3A_1232 = arith.constant 7 : i32
      %parallel_loop3A_1233 = arith.index_cast %parallel_loop3A_1232 : i32 to index
      %parallel_loop3A_1234 = arith.index_cast %parallel_loop3A_1231 : i32 to index
      %parallel_loop3A_1235 = tpu.vector_load %arg12[%parallel_loop3A_1233, %parallel_loop3A_1234] {strides = array<i32>} : memref<8x4096xf32, #tpu.memory_space<vmem>>, vector<16xf32>,
      tpu.vector_store %arg12[%parallel_loop3A_1233, %parallel_loop3A_1234], %parallel_loop3A_1229 {strides = array<i32>} : memref<8x4096xf32, #tpu.memory_space<vmem>>, vector<16xf32>,
    } {sc.loop_unroll_factor = 2 : i64, sc.parallel_access}
    %mul3A_300 = arith.constant 8 : i32
    %mul3A_301 = arith.muli %select_n3A_149, %mul3A_300 : i32
    %dma_start3A_302 = tpu.memref_slice %arg5[%select_n3A_109, %mul3A_301, %mul3A_167] : memref<10x32x16384xf32, #tpu.memory_space<hbm>> -> memref<1x8x4096xf32, #tpu.memory_space<hbm>>
    %dma_start3A_303 = tpu.memref_squeeze %dma_start3A_302 : memref<1x8x4096xf32, #tpu.memory_space<hbm>> -> memref<8x4096xf32, #tpu.memory_space<hbm>>
    %dma_start3A_304 = tpu.memref_slice %arg5[%select_n3A_109, %mul3A_301, %mul3A_167] : memref<10x32x16384xf32, #tpu.memory_space<hbm>> -> memref<1x8x4096xf32, #tpu.memory_space<hbm>>
    %dma_start3A_305 = tpu.memref_squeeze %dma_start3A_304 : memref<1x8x4096xf32, #tpu.memory_space<hbm>> -> memref<8x4096xf32, #tpu.memory_space<hbm>>
    tpu.enqueue_dma source(%arg12 : memref<8x4096xf32, #tpu.memory_space<vmem>>) target(%dma_start3A_305 : memref<8x4096xf32, #tpu.memory_space<hbm>>) target_semaphore(%arg16 : memref<!tpu.dma_semaphore, #tpu.memory_space<semaphore_mem>>)
    %add3A_306 = arith.constant 32 : i32
    %add3A_307 = arith.addi %add3A_306, %add3A : i32
    %jit3A_308 = arith.constant 16 : i32
    %div3A_309 = arith.divsi %add3A_307, %jit3A_308 : i32
    %sign3A_310 = arith.constant 0 : i32
    %sign3A_311 = arith.cmpi sgt, %add3A_307, %sign3A_310 : i32
    %sign3A_312 = arith.extui %sign3A_311 : i1 to i32
    %sign3A_313 = arith.constant 0 : i32
    %sign3A_314 = arith.cmpi slt, %add3A_307, %sign3A_313 : i32
    %sign3A_315 = arith.extui %sign3A_314 : i1 to i32
    %sign3A_316 = arith.subi %sign3A_312, %sign3A_315 : i32
    %sign3A_317 = arith.constant 0 : i32
    %sign3A_318 = arith.cmpi sgt, %jit3A_308, %sign3A_317 : i32
    %sign3A_319 = arith.extui %sign3A_318 : i1 to i32
    %sign3A_320 = arith.constant 0 : i32
    %sign3A_321 = arith.cmpi slt, %jit3A_308, %sign3A_320 : i32
    %sign3A_322 = arith.extui %sign3A_321 : i1 to i32
    %sign3A_323 = arith.subi %sign3A_319, %sign3A_322 : i32
    %ne3A_324 = arith.cmpi ne, %sign3A_316, %sign3A_323 : i32
    %rem3A_325 = arith.remsi %add3A_307, %jit3A_308 : i32
    %ne3A_326 = arith.constant 0 : i32
    %ne3A_327 = arith.cmpi ne, %rem3A_325, %ne3A_326 : i32
    %and3A_328 = arith.andi %ne3A_324, %ne3A_327 : i1
    %sub3A_329 = arith.constant 1 : i32
    %sub3A_330 = arith.subi %div3A_309, %sub3A_329 : i32
    %select_n3A_331 = arith.select %and3A_328, %sub3A_330, %div3A_309 : i32
    %jit3A_332 = arith.constant 16 : i32
    %eq3A_333 = arith.constant 0 : i32
    %eq3A_334 = arith.cmpi eq, %jit3A_332, %eq3A_333 : i32
    %jit3A_335 = arith.constant 1 : i32
    %select_n3A_336 = arith.select %eq3A_334, %jit3A_335, %jit3A_332 : i32
    %rem3A_337 = arith.remsi %add3A_307, %select_n3A_336 : i32
    %ne3A_338 = arith.constant 0 : i32
    %ne3A_339 = arith.cmpi ne, %rem3A_337, %ne3A_338 : i32
    %lt3A_340 = arith.constant 0 : i32
    %lt3A_341 = arith.cmpi slt, %rem3A_337, %lt3A_340 : i32
    %lt3A_342 = arith.constant 0 : i32
    %lt3A_343 = arith.cmpi slt, %select_n3A_336, %lt3A_342 : i32
    %ne3A_344 = arith.xori %lt3A_341, %lt3A_343 : i1
    %and3A_345 = arith.andi %ne3A_344, %ne3A_339 : i1
    %add3A_346 = arith.addi %rem3A_337, %select_n3A_336 : i32
    %select_n3A_347 = arith.select %and3A_345, %add3A_346, %rem3A_337 : i32
    %jit3A_348 = arith.constant 4 : i32
    %div3A_349 = arith.divsi %select_n3A_347, %jit3A_348 : i32
    %sign3A_350 = arith.constant 0 : i32
    %sign3A_351 = arith.cmpi sgt, %select_n3A_347, %sign3A_350 : i32
    %sign3A_352 = arith.extui %sign3A_351 : i1 to i32
    %sign3A_353 = arith.constant 0 : i32
    %sign3A_354 = arith.cmpi slt, %select_n3A_347, %sign3A_353 : i32
    %sign3A_355 = arith.extui %sign3A_354 : i1 to i32
    %sign3A_356 = arith.subi %sign3A_352, %sign3A_355 : i32
    %sign3A_357 = arith.constant 0 : i32
    %sign3A_358 = arith.cmpi sgt, %jit3A_348, %sign3A_357 : i32
    %sign3A_359 = arith.extui %sign3A_358 : i1 to i32
    %sign3A_360 = arith.constant 0 : i32
    %sign3A_361 = arith.cmpi slt, %jit3A_348, %sign3A_360 : i32
    %sign3A_362 = arith.extui %sign3A_361 : i1 to i32
    %sign3A_363 = arith.subi %sign3A_359, %sign3A_362 : i32
    %ne3A_364 = arith.cmpi ne, %sign3A_356, %sign3A_363 : i32
    %rem3A_365 = arith.remsi %select_n3A_347, %jit3A_348 : i32
    %ne3A_366 = arith.constant 0 : i32
    %ne3A_367 = arith.cmpi ne, %rem3A_365, %ne3A_366 : i32
    %and3A_368 = arith.andi %ne3A_364, %ne3A_367 : i1
    %sub3A_369 = arith.constant 1 : i32
    %sub3A_370 = arith.subi %div3A_349, %sub3A_369 : i32
    %select_n3A_371 = arith.select %and3A_368, %sub3A_370, %div3A_349 : i32
    %jit3A_372 = arith.constant 4 : i32
    %eq3A_373 = arith.constant 0 : i32
    %eq3A_374 = arith.cmpi eq, %jit3A_372, %eq3A_373 : i32
    %jit3A_375 = arith.constant 1 : i32
    %select_n3A_376 = arith.select %eq3A_374, %jit3A_375, %jit3A_372 : i32
    %rem3A_377 = arith.remsi %select_n3A_347, %select_n3A_376 : i32
    %ne3A_378 = arith.constant 0 : i32
    %ne3A_379 = arith.cmpi ne, %rem3A_377, %ne3A_378 : i32
    %lt3A_380 = arith.constant 0 : i32
    %lt3A_381 = arith.cmpi slt, %rem3A_377, %lt3A_380 : i32
    %lt3A_382 = arith.constant 0 : i32
    %lt3A_383 = arith.cmpi slt, %select_n3A_376, %lt3A_382 : i32
    %ne3A_384 = arith.xori %lt3A_381, %lt3A_383 : i1
    %and3A_385 = arith.andi %ne3A_384, %ne3A_379 : i1
    %add3A_386 = arith.addi %rem3A_377, %select_n3A_376 : i32
    %select_n3A_387 = arith.select %and3A_385, %add3A_386, %rem3A_377 : i32
    %mul3A_388 = arith.constant 4096 : i32
    %mul3A_389 = arith.muli %select_n3A_387, %mul3A_388 : i32
    %mul3A_390 = arith.constant 8 : i32
    %mul3A_391 = arith.muli %select_n3A_371, %mul3A_390 : i32
    %add3A_392 = arith.constant 0 : i32
    %add3A_393 = arith.addi %mul3A_391, %add3A_392 : i32
    %broadcast_in_dim3A_394 = vector.broadcast %add3A_393 : i32 to vector<16xi32>
    %mul3A_395 = arith.constant 8 : i32
    %mul3A_396 = arith.muli %select_n3A_371, %mul3A_395 : i32
    %add3A_397 = arith.constant 1 : i32
    %add3A_398 = arith.addi %mul3A_396, %add3A_397 : i32
    %broadcast_in_dim3A_399 = vector.broadcast %add3A_398 : i32 to vector<16xi32>
    %mul3A_400 = arith.constant 8 : i32
    %mul3A_401 = arith.muli %select_n3A_371, %mul3A_400 : i32
    %add3A_402 = arith.constant 2 : i32
    %add3A_403 = arith.addi %mul3A_401, %add3A_402 : i32
    %broadcast_in_dim3A_404 = vector.broadcast %add3A_403 : i32 to vector<16xi32>
    %mul3A_405 = arith.constant 8 : i32
    %mul3A_406 = arith.muli %select_n3A_371, %mul3A_405 : i32
    %add3A_407 = arith.constant 3 : i32
    %add3A_408 = arith.addi %mul3A_406, %add3A_407 : i32
    %broadcast_in_dim3A_409 = vector.broadcast %add3A_408 : i32 to vector<16xi32>
    %mul3A_410 = arith.constant 8 : i32
    %mul3A_411 = arith.muli %select_n3A_371, %mul3A_410 : i32
    %add3A_412 = arith.constant 4 : i32
    %add3A_413 = arith.addi %mul3A_411, %add3A_412 : i32
    %broadcast_in_dim3A_414 = vector.broadcast %add3A_413 : i32 to vector<16xi32>
    %mul3A_415 = arith.constant 8 : i32
    %mul3A_416 = arith.muli %select_n3A_371, %mul3A_415 : i32
    %add3A_417 = arith.constant 5 : i32
    %add3A_418 = arith.addi %mul3A_416, %add3A_417 : i32
    %broadcast_in_dim3A_419 = vector.broadcast %add3A_418 : i32 to vector<16xi32>
    %mul3A_420 = arith.constant 8 : i32
    %mul3A_421 = arith.muli %select_n3A_371, %mul3A_420 : i32
    %add3A_422 = arith.constant 6 : i32
    %add3A_423 = arith.addi %mul3A_421, %add3A_422 : i32
    %broadcast_in_dim3A_424 = vector.broadcast %add3A_423 : i32 to vector<16xi32>
    %mul3A_425 = arith.constant 8 : i32
    %mul3A_426 = arith.muli %select_n3A_371, %mul3A_425 : i32
    %add3A_427 = arith.constant 7 : i32
    %add3A_428 = arith.addi %mul3A_426, %add3A_427 : i32
    %broadcast_in_dim3A_429 = vector.broadcast %add3A_428 : i32 to vector<16xi32>
    %dma_wait3A_430 = tpu.memref_slice %arg4[%select_n3A_235, %mul3A_293] : memref<10x16384xi32, #tpu.memory_space<hbm>> -> memref<1x4096xi32, #tpu.memory_space<hbm>>
    %dma_wait3A_431 = tpu.memref_squeeze %dma_wait3A_430 : memref<1x4096xi32, #tpu.memory_space<hbm>> -> memref<4096xi32, #tpu.memory_space<hbm>>
    %dma_wait3A_432 = tpu.memref_slice %arg4[%select_n3A_235, %mul3A_293] : memref<10x16384xi32, #tpu.memory_space<hbm>> -> memref<1x4096xi32, #tpu.memory_space<hbm>>
    %dma_wait3A_433 = tpu.memref_squeeze %dma_wait3A_432 : memref<1x4096xi32, #tpu.memory_space<hbm>> -> memref<4096xi32, #tpu.memory_space<hbm>>
    tpu.wait_dma2 semaphore(%arg15 : memref<!tpu.dma_semaphore, #tpu.memory_space<semaphore_mem>>) src(%dma_wait3A_433 : memref<4096xi32, #tpu.memory_space<hbm>>) dst(%arg11 : memref<4096xi32, #tpu.memory_space<vmem>>)
    %add3A_434 = arith.constant 64 : i32
    %add3A_435 = arith.addi %add3A_434, %add3A : i32
    %jit3A_436 = arith.constant 16 : i32
    %div3A_437 = arith.divsi %add3A_435, %jit3A_436 : i32
    %sign3A_438 = arith.constant 0 : i32
    %sign3A_439 = arith.cmpi sgt, %add3A_435, %sign3A_438 : i32
    %sign3A_440 = arith.extui %sign3A_439 : i1 to i32
    %sign3A_441 = arith.constant 0 : i32
    %sign3A_442 = arith.cmpi slt, %add3A_435, %sign3A_441 : i32
    %sign3A_443 = arith.extui %sign3A_442 : i1 to i32
    %sign3A_444 = arith.subi %sign3A_440, %sign3A_443 : i32
    %sign3A_445 = arith.constant 0 : i32
    %sign3A_446 = arith.cmpi sgt, %jit3A_436, %sign3A_445 : i32
    %sign3A_447 = arith.extui %sign3A_446 : i1 to i32
    %sign3A_448 = arith.constant 0 : i32
    %sign3A_449 = arith.cmpi slt, %jit3A_436, %sign3A_448 : i32
    %sign3A_450 = arith.extui %sign3A_449 : i1 to i32
    %sign3A_451 = arith.subi %sign3A_447, %sign3A_450 : i32
    %ne3A_452 = arith.cmpi ne, %sign3A_444, %sign3A_451 : i32
    %rem3A_453 = arith.remsi %add3A_435, %jit3A_436 : i32
    %ne3A_454 = arith.constant 0 : i32
    %ne3A_455 = arith.cmpi ne, %rem3A_453, %ne3A_454 : i32
    %and3A_456 = arith.andi %ne3A_452, %ne3A_455 : i1
    %sub3A_457 = arith.constant 1 : i32
    %sub3A_458 = arith.subi %div3A_437, %sub3A_457 : i32
    %select_n3A_459 = arith.select %and3A_456, %sub3A_458, %div3A_437 : i32
    %jit3A_460 = arith.constant 16 : i32
    %eq3A_461 = arith.constant 0 : i32
    %eq3A_462 = arith.cmpi eq, %jit3A_460, %eq3A_461 : i32
    %jit3A_463 = arith.constant 1 : i32
    %select_n3A_464 = arith.select %eq3A_462, %jit3A_463, %jit3A_460 : i32
    %rem3A_465 = arith.remsi %add3A_435, %select_n3A_464 : i32
    %ne3A_466 = arith.constant 0 : i32
    %ne3A_467 = arith.cmpi ne, %rem3A_465, %ne3A_466 : i32
    %lt3A_468 = arith.constant 0 : i32
    %lt3A_469 = arith.cmpi slt, %rem3A_465, %lt3A_468 : i32
    %lt3A_470 = arith.constant 0 : i32
    %lt3A_471 = arith.cmpi slt, %select_n3A_464, %lt3A_470 : i32
    %ne3A_472 = arith.xori %lt3A_469, %lt3A_471 : i1
    %and3A_473 = arith.andi %ne3A_472, %ne3A_467 : i1
    %add3A_474 = arith.addi %rem3A_465, %select_n3A_464 : i32
    %select_n3A_475 = arith.select %and3A_473, %add3A_474, %rem3A_465 : i32
    %jit3A_476 = arith.constant 4 : i32
    %div3A_477 = arith.divsi %select_n3A_475, %jit3A_476 : i32
    %sign3A_478 = arith.constant 0 : i32
    %sign3A_479 = arith.cmpi sgt, %select_n3A_475, %sign3A_478 : i32
    %sign3A_480 = arith.extui %sign3A_479 : i1 to i32
    %sign3A_481 = arith.constant 0 : i32
    %sign3A_482 = arith.cmpi slt, %select_n3A_475, %sign3A_481 : i32
    %sign3A_483 = arith.extui %sign3A_482 : i1 to i32
    %sign3A_484 = arith.subi %sign3A_480, %sign3A_483 : i32
    %sign3A_485 = arith.constant 0 : i32
    %sign3A_486 = arith.cmpi sgt, %jit3A_476, %sign3A_485 : i32
    %sign3A_487 = arith.extui %sign3A_486 : i1 to i32
    %sign3A_488 = arith.constant 0 : i32
    %sign3A_489 = arith.cmpi slt, %jit3A_476, %sign3A_488 : i32
    %sign3A_490 = arith.extui %sign3A_489 : i1 to i32
    %sign3A_491 = arith.subi %sign3A_487, %sign3A_490 : i32
    %ne3A_492 = arith.cmpi ne, %sign3A_484, %sign3A_491 : i32
    %rem3A_493 = arith.remsi %select_n3A_475, %jit3A_476 : i32
    %ne3A_494 = arith.constant 0 : i32
    %ne3A_495 = arith.cmpi ne, %rem3A_493, %ne3A_494 : i32
    %and3A_496 = arith.andi %ne3A_492, %ne3A_495 : i1
    %sub3A_497 = arith.constant 1 : i32
    %sub3A_498 = arith.subi %div3A_477, %sub3A_497 : i32
    %select_n3A_499 = arith.select %and3A_496, %sub3A_498, %div3A_477 : i32
    %jit3A_500 = arith.constant 4 : i32
    %eq3A_501 = arith.constant 0 : i32
    %eq3A_502 = arith.cmpi eq, %jit3A_500, %eq3A_501 : i32
    %jit3A_503 = arith.constant 1 : i32
    %select_n3A_504 = arith.select %eq3A_502, %jit3A_503, %jit3A_500 : i32
    %rem3A_505 = arith.remsi %select_n3A_475, %select_n3A_504 : i32
    %ne3A_506 = arith.constant 0 : i32
    %ne3A_507 = arith.cmpi ne, %rem3A_505, %ne3A_506 : i32
    %lt3A_508 = arith.constant 0 : i32
    %lt3A_509 = arith.cmpi slt, %rem3A_505, %lt3A_508 : i32
    %lt3A_510 = arith.constant 0 : i32
    %lt3A_511 = arith.cmpi slt, %select_n3A_504, %lt3A_510 : i32
    %ne3A_512 = arith.xori %lt3A_509, %lt3A_511 : i1
    %and3A_513 = arith.andi %ne3A_512, %ne3A_507 : i1
    %add3A_514 = arith.addi %rem3A_505, %select_n3A_504 : i32
    %select_n3A_515 = arith.select %and3A_513, %add3A_514, %rem3A_505 : i32
    %mul3A_516 = arith.constant 4096 : i32
    %mul3A_517 = arith.muli %select_n3A_515, %mul3A_516 : i32
    %dma_start3A_518 = tpu.memref_slice %arg4[%select_n3A_459, %mul3A_517] : memref<10x16384xi32, #tpu.memory_space<hbm>> -> memref<1x4096xi32, #tpu.memory_space<hbm>>
    %dma_start3A_519 = tpu.memref_squeeze %dma_start3A_518 : memref<1x4096xi32, #tpu.memory_space<hbm>> -> memref<4096xi32, #tpu.memory_space<hbm>>
    %dma_start3A_520 = tpu.memref_slice %arg4[%select_n3A_459, %mul3A_517] : memref<10x16384xi32, #tpu.memory_space<hbm>> -> memref<1x4096xi32, #tpu.memory_space<hbm>>
    %dma_start3A_521 = tpu.memref_squeeze %dma_start3A_520 : memref<1x4096xi32, #tpu.memory_space<hbm>> -> memref<4096xi32, #tpu.memory_space<hbm>>
    tpu.enqueue_dma source(%dma_start3A_521 : memref<4096xi32, #tpu.memory_space<hbm>>) target(%arg10 : memref<4096xi32, #tpu.memory_space<vmem>>) target_semaphore(%arg14 : memref<!tpu.dma_semaphore, #tpu.memory_space<semaphore_mem>>)
    %parallel_loop3A_522 = arith.constant 0 : i32
    %parallel_loop3A_523 = arith.constant 256 : i32
    %parallel_loop3A_524 = arith.constant 1 : i32
    scf.for %parallel_loop3A_1138 = %parallel_loop3A_522 to %parallel_loop3A_523 step %parallel_loop3A_524  : i32 {
      %parallel_loop3A_1139 = arith.constant 16 : i32
      %parallel_loop3A_1140 = arith.muli %parallel_loop3A_1138, %parallel_loop3A_1139 : i32
      %parallel_loop3A_1141 = arith.index_cast %parallel_loop3A_1140 : i32 to index
      %parallel_loop3A_1142 = tpu.vector_load %arg11[%parallel_loop3A_1141] {strides = array<i32>} : memref<4096xi32, #tpu.memory_space<vmem>>, vector<16xi32>,
      %parallel_loop3A_1143 = arith.constant 10 : i32
      %parallel_loop3A_1144 = vector.broadcast %parallel_loop3A_1143 : i32 to vector<16xi32>
      %parallel_loop3A_1145 = arith.muli %parallel_loop3A_1142, %parallel_loop3A_1144 : vector<16xi32>
      %parallel_loop3A_1146 = vector.broadcast %select_n3A_331 : i32 to vector<16xi32>
      %parallel_loop3A_1147 = arith.addi %parallel_loop3A_1145, %parallel_loop3A_1146 : vector<16xi32>
      %parallel_loop3A_1148 = arith.addi %broadcast_in_dim3A_394, %parallel_loop3A_1147 : vector<16xi32>
      %parallel_loop3A_1149 = arith.constant 31 : i32
      %parallel_loop3A_1150 = vector.broadcast %parallel_loop3A_1149 : i32 to vector<16xi32>
      %parallel_loop3A_1151 = arith.andi %parallel_loop3A_1148, %parallel_loop3A_1150 : vector<16xi32>
      %parallel_loop3A_1152 = tpu.vector_load_idx %arg8[%parallel_loop3A_1147, %parallel_loop3A_1151] : memref<140x32xf32, #tpu.memory_space<vmem>>[vector<16xi32>, vector<16xi32>], vector<16xf32>,
      %parallel_loop3A_1153 = arith.constant 16 : i32
      %parallel_loop3A_1154 = arith.muli %parallel_loop3A_1138, %parallel_loop3A_1153 : i32
      %parallel_loop3A_1155 = arith.constant 0 : i32
      %parallel_loop3A_1156 = arith.index_cast %parallel_loop3A_1155 : i32 to index
      %parallel_loop3A_1157 = arith.index_cast %parallel_loop3A_1154 : i32 to index
      %parallel_loop3A_1158 = tpu.vector_load %arg13[%parallel_loop3A_1156, %parallel_loop3A_1157] {strides = array<i32>} : memref<8x4096xf32, #tpu.memory_space<vmem>>, vector<16xf32>,
      tpu.vector_store %arg13[%parallel_loop3A_1156, %parallel_loop3A_1157], %parallel_loop3A_1152 {strides = array<i32>} : memref<8x4096xf32, #tpu.memory_space<vmem>>, vector<16xf32>,
      %parallel_loop3A_1159 = arith.addi %broadcast_in_dim3A_399, %parallel_loop3A_1147 : vector<16xi32>
      %parallel_loop3A_1160 = arith.constant 31 : i32
      %parallel_loop3A_1161 = vector.broadcast %parallel_loop3A_1160 : i32 to vector<16xi32>
      %parallel_loop3A_1162 = arith.andi %parallel_loop3A_1159, %parallel_loop3A_1161 : vector<16xi32>
      %parallel_loop3A_1163 = tpu.vector_load_idx %arg8[%parallel_loop3A_1147, %parallel_loop3A_1162] : memref<140x32xf32, #tpu.memory_space<vmem>>[vector<16xi32>, vector<16xi32>], vector<16xf32>,
      %parallel_loop3A_1164 = arith.constant 16 : i32
      %parallel_loop3A_1165 = arith.muli %parallel_loop3A_1138, %parallel_loop3A_1164 : i32
      %parallel_loop3A_1166 = arith.constant 1 : i32
      %parallel_loop3A_1167 = arith.index_cast %parallel_loop3A_1166 : i32 to index
      %parallel_loop3A_1168 = arith.index_cast %parallel_loop3A_1165 : i32 to index
      %parallel_loop3A_1169 = tpu.vector_load %arg13[%parallel_loop3A_1167, %parallel_loop3A_1168] {strides = array<i32>} : memref<8x4096xf32, #tpu.memory_space<vmem>>, vector<16xf32>,
      tpu.vector_store %arg13[%parallel_loop3A_1167, %parallel_loop3A_1168], %parallel_loop3A_1163 {strides = array<i32>} : memref<8x4096xf32, #tpu.memory_space<vmem>>, vector<16xf32>,
      %parallel_loop3A_1170 = arith.addi %broadcast_in_dim3A_404, %parallel_loop3A_1147 : vector<16xi32>
      %parallel_loop3A_1171 = arith.constant 31 : i32
      %parallel_loop3A_1172 = vector.broadcast %parallel_loop3A_1171 : i32 to vector<16xi32>
      %parallel_loop3A_1173 = arith.andi %parallel_loop3A_1170, %parallel_loop3A_1172 : vector<16xi32>
      %parallel_loop3A_1174 = tpu.vector_load_idx %arg8[%parallel_loop3A_1147, %parallel_loop3A_1173] : memref<140x32xf32, #tpu.memory_space<vmem>>[vector<16xi32>, vector<16xi32>], vector<16xf32>,
      %parallel_loop3A_1175 = arith.constant 16 : i32
      %parallel_loop3A_1176 = arith.muli %parallel_loop3A_1138, %parallel_loop3A_1175 : i32
      %parallel_loop3A_1177 = arith.constant 2 : i32
      %parallel_loop3A_1178 = arith.index_cast %parallel_loop3A_1177 : i32 to index
      %parallel_loop3A_1179 = arith.index_cast %parallel_loop3A_1176 : i32 to index
      %parallel_loop3A_1180 = tpu.vector_load %arg13[%parallel_loop3A_1178, %parallel_loop3A_1179] {strides = array<i32>} : memref<8x4096xf32, #tpu.memory_space<vmem>>, vector<16xf32>,
      tpu.vector_store %arg13[%parallel_loop3A_1178, %parallel_loop3A_1179], %parallel_loop3A_1174 {strides = array<i32>} : memref<8x4096xf32, #tpu.memory_space<vmem>>, vector<16xf32>,
      %parallel_loop3A_1181 = arith.addi %broadcast_in_dim3A_409, %parallel_loop3A_1147 : vector<16xi32>
      %parallel_loop3A_1182 = arith.constant 31 : i32
      %parallel_loop3A_1183 = vector.broadcast %parallel_loop3A_1182 : i32 to vector<16xi32>
      %parallel_loop3A_1184 = arith.andi %parallel_loop3A_1181, %parallel_loop3A_1183 : vector<16xi32>
      %parallel_loop3A_1185 = tpu.vector_load_idx %arg8[%parallel_loop3A_1147, %parallel_loop3A_1184] : memref<140x32xf32, #tpu.memory_space<vmem>>[vector<16xi32>, vector<16xi32>], vector<16xf32>,
      %parallel_loop3A_1186 = arith.constant 16 : i32
      %parallel_loop3A_1187 = arith.muli %parallel_loop3A_1138, %parallel_loop3A_1186 : i32
      %parallel_loop3A_1188 = arith.constant 3 : i32
      %parallel_loop3A_1189 = arith.index_cast %parallel_loop3A_1188 : i32 to index
      %parallel_loop3A_1190 = arith.index_cast %parallel_loop3A_1187 : i32 to index
      %parallel_loop3A_1191 = tpu.vector_load %arg13[%parallel_loop3A_1189, %parallel_loop3A_1190] {strides = array<i32>} : memref<8x4096xf32, #tpu.memory_space<vmem>>, vector<16xf32>,
      tpu.vector_store %arg13[%parallel_loop3A_1189, %parallel_loop3A_1190], %parallel_loop3A_1185 {strides = array<i32>} : memref<8x4096xf32, #tpu.memory_space<vmem>>, vector<16xf32>,
      %parallel_loop3A_1192 = arith.addi %broadcast_in_dim3A_414, %parallel_loop3A_1147 : vector<16xi32>
      %parallel_loop3A_1193 = arith.constant 31 : i32
      %parallel_loop3A_1194 = vector.broadcast %parallel_loop3A_1193 : i32 to vector<16xi32>
      %parallel_loop3A_1195 = arith.andi %parallel_loop3A_1192, %parallel_loop3A_1194 : vector<16xi32>
      %parallel_loop3A_1196 = tpu.vector_load_idx %arg8[%parallel_loop3A_1147, %parallel_loop3A_1195] : memref<140x32xf32, #tpu.memory_space<vmem>>[vector<16xi32>, vector<16xi32>], vector<16xf32>,
      %parallel_loop3A_1197 = arith.constant 16 : i32
      %parallel_loop3A_1198 = arith.muli %parallel_loop3A_1138, %parallel_loop3A_1197 : i32
      %parallel_loop3A_1199 = arith.constant 4 : i32
      %parallel_loop3A_1200 = arith.index_cast %parallel_loop3A_1199 : i32 to index
      %parallel_loop3A_1201 = arith.index_cast %parallel_loop3A_1198 : i32 to index
      %parallel_loop3A_1202 = tpu.vector_load %arg13[%parallel_loop3A_1200, %parallel_loop3A_1201] {strides = array<i32>} : memref<8x4096xf32, #tpu.memory_space<vmem>>, vector<16xf32>,
      tpu.vector_store %arg13[%parallel_loop3A_1200, %parallel_loop3A_1201], %parallel_loop3A_1196 {strides = array<i32>} : memref<8x4096xf32, #tpu.memory_space<vmem>>, vector<16xf32>,
      %parallel_loop3A_1203 = arith.addi %broadcast_in_dim3A_419, %parallel_loop3A_1147 : vector<16xi32>
      %parallel_loop3A_1204 = arith.constant 31 : i32
      %parallel_loop3A_1205 = vector.broadcast %parallel_loop3A_1204 : i32 to vector<16xi32>
      %parallel_loop3A_1206 = arith.andi %parallel_loop3A_1203, %parallel_loop3A_1205 : vector<16xi32>
      %parallel_loop3A_1207 = tpu.vector_load_idx %arg8[%parallel_loop3A_1147, %parallel_loop3A_1206] : memref<140x32xf32, #tpu.memory_space<vmem>>[vector<16xi32>, vector<16xi32>], vector<16xf32>,
      %parallel_loop3A_1208 = arith.constant 16 : i32
      %parallel_loop3A_1209 = arith.muli %parallel_loop3A_1138, %parallel_loop3A_1208 : i32
      %parallel_loop3A_1210 = arith.constant 5 : i32
      %parallel_loop3A_1211 = arith.index_cast %parallel_loop3A_1210 : i32 to index
      %parallel_loop3A_1212 = arith.index_cast %parallel_loop3A_1209 : i32 to index
      %parallel_loop3A_1213 = tpu.vector_load %arg13[%parallel_loop3A_1211, %parallel_loop3A_1212] {strides = array<i32>} : memref<8x4096xf32, #tpu.memory_space<vmem>>, vector<16xf32>,
      tpu.vector_store %arg13[%parallel_loop3A_1211, %parallel_loop3A_1212], %parallel_loop3A_1207 {strides = array<i32>} : memref<8x4096xf32, #tpu.memory_space<vmem>>, vector<16xf32>,
      %parallel_loop3A_1214 = arith.addi %broadcast_in_dim3A_424, %parallel_loop3A_1147 : vector<16xi32>
      %parallel_loop3A_1215 = arith.constant 31 : i32
      %parallel_loop3A_1216 = vector.broadcast %parallel_loop3A_1215 : i32 to vector<16xi32>
      %parallel_loop3A_1217 = arith.andi %parallel_loop3A_1214, %parallel_loop3A_1216 : vector<16xi32>
      %parallel_loop3A_1218 = tpu.vector_load_idx %arg8[%parallel_loop3A_1147, %parallel_loop3A_1217] : memref<140x32xf32, #tpu.memory_space<vmem>>[vector<16xi32>, vector<16xi32>], vector<16xf32>,
      %parallel_loop3A_1219 = arith.constant 16 : i32
      %parallel_loop3A_1220 = arith.muli %parallel_loop3A_1138, %parallel_loop3A_1219 : i32
      %parallel_loop3A_1221 = arith.constant 6 : i32
      %parallel_loop3A_1222 = arith.index_cast %parallel_loop3A_1221 : i32 to index
      %parallel_loop3A_1223 = arith.index_cast %parallel_loop3A_1220 : i32 to index
      %parallel_loop3A_1224 = tpu.vector_load %arg13[%parallel_loop3A_1222, %parallel_loop3A_1223] {strides = array<i32>} : memref<8x4096xf32, #tpu.memory_space<vmem>>, vector<16xf32>,
      tpu.vector_store %arg13[%parallel_loop3A_1222, %parallel_loop3A_1223], %parallel_loop3A_1218 {strides = array<i32>} : memref<8x4096xf32, #tpu.memory_space<vmem>>, vector<16xf32>,
      %parallel_loop3A_1225 = arith.addi %broadcast_in_dim3A_429, %parallel_loop3A_1147 : vector<16xi32>
      %parallel_loop3A_1226 = arith.constant 31 : i32
      %parallel_loop3A_1227 = vector.broadcast %parallel_loop3A_1226 : i32 to vector<16xi32>
      %parallel_loop3A_1228 = arith.andi %parallel_loop3A_1225, %parallel_loop3A_1227 : vector<16xi32>
      %parallel_loop3A_1229 = tpu.vector_load_idx %arg8[%parallel_loop3A_1147, %parallel_loop3A_1228] : memref<140x32xf32, #tpu.memory_space<vmem>>[vector<16xi32>, vector<16xi32>], vector<16xf32>,
      %parallel_loop3A_1230 = arith.constant 16 : i32
      %parallel_loop3A_1231 = arith.muli %parallel_loop3A_1138, %parallel_loop3A_1230 : i32
      %parallel_loop3A_1232 = arith.constant 7 : i32
      %parallel_loop3A_1233 = arith.index_cast %parallel_loop3A_1232 : i32 to index
      %parallel_loop3A_1234 = arith.index_cast %parallel_loop3A_1231 : i32 to index
      %parallel_loop3A_1235 = tpu.vector_load %arg13[%parallel_loop3A_1233, %parallel_loop3A_1234] {strides = array<i32>} : memref<8x4096xf32, #tpu.memory_space<vmem>>, vector<16xf32>,
      tpu.vector_store %arg13[%parallel_loop3A_1233, %parallel_loop3A_1234], %parallel_loop3A_1229 {strides = array<i32>} : memref<8x4096xf32, #tpu.memory_space<vmem>>, vector<16xf32>,
    } {sc.loop_unroll_factor = 2 : i64, sc.parallel_access}
    %mul3A_525 = arith.constant 8 : i32
    %mul3A_526 = arith.muli %select_n3A_371, %mul3A_525 : i32
    %dma_start3A_527 = tpu.memref_slice %arg5[%select_n3A_331, %mul3A_526, %mul3A_389] : memref<10x32x16384xf32, #tpu.memory_space<hbm>> -> memref<1x8x4096xf32, #tpu.memory_space<hbm>>
    %dma_start3A_528 = tpu.memref_squeeze %dma_start3A_527 : memref<1x8x4096xf32, #tpu.memory_space<hbm>> -> memref<8x4096xf32, #tpu.memory_space<hbm>>
    %dma_start3A_529 = tpu.memref_slice %arg5[%select_n3A_331, %mul3A_526, %mul3A_389] : memref<10x32x16384xf32, #tpu.memory_space<hbm>> -> memref<1x8x4096xf32, #tpu.memory_space<hbm>>
    %dma_start3A_530 = tpu.memref_squeeze %dma_start3A_529 : memref<1x8x4096xf32, #tpu.memory_space<hbm>> -> memref<8x4096xf32, #tpu.memory_space<hbm>>
    tpu.enqueue_dma source(%arg13 : memref<8x4096xf32, #tpu.memory_space<vmem>>) target(%dma_start3A_530 : memref<8x4096xf32, #tpu.memory_space<hbm>>) target_semaphore(%arg17 : memref<!tpu.dma_semaphore, #tpu.memory_space<semaphore_mem>>)
    %add3A_531 = arith.constant 64 : i32
    %add3A_532 = arith.addi %add3A_531, %add3A : i32
    %jit3A_533 = arith.constant 16 : i32
    %div3A_534 = arith.divsi %add3A_532, %jit3A_533 : i32
    %sign3A_535 = arith.constant 0 : i32
    %sign3A_536 = arith.cmpi sgt, %add3A_532, %sign3A_535 : i32
    %sign3A_537 = arith.extui %sign3A_536 : i1 to i32
    %sign3A_538 = arith.constant 0 : i32
    %sign3A_539 = arith.cmpi slt, %add3A_532, %sign3A_538 : i32
    %sign3A_540 = arith.extui %sign3A_539 : i1 to i32
    %sign3A_541 = arith.subi %sign3A_537, %sign3A_540 : i32
    %sign3A_542 = arith.constant 0 : i32
    %sign3A_543 = arith.cmpi sgt, %jit3A_533, %sign3A_542 : i32
    %sign3A_544 = arith.extui %sign3A_543 : i1 to i32
    %sign3A_545 = arith.constant 0 : i32
    %sign3A_546 = arith.cmpi slt, %jit3A_533, %sign3A_545 : i32
    %sign3A_547 = arith.extui %sign3A_546 : i1 to i32
    %sign3A_548 = arith.subi %sign3A_544, %sign3A_547 : i32
    %ne3A_549 = arith.cmpi ne, %sign3A_541, %sign3A_548 : i32
    %rem3A_550 = arith.remsi %add3A_532, %jit3A_533 : i32
    %ne3A_551 = arith.constant 0 : i32
    %ne3A_552 = arith.cmpi ne, %rem3A_550, %ne3A_551 : i32
    %and3A_553 = arith.andi %ne3A_549, %ne3A_552 : i1
    %sub3A_554 = arith.constant 1 : i32
    %sub3A_555 = arith.subi %div3A_534, %sub3A_554 : i32
    %select_n3A_556 = arith.select %and3A_553, %sub3A_555, %div3A_534 : i32
    %jit3A_557 = arith.constant 16 : i32
    %eq3A_558 = arith.constant 0 : i32
    %eq3A_559 = arith.cmpi eq, %jit3A_557, %eq3A_558 : i32
    %jit3A_560 = arith.constant 1 : i32
    %select_n3A_561 = arith.select %eq3A_559, %jit3A_560, %jit3A_557 : i32
    %rem3A_562 = arith.remsi %add3A_532, %select_n3A_561 : i32
    %ne3A_563 = arith.constant 0 : i32
    %ne3A_564 = arith.cmpi ne, %rem3A_562, %ne3A_563 : i32
    %lt3A_565 = arith.constant 0 : i32
    %lt3A_566 = arith.cmpi slt, %rem3A_562, %lt3A_565 : i32
    %lt3A_567 = arith.constant 0 : i32
    %lt3A_568 = arith.cmpi slt, %select_n3A_561, %lt3A_567 : i32
    %ne3A_569 = arith.xori %lt3A_566, %lt3A_568 : i1
    %and3A_570 = arith.andi %ne3A_569, %ne3A_564 : i1
    %add3A_571 = arith.addi %rem3A_562, %select_n3A_561 : i32
    %select_n3A_572 = arith.select %and3A_570, %add3A_571, %rem3A_562 : i32
    %jit3A_573 = arith.constant 4 : i32
    %div3A_574 = arith.divsi %select_n3A_572, %jit3A_573 : i32
    %sign3A_575 = arith.constant 0 : i32
    %sign3A_576 = arith.cmpi sgt, %select_n3A_572, %sign3A_575 : i32
    %sign3A_577 = arith.extui %sign3A_576 : i1 to i32
    %sign3A_578 = arith.constant 0 : i32
    %sign3A_579 = arith.cmpi slt, %select_n3A_572, %sign3A_578 : i32
    %sign3A_580 = arith.extui %sign3A_579 : i1 to i32
    %sign3A_581 = arith.subi %sign3A_577, %sign3A_580 : i32
    %sign3A_582 = arith.constant 0 : i32
    %sign3A_583 = arith.cmpi sgt, %jit3A_573, %sign3A_582 : i32
    %sign3A_584 = arith.extui %sign3A_583 : i1 to i32
    %sign3A_585 = arith.constant 0 : i32
    %sign3A_586 = arith.cmpi slt, %jit3A_573, %sign3A_585 : i32
    %sign3A_587 = arith.extui %sign3A_586 : i1 to i32
    %sign3A_588 = arith.subi %sign3A_584, %sign3A_587 : i32
    %ne3A_589 = arith.cmpi ne, %sign3A_581, %sign3A_588 : i32
    %rem3A_590 = arith.remsi %select_n3A_572, %jit3A_573 : i32
    %ne3A_591 = arith.constant 0 : i32
    %ne3A_592 = arith.cmpi ne, %rem3A_590, %ne3A_591 : i32
    %and3A_593 = arith.andi %ne3A_589, %ne3A_592 : i1
    %sub3A_594 = arith.constant 1 : i32
    %sub3A_595 = arith.subi %div3A_574, %sub3A_594 : i32
    %select_n3A_596 = arith.select %and3A_593, %sub3A_595, %div3A_574 : i32
    %jit3A_597 = arith.constant 4 : i32
    %eq3A_598 = arith.constant 0 : i32
    %eq3A_599 = arith.cmpi eq, %jit3A_597, %eq3A_598 : i32
    %jit3A_600 = arith.constant 1 : i32
    %select_n3A_601 = arith.select %eq3A_599, %jit3A_600, %jit3A_597 : i32
    %rem3A_602 = arith.remsi %select_n3A_572, %select_n3A_601 : i32
    %ne3A_603 = arith.constant 0 : i32
    %ne3A_604 = arith.cmpi ne, %rem3A_602, %ne3A_603 : i32
    %lt3A_605 = arith.constant 0 : i32
    %lt3A_606 = arith.cmpi slt, %rem3A_602, %lt3A_605 : i32
    %lt3A_607 = arith.constant 0 : i32
    %lt3A_608 = arith.cmpi slt, %select_n3A_601, %lt3A_607 : i32
    %ne3A_609 = arith.xori %lt3A_606, %lt3A_608 : i1
    %and3A_610 = arith.andi %ne3A_609, %ne3A_604 : i1
    %add3A_611 = arith.addi %rem3A_602, %select_n3A_601 : i32
    %select_n3A_612 = arith.select %and3A_610, %add3A_611, %rem3A_602 : i32
    %mul3A_613 = arith.constant 4096 : i32
    %mul3A_614 = arith.muli %select_n3A_612, %mul3A_613 : i32
    %mul3A_615 = arith.constant 8 : i32
    %mul3A_616 = arith.muli %select_n3A_596, %mul3A_615 : i32
    %add3A_617 = arith.constant 0 : i32
    %add3A_618 = arith.addi %mul3A_616, %add3A_617 : i32
    %broadcast_in_dim3A_619 = vector.broadcast %add3A_618 : i32 to vector<16xi32>
    %mul3A_620 = arith.constant 8 : i32
    %mul3A_621 = arith.muli %select_n3A_596, %mul3A_620 : i32
    %add3A_622 = arith.constant 1 : i32
    %add3A_623 = arith.addi %mul3A_621, %add3A_622 : i32
    %broadcast_in_dim3A_624 = vector.broadcast %add3A_623 : i32 to vector<16xi32>
    %mul3A_625 = arith.constant 8 : i32
    %mul3A_626 = arith.muli %select_n3A_596, %mul3A_625 : i32
    %add3A_627 = arith.constant 2 : i32
    %add3A_628 = arith.addi %mul3A_626, %add3A_627 : i32
    %broadcast_in_dim3A_629 = vector.broadcast %add3A_628 : i32 to vector<16xi32>
    %mul3A_630 = arith.constant 8 : i32
    %mul3A_631 = arith.muli %select_n3A_596, %mul3A_630 : i32
    %add3A_632 = arith.constant 3 : i32
    %add3A_633 = arith.addi %mul3A_631, %add3A_632 : i32
    %broadcast_in_dim3A_634 = vector.broadcast %add3A_633 : i32 to vector<16xi32>
    %mul3A_635 = arith.constant 8 : i32
    %mul3A_636 = arith.muli %select_n3A_596, %mul3A_635 : i32
    %add3A_637 = arith.constant 4 : i32
    %add3A_638 = arith.addi %mul3A_636, %add3A_637 : i32
    %broadcast_in_dim3A_639 = vector.broadcast %add3A_638 : i32 to vector<16xi32>
    %mul3A_640 = arith.constant 8 : i32
    %mul3A_641 = arith.muli %select_n3A_596, %mul3A_640 : i32
    %add3A_642 = arith.constant 5 : i32
    %add3A_643 = arith.addi %mul3A_641, %add3A_642 : i32
    %broadcast_in_dim3A_644 = vector.broadcast %add3A_643 : i32 to vector<16xi32>
    %mul3A_645 = arith.constant 8 : i32
    %mul3A_646 = arith.muli %select_n3A_596, %mul3A_645 : i32
    %add3A_647 = arith.constant 6 : i32
    %add3A_648 = arith.addi %mul3A_646, %add3A_647 : i32
    %broadcast_in_dim3A_649 = vector.broadcast %add3A_648 : i32 to vector<16xi32>
    %mul3A_650 = arith.constant 8 : i32
    %mul3A_651 = arith.muli %select_n3A_596, %mul3A_650 : i32
    %add3A_652 = arith.constant 7 : i32
    %add3A_653 = arith.addi %mul3A_651, %add3A_652 : i32
    %broadcast_in_dim3A_654 = vector.broadcast %add3A_653 : i32 to vector<16xi32>
    %dma_wait3A_655 = tpu.memref_slice %arg4[%select_n3A_459, %mul3A_517] : memref<10x16384xi32, #tpu.memory_space<hbm>> -> memref<1x4096xi32, #tpu.memory_space<hbm>>
    %dma_wait3A_656 = tpu.memref_squeeze %dma_wait3A_655 : memref<1x4096xi32, #tpu.memory_space<hbm>> -> memref<4096xi32, #tpu.memory_space<hbm>>
    %dma_wait3A_657 = tpu.memref_slice %arg4[%select_n3A_459, %mul3A_517] : memref<10x16384xi32, #tpu.memory_space<hbm>> -> memref<1x4096xi32, #tpu.memory_space<hbm>>
    %dma_wait3A_658 = tpu.memref_squeeze %dma_wait3A_657 : memref<1x4096xi32, #tpu.memory_space<hbm>> -> memref<4096xi32, #tpu.memory_space<hbm>>
    tpu.wait_dma2 semaphore(%arg14 : memref<!tpu.dma_semaphore, #tpu.memory_space<semaphore_mem>>) src(%dma_wait3A_658 : memref<4096xi32, #tpu.memory_space<hbm>>) dst(%arg10 : memref<4096xi32, #tpu.memory_space<vmem>>)
    %add3A_659 = arith.constant 96 : i32
    %add3A_660 = arith.addi %add3A_659, %add3A : i32
    %jit3A_661 = arith.constant 16 : i32
    %div3A_662 = arith.divsi %add3A_660, %jit3A_661 : i32
    %sign3A_663 = arith.constant 0 : i32
    %sign3A_664 = arith.cmpi sgt, %add3A_660, %sign3A_663 : i32
    %sign3A_665 = arith.extui %sign3A_664 : i1 to i32
    %sign3A_666 = arith.constant 0 : i32
    %sign3A_667 = arith.cmpi slt, %add3A_660, %sign3A_666 : i32
    %sign3A_668 = arith.extui %sign3A_667 : i1 to i32
    %sign3A_669 = arith.subi %sign3A_665, %sign3A_668 : i32
    %sign3A_670 = arith.constant 0 : i32
    %sign3A_671 = arith.cmpi sgt, %jit3A_661, %sign3A_670 : i32
    %sign3A_672 = arith.extui %sign3A_671 : i1 to i32
    %sign3A_673 = arith.constant 0 : i32
    %sign3A_674 = arith.cmpi slt, %jit3A_661, %sign3A_673 : i32
    %sign3A_675 = arith.extui %sign3A_674 : i1 to i32
    %sign3A_676 = arith.subi %sign3A_672, %sign3A_675 : i32
    %ne3A_677 = arith.cmpi ne, %sign3A_669, %sign3A_676 : i32
    %rem3A_678 = arith.remsi %add3A_660, %jit3A_661 : i32
    %ne3A_679 = arith.constant 0 : i32
    %ne3A_680 = arith.cmpi ne, %rem3A_678, %ne3A_679 : i32
    %and3A_681 = arith.andi %ne3A_677, %ne3A_680 : i1
    %sub3A_682 = arith.constant 1 : i32
    %sub3A_683 = arith.subi %div3A_662, %sub3A_682 : i32
    %select_n3A_684 = arith.select %and3A_681, %sub3A_683, %div3A_662 : i32
    %jit3A_685 = arith.constant 16 : i32
    %eq3A_686 = arith.constant 0 : i32
    %eq3A_687 = arith.cmpi eq, %jit3A_685, %eq3A_686 : i32
    %jit3A_688 = arith.constant 1 : i32
    %select_n3A_689 = arith.select %eq3A_687, %jit3A_688, %jit3A_685 : i32
    %rem3A_690 = arith.remsi %add3A_660, %select_n3A_689 : i32
    %ne3A_691 = arith.constant 0 : i32
    %ne3A_692 = arith.cmpi ne, %rem3A_690, %ne3A_691 : i32
    %lt3A_693 = arith.constant 0 : i32
    %lt3A_694 = arith.cmpi slt, %rem3A_690, %lt3A_693 : i32
    %lt3A_695 = arith.constant 0 : i32
    %lt3A_696 = arith.cmpi slt, %select_n3A_689, %lt3A_695 : i32
    %ne3A_697 = arith.xori %lt3A_694, %lt3A_696 : i1
    %and3A_698 = arith.andi %ne3A_697, %ne3A_692 : i1
    %add3A_699 = arith.addi %rem3A_690, %select_n3A_689 : i32
    %select_n3A_700 = arith.select %and3A_698, %add3A_699, %rem3A_690 : i32
    %jit3A_701 = arith.constant 4 : i32
    %div3A_702 = arith.divsi %select_n3A_700, %jit3A_701 : i32
    %sign3A_703 = arith.constant 0 : i32
    %sign3A_704 = arith.cmpi sgt, %select_n3A_700, %sign3A_703 : i32
    %sign3A_705 = arith.extui %sign3A_704 : i1 to i32
    %sign3A_706 = arith.constant 0 : i32
    %sign3A_707 = arith.cmpi slt, %select_n3A_700, %sign3A_706 : i32
    %sign3A_708 = arith.extui %sign3A_707 : i1 to i32
    %sign3A_709 = arith.subi %sign3A_705, %sign3A_708 : i32
    %sign3A_710 = arith.constant 0 : i32
    %sign3A_711 = arith.cmpi sgt, %jit3A_701, %sign3A_710 : i32
    %sign3A_712 = arith.extui %sign3A_711 : i1 to i32
    %sign3A_713 = arith.constant 0 : i32
    %sign3A_714 = arith.cmpi slt, %jit3A_701, %sign3A_713 : i32
    %sign3A_715 = arith.extui %sign3A_714 : i1 to i32
    %sign3A_716 = arith.subi %sign3A_712, %sign3A_715 : i32
    %ne3A_717 = arith.cmpi ne, %sign3A_709, %sign3A_716 : i32
    %rem3A_718 = arith.remsi %select_n3A_700, %jit3A_701 : i32
    %ne3A_719 = arith.constant 0 : i32
    %ne3A_720 = arith.cmpi ne, %rem3A_718, %ne3A_719 : i32
    %and3A_721 = arith.andi %ne3A_717, %ne3A_720 : i1
    %sub3A_722 = arith.constant 1 : i32
    %sub3A_723 = arith.subi %div3A_702, %sub3A_722 : i32
    %select_n3A_724 = arith.select %and3A_721, %sub3A_723, %div3A_702 : i32
    %jit3A_725 = arith.constant 4 : i32
    %eq3A_726 = arith.constant 0 : i32
    %eq3A_727 = arith.cmpi eq, %jit3A_725, %eq3A_726 : i32
    %jit3A_728 = arith.constant 1 : i32
    %select_n3A_729 = arith.select %eq3A_727, %jit3A_728, %jit3A_725 : i32
    %rem3A_730 = arith.remsi %select_n3A_700, %select_n3A_729 : i32
    %ne3A_731 = arith.constant 0 : i32
    %ne3A_732 = arith.cmpi ne, %rem3A_730, %ne3A_731 : i32
    %lt3A_733 = arith.constant 0 : i32
    %lt3A_734 = arith.cmpi slt, %rem3A_730, %lt3A_733 : i32
    %lt3A_735 = arith.constant 0 : i32
    %lt3A_736 = arith.cmpi slt, %select_n3A_729, %lt3A_735 : i32
    %ne3A_737 = arith.xori %lt3A_734, %lt3A_736 : i1
    %and3A_738 = arith.andi %ne3A_737, %ne3A_732 : i1
    %add3A_739 = arith.addi %rem3A_730, %select_n3A_729 : i32
    %select_n3A_740 = arith.select %and3A_738, %add3A_739, %rem3A_730 : i32
    %mul3A_741 = arith.constant 4096 : i32
    %mul3A_742 = arith.muli %select_n3A_740, %mul3A_741 : i32
    %dma_start3A_743 = tpu.memref_slice %arg4[%select_n3A_684, %mul3A_742] : memref<10x16384xi32, #tpu.memory_space<hbm>> -> memref<1x4096xi32, #tpu.memory_space<hbm>>
    %dma_start3A_744 = tpu.memref_squeeze %dma_start3A_743 : memref<1x4096xi32, #tpu.memory_space<hbm>> -> memref<4096xi32, #tpu.memory_space<hbm>>
    %dma_start3A_745 = tpu.memref_slice %arg4[%select_n3A_684, %mul3A_742] : memref<10x16384xi32, #tpu.memory_space<hbm>> -> memref<1x4096xi32, #tpu.memory_space<hbm>>
    %dma_start3A_746 = tpu.memref_squeeze %dma_start3A_745 : memref<1x4096xi32, #tpu.memory_space<hbm>> -> memref<4096xi32, #tpu.memory_space<hbm>>
    tpu.enqueue_dma source(%dma_start3A_746 : memref<4096xi32, #tpu.memory_space<hbm>>) target(%arg11 : memref<4096xi32, #tpu.memory_space<vmem>>) target_semaphore(%arg15 : memref<!tpu.dma_semaphore, #tpu.memory_space<semaphore_mem>>)
    %dma_wait3A_747 = tpu.memref_slice %arg5[%select_n3A_109, %mul3A_301, %mul3A_167] : memref<10x32x16384xf32, #tpu.memory_space<hbm>> -> memref<1x8x4096xf32, #tpu.memory_space<hbm>>
    %dma_wait3A_748 = tpu.memref_squeeze %dma_wait3A_747 : memref<1x8x4096xf32, #tpu.memory_space<hbm>> -> memref<8x4096xf32, #tpu.memory_space<hbm>>
    %dma_wait3A_749 = tpu.memref_slice %arg5[%select_n3A_109, %mul3A_301, %mul3A_167] : memref<10x32x16384xf32, #tpu.memory_space<hbm>> -> memref<1x8x4096xf32, #tpu.memory_space<hbm>>
    %dma_wait3A_750 = tpu.memref_squeeze %dma_wait3A_749 : memref<1x8x4096xf32, #tpu.memory_space<hbm>> -> memref<8x4096xf32, #tpu.memory_space<hbm>>
    tpu.wait_dma2 semaphore(%arg16 : memref<!tpu.dma_semaphore, #tpu.memory_space<semaphore_mem>>) src(%arg12 : memref<8x4096xf32, #tpu.memory_space<vmem>>) dst(%dma_wait3A_750 : memref<8x4096xf32, #tpu.memory_space<hbm>>)
    %parallel_loop3A_751 = arith.constant 0 : i32
    %parallel_loop3A_752 = arith.constant 256 : i32
    %parallel_loop3A_753 = arith.constant 1 : i32
    scf.for %parallel_loop3A_1138 = %parallel_loop3A_751 to %parallel_loop3A_752 step %parallel_loop3A_753  : i32 {
      %parallel_loop3A_1139 = arith.constant 16 : i32
      %parallel_loop3A_1140 = arith.muli %parallel_loop3A_1138, %parallel_loop3A_1139 : i32
      %parallel_loop3A_1141 = arith.index_cast %parallel_loop3A_1140 : i32 to index
      %parallel_loop3A_1142 = tpu.vector_load %arg10[%parallel_loop3A_1141] {strides = array<i32>} : memref<4096xi32, #tpu.memory_space<vmem>>, vector<16xi32>,
      %parallel_loop3A_1143 = arith.constant 10 : i32
      %parallel_loop3A_1144 = vector.broadcast %parallel_loop3A_1143 : i32 to vector<16xi32>
      %parallel_loop3A_1145 = arith.muli %parallel_loop3A_1142, %parallel_loop3A_1144 : vector<16xi32>
      %parallel_loop3A_1146 = vector.broadcast %select_n3A_556 : i32 to vector<16xi32>
      %parallel_loop3A_1147 = arith.addi %parallel_loop3A_1145, %parallel_loop3A_1146 : vector<16xi32>
      %parallel_loop3A_1148 = arith.addi %broadcast_in_dim3A_619, %parallel_loop3A_1147 : vector<16xi32>
      %parallel_loop3A_1149 = arith.constant 31 : i32
      %parallel_loop3A_1150 = vector.broadcast %parallel_loop3A_1149 : i32 to vector<16xi32>
      %parallel_loop3A_1151 = arith.andi %parallel_loop3A_1148, %parallel_loop3A_1150 : vector<16xi32>
      %parallel_loop3A_1152 = tpu.vector_load_idx %arg8[%parallel_loop3A_1147, %parallel_loop3A_1151] : memref<140x32xf32, #tpu.memory_space<vmem>>[vector<16xi32>, vector<16xi32>], vector<16xf32>,
      %parallel_loop3A_1153 = arith.constant 16 : i32
      %parallel_loop3A_1154 = arith.muli %parallel_loop3A_1138, %parallel_loop3A_1153 : i32
      %parallel_loop3A_1155 = arith.constant 0 : i32
      %parallel_loop3A_1156 = arith.index_cast %parallel_loop3A_1155 : i32 to index
      %parallel_loop3A_1157 = arith.index_cast %parallel_loop3A_1154 : i32 to index
      %parallel_loop3A_1158 = tpu.vector_load %arg12[%parallel_loop3A_1156, %parallel_loop3A_1157] {strides = array<i32>} : memref<8x4096xf32, #tpu.memory_space<vmem>>, vector<16xf32>,
      tpu.vector_store %arg12[%parallel_loop3A_1156, %parallel_loop3A_1157], %parallel_loop3A_1152 {strides = array<i32>} : memref<8x4096xf32, #tpu.memory_space<vmem>>, vector<16xf32>,
      %parallel_loop3A_1159 = arith.addi %broadcast_in_dim3A_624, %parallel_loop3A_1147 : vector<16xi32>
      %parallel_loop3A_1160 = arith.constant 31 : i32
      %parallel_loop3A_1161 = vector.broadcast %parallel_loop3A_1160 : i32 to vector<16xi32>
      %parallel_loop3A_1162 = arith.andi %parallel_loop3A_1159, %parallel_loop3A_1161 : vector<16xi32>
      %parallel_loop3A_1163 = tpu.vector_load_idx %arg8[%parallel_loop3A_1147, %parallel_loop3A_1162] : memref<140x32xf32, #tpu.memory_space<vmem>>[vector<16xi32>, vector<16xi32>], vector<16xf32>,
      %parallel_loop3A_1164 = arith.constant 16 : i32
      %parallel_loop3A_1165 = arith.muli %parallel_loop3A_1138, %parallel_loop3A_1164 : i32
      %parallel_loop3A_1166 = arith.constant 1 : i32
      %parallel_loop3A_1167 = arith.index_cast %parallel_loop3A_1166 : i32 to index
      %parallel_loop3A_1168 = arith.index_cast %parallel_loop3A_1165 : i32 to index
      %parallel_loop3A_1169 = tpu.vector_load %arg12[%parallel_loop3A_1167, %parallel_loop3A_1168] {strides = array<i32>} : memref<8x4096xf32, #tpu.memory_space<vmem>>, vector<16xf32>,
      tpu.vector_store %arg12[%parallel_loop3A_1167, %parallel_loop3A_1168], %parallel_loop3A_1163 {strides = array<i32>} : memref<8x4096xf32, #tpu.memory_space<vmem>>, vector<16xf32>,
      %parallel_loop3A_1170 = arith.addi %broadcast_in_dim3A_629, %parallel_loop3A_1147 : vector<16xi32>
      %parallel_loop3A_1171 = arith.constant 31 : i32
      %parallel_loop3A_1172 = vector.broadcast %parallel_loop3A_1171 : i32 to vector<16xi32>
      %parallel_loop3A_1173 = arith.andi %parallel_loop3A_1170, %parallel_loop3A_1172 : vector<16xi32>
      %parallel_loop3A_1174 = tpu.vector_load_idx %arg8[%parallel_loop3A_1147, %parallel_loop3A_1173] : memref<140x32xf32, #tpu.memory_space<vmem>>[vector<16xi32>, vector<16xi32>], vector<16xf32>,
      %parallel_loop3A_1175 = arith.constant 16 : i32
      %parallel_loop3A_1176 = arith.muli %parallel_loop3A_1138, %parallel_loop3A_1175 : i32
      %parallel_loop3A_1177 = arith.constant 2 : i32
      %parallel_loop3A_1178 = arith.index_cast %parallel_loop3A_1177 : i32 to index
      %parallel_loop3A_1179 = arith.index_cast %parallel_loop3A_1176 : i32 to index
      %parallel_loop3A_1180 = tpu.vector_load %arg12[%parallel_loop3A_1178, %parallel_loop3A_1179] {strides = array<i32>} : memref<8x4096xf32, #tpu.memory_space<vmem>>, vector<16xf32>,
      tpu.vector_store %arg12[%parallel_loop3A_1178, %parallel_loop3A_1179], %parallel_loop3A_1174 {strides = array<i32>} : memref<8x4096xf32, #tpu.memory_space<vmem>>, vector<16xf32>,
      %parallel_loop3A_1181 = arith.addi %broadcast_in_dim3A_634, %parallel_loop3A_1147 : vector<16xi32>
      %parallel_loop3A_1182 = arith.constant 31 : i32
      %parallel_loop3A_1183 = vector.broadcast %parallel_loop3A_1182 : i32 to vector<16xi32>
      %parallel_loop3A_1184 = arith.andi %parallel_loop3A_1181, %parallel_loop3A_1183 : vector<16xi32>
      %parallel_loop3A_1185 = tpu.vector_load_idx %arg8[%parallel_loop3A_1147, %parallel_loop3A_1184] : memref<140x32xf32, #tpu.memory_space<vmem>>[vector<16xi32>, vector<16xi32>], vector<16xf32>,
      %parallel_loop3A_1186 = arith.constant 16 : i32
      %parallel_loop3A_1187 = arith.muli %parallel_loop3A_1138, %parallel_loop3A_1186 : i32
      %parallel_loop3A_1188 = arith.constant 3 : i32
      %parallel_loop3A_1189 = arith.index_cast %parallel_loop3A_1188 : i32 to index
      %parallel_loop3A_1190 = arith.index_cast %parallel_loop3A_1187 : i32 to index
      %parallel_loop3A_1191 = tpu.vector_load %arg12[%parallel_loop3A_1189, %parallel_loop3A_1190] {strides = array<i32>} : memref<8x4096xf32, #tpu.memory_space<vmem>>, vector<16xf32>,
      tpu.vector_store %arg12[%parallel_loop3A_1189, %parallel_loop3A_1190], %parallel_loop3A_1185 {strides = array<i32>} : memref<8x4096xf32, #tpu.memory_space<vmem>>, vector<16xf32>,
      %parallel_loop3A_1192 = arith.addi %broadcast_in_dim3A_639, %parallel_loop3A_1147 : vector<16xi32>
      %parallel_loop3A_1193 = arith.constant 31 : i32
      %parallel_loop3A_1194 = vector.broadcast %parallel_loop3A_1193 : i32 to vector<16xi32>
      %parallel_loop3A_1195 = arith.andi %parallel_loop3A_1192, %parallel_loop3A_1194 : vector<16xi32>
      %parallel_loop3A_1196 = tpu.vector_load_idx %arg8[%parallel_loop3A_1147, %parallel_loop3A_1195] : memref<140x32xf32, #tpu.memory_space<vmem>>[vector<16xi32>, vector<16xi32>], vector<16xf32>,
      %parallel_loop3A_1197 = arith.constant 16 : i32
      %parallel_loop3A_1198 = arith.muli %parallel_loop3A_1138, %parallel_loop3A_1197 : i32
      %parallel_loop3A_1199 = arith.constant 4 : i32
      %parallel_loop3A_1200 = arith.index_cast %parallel_loop3A_1199 : i32 to index
      %parallel_loop3A_1201 = arith.index_cast %parallel_loop3A_1198 : i32 to index
      %parallel_loop3A_1202 = tpu.vector_load %arg12[%parallel_loop3A_1200, %parallel_loop3A_1201] {strides = array<i32>} : memref<8x4096xf32, #tpu.memory_space<vmem>>, vector<16xf32>,
      tpu.vector_store %arg12[%parallel_loop3A_1200, %parallel_loop3A_1201], %parallel_loop3A_1196 {strides = array<i32>} : memref<8x4096xf32, #tpu.memory_space<vmem>>, vector<16xf32>,
      %parallel_loop3A_1203 = arith.addi %broadcast_in_dim3A_644, %parallel_loop3A_1147 : vector<16xi32>
      %parallel_loop3A_1204 = arith.constant 31 : i32
      %parallel_loop3A_1205 = vector.broadcast %parallel_loop3A_1204 : i32 to vector<16xi32>
      %parallel_loop3A_1206 = arith.andi %parallel_loop3A_1203, %parallel_loop3A_1205 : vector<16xi32>
      %parallel_loop3A_1207 = tpu.vector_load_idx %arg8[%parallel_loop3A_1147, %parallel_loop3A_1206] : memref<140x32xf32, #tpu.memory_space<vmem>>[vector<16xi32>, vector<16xi32>], vector<16xf32>,
      %parallel_loop3A_1208 = arith.constant 16 : i32
      %parallel_loop3A_1209 = arith.muli %parallel_loop3A_1138, %parallel_loop3A_1208 : i32
      %parallel_loop3A_1210 = arith.constant 5 : i32
      %parallel_loop3A_1211 = arith.index_cast %parallel_loop3A_1210 : i32 to index
      %parallel_loop3A_1212 = arith.index_cast %parallel_loop3A_1209 : i32 to index
      %parallel_loop3A_1213 = tpu.vector_load %arg12[%parallel_loop3A_1211, %parallel_loop3A_1212] {strides = array<i32>} : memref<8x4096xf32, #tpu.memory_space<vmem>>, vector<16xf32>,
      tpu.vector_store %arg12[%parallel_loop3A_1211, %parallel_loop3A_1212], %parallel_loop3A_1207 {strides = array<i32>} : memref<8x4096xf32, #tpu.memory_space<vmem>>, vector<16xf32>,
      %parallel_loop3A_1214 = arith.addi %broadcast_in_dim3A_649, %parallel_loop3A_1147 : vector<16xi32>
      %parallel_loop3A_1215 = arith.constant 31 : i32
      %parallel_loop3A_1216 = vector.broadcast %parallel_loop3A_1215 : i32 to vector<16xi32>
      %parallel_loop3A_1217 = arith.andi %parallel_loop3A_1214, %parallel_loop3A_1216 : vector<16xi32>
      %parallel_loop3A_1218 = tpu.vector_load_idx %arg8[%parallel_loop3A_1147, %parallel_loop3A_1217] : memref<140x32xf32, #tpu.memory_space<vmem>>[vector<16xi32>, vector<16xi32>], vector<16xf32>,
      %parallel_loop3A_1219 = arith.constant 16 : i32
      %parallel_loop3A_1220 = arith.muli %parallel_loop3A_1138, %parallel_loop3A_1219 : i32
      %parallel_loop3A_1221 = arith.constant 6 : i32
      %parallel_loop3A_1222 = arith.index_cast %parallel_loop3A_1221 : i32 to index
      %parallel_loop3A_1223 = arith.index_cast %parallel_loop3A_1220 : i32 to index
      %parallel_loop3A_1224 = tpu.vector_load %arg12[%parallel_loop3A_1222, %parallel_loop3A_1223] {strides = array<i32>} : memref<8x4096xf32, #tpu.memory_space<vmem>>, vector<16xf32>,
      tpu.vector_store %arg12[%parallel_loop3A_1222, %parallel_loop3A_1223], %parallel_loop3A_1218 {strides = array<i32>} : memref<8x4096xf32, #tpu.memory_space<vmem>>, vector<16xf32>,
      %parallel_loop3A_1225 = arith.addi %broadcast_in_dim3A_654, %parallel_loop3A_1147 : vector<16xi32>
      %parallel_loop3A_1226 = arith.constant 31 : i32
      %parallel_loop3A_1227 = vector.broadcast %parallel_loop3A_1226 : i32 to vector<16xi32>
      %parallel_loop3A_1228 = arith.andi %parallel_loop3A_1225, %parallel_loop3A_1227 : vector<16xi32>
      %parallel_loop3A_1229 = tpu.vector_load_idx %arg8[%parallel_loop3A_1147, %parallel_loop3A_1228] : memref<140x32xf32, #tpu.memory_space<vmem>>[vector<16xi32>, vector<16xi32>], vector<16xf32>,
      %parallel_loop3A_1230 = arith.constant 16 : i32
      %parallel_loop3A_1231 = arith.muli %parallel_loop3A_1138, %parallel_loop3A_1230 : i32
      %parallel_loop3A_1232 = arith.constant 7 : i32
      %parallel_loop3A_1233 = arith.index_cast %parallel_loop3A_1232 : i32 to index
      %parallel_loop3A_1234 = arith.index_cast %parallel_loop3A_1231 : i32 to index
      %parallel_loop3A_1235 = tpu.vector_load %arg12[%parallel_loop3A_1233, %parallel_loop3A_1234] {strides = array<i32>} : memref<8x4096xf32, #tpu.memory_space<vmem>>, vector<16xf32>,
      tpu.vector_store %arg12[%parallel_loop3A_1233, %parallel_loop3A_1234], %parallel_loop3A_1229 {strides = array<i32>} : memref<8x4096xf32, #tpu.memory_space<vmem>>, vector<16xf32>,
    } {sc.loop_unroll_factor = 2 : i64, sc.parallel_access}
    %mul3A_754 = arith.constant 8 : i32
    %mul3A_755 = arith.muli %select_n3A_596, %mul3A_754 : i32
    %dma_start3A_756 = tpu.memref_slice %arg5[%select_n3A_556, %mul3A_755, %mul3A_614] : memref<10x32x16384xf32, #tpu.memory_space<hbm>> -> memref<1x8x4096xf32, #tpu.memory_space<hbm>>
    %dma_start3A_757 = tpu.memref_squeeze %dma_start3A_756 : memref<1x8x4096xf32, #tpu.memory_space<hbm>> -> memref<8x4096xf32, #tpu.memory_space<hbm>>
    %dma_start3A_758 = tpu.memref_slice %arg5[%select_n3A_556, %mul3A_755, %mul3A_614] : memref<10x32x16384xf32, #tpu.memory_space<hbm>> -> memref<1x8x4096xf32, #tpu.memory_space<hbm>>
    %dma_start3A_759 = tpu.memref_squeeze %dma_start3A_758 : memref<1x8x4096xf32, #tpu.memory_space<hbm>> -> memref<8x4096xf32, #tpu.memory_space<hbm>>
    tpu.enqueue_dma source(%arg12 : memref<8x4096xf32, #tpu.memory_space<vmem>>) target(%dma_start3A_759 : memref<8x4096xf32, #tpu.memory_space<hbm>>) target_semaphore(%arg16 : memref<!tpu.dma_semaphore, #tpu.memory_space<semaphore_mem>>)
    %add3A_760 = arith.constant 96 : i32
    %add3A_761 = arith.addi %add3A_760, %add3A : i32
    %jit3A_762 = arith.constant 16 : i32
    %div3A_763 = arith.divsi %add3A_761, %jit3A_762 : i32
    %sign3A_764 = arith.constant 0 : i32
    %sign3A_765 = arith.cmpi sgt, %add3A_761, %sign3A_764 : i32
    %sign3A_766 = arith.extui %sign3A_765 : i1 to i32
    %sign3A_767 = arith.constant 0 : i32
    %sign3A_768 = arith.cmpi slt, %add3A_761, %sign3A_767 : i32
    %sign3A_769 = arith.extui %sign3A_768 : i1 to i32
    %sign3A_770 = arith.subi %sign3A_766, %sign3A_769 : i32
    %sign3A_771 = arith.constant 0 : i32
    %sign3A_772 = arith.cmpi sgt, %jit3A_762, %sign3A_771 : i32
    %sign3A_773 = arith.extui %sign3A_772 : i1 to i32
    %sign3A_774 = arith.constant 0 : i32
    %sign3A_775 = arith.cmpi slt, %jit3A_762, %sign3A_774 : i32
    %sign3A_776 = arith.extui %sign3A_775 : i1 to i32
    %sign3A_777 = arith.subi %sign3A_773, %sign3A_776 : i32
    %ne3A_778 = arith.cmpi ne, %sign3A_770, %sign3A_777 : i32
    %rem3A_779 = arith.remsi %add3A_761, %jit3A_762 : i32
    %ne3A_780 = arith.constant 0 : i32
    %ne3A_781 = arith.cmpi ne, %rem3A_779, %ne3A_780 : i32
    %and3A_782 = arith.andi %ne3A_778, %ne3A_781 : i1
    %sub3A_783 = arith.constant 1 : i32
    %sub3A_784 = arith.subi %div3A_763, %sub3A_783 : i32
    %select_n3A_785 = arith.select %and3A_782, %sub3A_784, %div3A_763 : i32
    %jit3A_786 = arith.constant 16 : i32
    %eq3A_787 = arith.constant 0 : i32
    %eq3A_788 = arith.cmpi eq, %jit3A_786, %eq3A_787 : i32
    %jit3A_789 = arith.constant 1 : i32
    %select_n3A_790 = arith.select %eq3A_788, %jit3A_789, %jit3A_786 : i32
    %rem3A_791 = arith.remsi %add3A_761, %select_n3A_790 : i32
    %ne3A_792 = arith.constant 0 : i32
    %ne3A_793 = arith.cmpi ne, %rem3A_791, %ne3A_792 : i32
    %lt3A_794 = arith.constant 0 : i32
    %lt3A_795 = arith.cmpi slt, %rem3A_791, %lt3A_794 : i32
    %lt3A_796 = arith.constant 0 : i32
    %lt3A_797 = arith.cmpi slt, %select_n3A_790, %lt3A_796 : i32
    %ne3A_798 = arith.xori %lt3A_795, %lt3A_797 : i1
    %and3A_799 = arith.andi %ne3A_798, %ne3A_793 : i1
    %add3A_800 = arith.addi %rem3A_791, %select_n3A_790 : i32
    %select_n3A_801 = arith.select %and3A_799, %add3A_800, %rem3A_791 : i32
    %jit3A_802 = arith.constant 4 : i32
    %div3A_803 = arith.divsi %select_n3A_801, %jit3A_802 : i32
    %sign3A_804 = arith.constant 0 : i32
    %sign3A_805 = arith.cmpi sgt, %select_n3A_801, %sign3A_804 : i32
    %sign3A_806 = arith.extui %sign3A_805 : i1 to i32
    %sign3A_807 = arith.constant 0 : i32
    %sign3A_808 = arith.cmpi slt, %select_n3A_801, %sign3A_807 : i32
    %sign3A_809 = arith.extui %sign3A_808 : i1 to i32
    %sign3A_810 = arith.subi %sign3A_806, %sign3A_809 : i32
    %sign3A_811 = arith.constant 0 : i32
    %sign3A_812 = arith.cmpi sgt, %jit3A_802, %sign3A_811 : i32
    %sign3A_813 = arith.extui %sign3A_812 : i1 to i32
    %sign3A_814 = arith.constant 0 : i32
    %sign3A_815 = arith.cmpi slt, %jit3A_802, %sign3A_814 : i32
    %sign3A_816 = arith.extui %sign3A_815 : i1 to i32
    %sign3A_817 = arith.subi %sign3A_813, %sign3A_816 : i32
    %ne3A_818 = arith.cmpi ne, %sign3A_810, %sign3A_817 : i32
    %rem3A_819 = arith.remsi %select_n3A_801, %jit3A_802 : i32
    %ne3A_820 = arith.constant 0 : i32
    %ne3A_821 = arith.cmpi ne, %rem3A_819, %ne3A_820 : i32
    %and3A_822 = arith.andi %ne3A_818, %ne3A_821 : i1
    %sub3A_823 = arith.constant 1 : i32
    %sub3A_824 = arith.subi %div3A_803, %sub3A_823 : i32
    %select_n3A_825 = arith.select %and3A_822, %sub3A_824, %div3A_803 : i32
    %jit3A_826 = arith.constant 4 : i32
    %eq3A_827 = arith.constant 0 : i32
    %eq3A_828 = arith.cmpi eq, %jit3A_826, %eq3A_827 : i32
    %jit3A_829 = arith.constant 1 : i32
    %select_n3A_830 = arith.select %eq3A_828, %jit3A_829, %jit3A_826 : i32
    %rem3A_831 = arith.remsi %select_n3A_801, %select_n3A_830 : i32
    %ne3A_832 = arith.constant 0 : i32
    %ne3A_833 = arith.cmpi ne, %rem3A_831, %ne3A_832 : i32
    %lt3A_834 = arith.constant 0 : i32
    %lt3A_835 = arith.cmpi slt, %rem3A_831, %lt3A_834 : i32
    %lt3A_836 = arith.constant 0 : i32
    %lt3A_837 = arith.cmpi slt, %select_n3A_830, %lt3A_836 : i32
    %ne3A_838 = arith.xori %lt3A_835, %lt3A_837 : i1
    %and3A_839 = arith.andi %ne3A_838, %ne3A_833 : i1
    %add3A_840 = arith.addi %rem3A_831, %select_n3A_830 : i32
    %select_n3A_841 = arith.select %and3A_839, %add3A_840, %rem3A_831 : i32
    %mul3A_842 = arith.constant 4096 : i32
    %mul3A_843 = arith.muli %select_n3A_841, %mul3A_842 : i32
    %mul3A_844 = arith.constant 8 : i32
    %mul3A_845 = arith.muli %select_n3A_825, %mul3A_844 : i32
    %add3A_846 = arith.constant 0 : i32
    %add3A_847 = arith.addi %mul3A_845, %add3A_846 : i32
    %broadcast_in_dim3A_848 = vector.broadcast %add3A_847 : i32 to vector<16xi32>
    %mul3A_849 = arith.constant 8 : i32
    %mul3A_850 = arith.muli %select_n3A_825, %mul3A_849 : i32
    %add3A_851 = arith.constant 1 : i32
    %add3A_852 = arith.addi %mul3A_850, %add3A_851 : i32
    %broadcast_in_dim3A_853 = vector.broadcast %add3A_852 : i32 to vector<16xi32>
    %mul3A_854 = arith.constant 8 : i32
    %mul3A_855 = arith.muli %select_n3A_825, %mul3A_854 : i32
    %add3A_856 = arith.constant 2 : i32
    %add3A_857 = arith.addi %mul3A_855, %add3A_856 : i32
    %broadcast_in_dim3A_858 = vector.broadcast %add3A_857 : i32 to vector<16xi32>
    %mul3A_859 = arith.constant 8 : i32
    %mul3A_860 = arith.muli %select_n3A_825, %mul3A_859 : i32
    %add3A_861 = arith.constant 3 : i32
    %add3A_862 = arith.addi %mul3A_860, %add3A_861 : i32
    %broadcast_in_dim3A_863 = vector.broadcast %add3A_862 : i32 to vector<16xi32>
    %mul3A_864 = arith.constant 8 : i32
    %mul3A_865 = arith.muli %select_n3A_825, %mul3A_864 : i32
    %add3A_866 = arith.constant 4 : i32
    %add3A_867 = arith.addi %mul3A_865, %add3A_866 : i32
    %broadcast_in_dim3A_868 = vector.broadcast %add3A_867 : i32 to vector<16xi32>
    %mul3A_869 = arith.constant 8 : i32
    %mul3A_870 = arith.muli %select_n3A_825, %mul3A_869 : i32
    %add3A_871 = arith.constant 5 : i32
    %add3A_872 = arith.addi %mul3A_870, %add3A_871 : i32
    %broadcast_in_dim3A_873 = vector.broadcast %add3A_872 : i32 to vector<16xi32>
    %mul3A_874 = arith.constant 8 : i32
    %mul3A_875 = arith.muli %select_n3A_825, %mul3A_874 : i32
    %add3A_876 = arith.constant 6 : i32
    %add3A_877 = arith.addi %mul3A_875, %add3A_876 : i32
    %broadcast_in_dim3A_878 = vector.broadcast %add3A_877 : i32 to vector<16xi32>
    %mul3A_879 = arith.constant 8 : i32
    %mul3A_880 = arith.muli %select_n3A_825, %mul3A_879 : i32
    %add3A_881 = arith.constant 7 : i32
    %add3A_882 = arith.addi %mul3A_880, %add3A_881 : i32
    %broadcast_in_dim3A_883 = vector.broadcast %add3A_882 : i32 to vector<16xi32>
    %dma_wait3A_884 = tpu.memref_slice %arg4[%select_n3A_684, %mul3A_742] : memref<10x16384xi32, #tpu.memory_space<hbm>> -> memref<1x4096xi32, #tpu.memory_space<hbm>>
    %dma_wait3A_885 = tpu.memref_squeeze %dma_wait3A_884 : memref<1x4096xi32, #tpu.memory_space<hbm>> -> memref<4096xi32, #tpu.memory_space<hbm>>
    %dma_wait3A_886 = tpu.memref_slice %arg4[%select_n3A_684, %mul3A_742] : memref<10x16384xi32, #tpu.memory_space<hbm>> -> memref<1x4096xi32, #tpu.memory_space<hbm>>
    %dma_wait3A_887 = tpu.memref_squeeze %dma_wait3A_886 : memref<1x4096xi32, #tpu.memory_space<hbm>> -> memref<4096xi32, #tpu.memory_space<hbm>>
    tpu.wait_dma2 semaphore(%arg15 : memref<!tpu.dma_semaphore, #tpu.memory_space<semaphore_mem>>) src(%dma_wait3A_887 : memref<4096xi32, #tpu.memory_space<hbm>>) dst(%arg11 : memref<4096xi32, #tpu.memory_space<vmem>>)
    %add3A_888 = arith.constant 128 : i32
    %add3A_889 = arith.addi %add3A_888, %add3A : i32
    %jit3A_890 = arith.constant 16 : i32
    %div3A_891 = arith.divsi %add3A_889, %jit3A_890 : i32
    %sign3A_892 = arith.constant 0 : i32
    %sign3A_893 = arith.cmpi sgt, %add3A_889, %sign3A_892 : i32
    %sign3A_894 = arith.extui %sign3A_893 : i1 to i32
    %sign3A_895 = arith.constant 0 : i32
    %sign3A_896 = arith.cmpi slt, %add3A_889, %sign3A_895 : i32
    %sign3A_897 = arith.extui %sign3A_896 : i1 to i32
    %sign3A_898 = arith.subi %sign3A_894, %sign3A_897 : i32
    %sign3A_899 = arith.constant 0 : i32
    %sign3A_900 = arith.cmpi sgt, %jit3A_890, %sign3A_899 : i32
    %sign3A_901 = arith.extui %sign3A_900 : i1 to i32
    %sign3A_902 = arith.constant 0 : i32
    %sign3A_903 = arith.cmpi slt, %jit3A_890, %sign3A_902 : i32
    %sign3A_904 = arith.extui %sign3A_903 : i1 to i32
    %sign3A_905 = arith.subi %sign3A_901, %sign3A_904 : i32
    %ne3A_906 = arith.cmpi ne, %sign3A_898, %sign3A_905 : i32
    %rem3A_907 = arith.remsi %add3A_889, %jit3A_890 : i32
    %ne3A_908 = arith.constant 0 : i32
    %ne3A_909 = arith.cmpi ne, %rem3A_907, %ne3A_908 : i32
    %and3A_910 = arith.andi %ne3A_906, %ne3A_909 : i1
    %sub3A_911 = arith.constant 1 : i32
    %sub3A_912 = arith.subi %div3A_891, %sub3A_911 : i32
    %select_n3A_913 = arith.select %and3A_910, %sub3A_912, %div3A_891 : i32
    %jit3A_914 = arith.constant 16 : i32
    %eq3A_915 = arith.constant 0 : i32
    %eq3A_916 = arith.cmpi eq, %jit3A_914, %eq3A_915 : i32
    %jit3A_917 = arith.constant 1 : i32
    %select_n3A_918 = arith.select %eq3A_916, %jit3A_917, %jit3A_914 : i32
    %rem3A_919 = arith.remsi %add3A_889, %select_n3A_918 : i32
    %ne3A_920 = arith.constant 0 : i32
    %ne3A_921 = arith.cmpi ne, %rem3A_919, %ne3A_920 : i32
    %lt3A_922 = arith.constant 0 : i32
    %lt3A_923 = arith.cmpi slt, %rem3A_919, %lt3A_922 : i32
    %lt3A_924 = arith.constant 0 : i32
    %lt3A_925 = arith.cmpi slt, %select_n3A_918, %lt3A_924 : i32
    %ne3A_926 = arith.xori %lt3A_923, %lt3A_925 : i1
    %and3A_927 = arith.andi %ne3A_926, %ne3A_921 : i1
    %add3A_928 = arith.addi %rem3A_919, %select_n3A_918 : i32
    %select_n3A_929 = arith.select %and3A_927, %add3A_928, %rem3A_919 : i32
    %jit3A_930 = arith.constant 4 : i32
    %div3A_931 = arith.divsi %select_n3A_929, %jit3A_930 : i32
    %sign3A_932 = arith.constant 0 : i32
    %sign3A_933 = arith.cmpi sgt, %select_n3A_929, %sign3A_932 : i32
    %sign3A_934 = arith.extui %sign3A_933 : i1 to i32
    %sign3A_935 = arith.constant 0 : i32
    %sign3A_936 = arith.cmpi slt, %select_n3A_929, %sign3A_935 : i32
    %sign3A_937 = arith.extui %sign3A_936 : i1 to i32
    %sign3A_938 = arith.subi %sign3A_934, %sign3A_937 : i32
    %sign3A_939 = arith.constant 0 : i32
    %sign3A_940 = arith.cmpi sgt, %jit3A_930, %sign3A_939 : i32
    %sign3A_941 = arith.extui %sign3A_940 : i1 to i32
    %sign3A_942 = arith.constant 0 : i32
    %sign3A_943 = arith.cmpi slt, %jit3A_930, %sign3A_942 : i32
    %sign3A_944 = arith.extui %sign3A_943 : i1 to i32
    %sign3A_945 = arith.subi %sign3A_941, %sign3A_944 : i32
    %ne3A_946 = arith.cmpi ne, %sign3A_938, %sign3A_945 : i32
    %rem3A_947 = arith.remsi %select_n3A_929, %jit3A_930 : i32
    %ne3A_948 = arith.constant 0 : i32
    %ne3A_949 = arith.cmpi ne, %rem3A_947, %ne3A_948 : i32
    %and3A_950 = arith.andi %ne3A_946, %ne3A_949 : i1
    %sub3A_951 = arith.constant 1 : i32
    %sub3A_952 = arith.subi %div3A_931, %sub3A_951 : i32
    %select_n3A_953 = arith.select %and3A_950, %sub3A_952, %div3A_931 : i32
    %jit3A_954 = arith.constant 4 : i32
    %eq3A_955 = arith.constant 0 : i32
    %eq3A_956 = arith.cmpi eq, %jit3A_954, %eq3A_955 : i32
    %jit3A_957 = arith.constant 1 : i32
    %select_n3A_958 = arith.select %eq3A_956, %jit3A_957, %jit3A_954 : i32
    %rem3A_959 = arith.remsi %select_n3A_929, %select_n3A_958 : i32
    %ne3A_960 = arith.constant 0 : i32
    %ne3A_961 = arith.cmpi ne, %rem3A_959, %ne3A_960 : i32
    %lt3A_962 = arith.constant 0 : i32
    %lt3A_963 = arith.cmpi slt, %rem3A_959, %lt3A_962 : i32
    %lt3A_964 = arith.constant 0 : i32
    %lt3A_965 = arith.cmpi slt, %select_n3A_958, %lt3A_964 : i32
    %ne3A_966 = arith.xori %lt3A_963, %lt3A_965 : i1
    %and3A_967 = arith.andi %ne3A_966, %ne3A_961 : i1
    %add3A_968 = arith.addi %rem3A_959, %select_n3A_958 : i32
    %select_n3A_969 = arith.select %and3A_967, %add3A_968, %rem3A_959 : i32
    %mul3A_970 = arith.constant 4096 : i32
    %mul3A_971 = arith.muli %select_n3A_969, %mul3A_970 : i32
    %dma_start3A_972 = tpu.memref_slice %arg4[%select_n3A_913, %mul3A_971] : memref<10x16384xi32, #tpu.memory_space<hbm>> -> memref<1x4096xi32, #tpu.memory_space<hbm>>
    %dma_start3A_973 = tpu.memref_squeeze %dma_start3A_972 : memref<1x4096xi32, #tpu.memory_space<hbm>> -> memref<4096xi32, #tpu.memory_space<hbm>>
    %dma_start3A_974 = tpu.memref_slice %arg4[%select_n3A_913, %mul3A_971] : memref<10x16384xi32, #tpu.memory_space<hbm>> -> memref<1x4096xi32, #tpu.memory_space<hbm>>
    %dma_start3A_975 = tpu.memref_squeeze %dma_start3A_974 : memref<1x4096xi32, #tpu.memory_space<hbm>> -> memref<4096xi32, #tpu.memory_space<hbm>>
    tpu.enqueue_dma source(%dma_start3A_975 : memref<4096xi32, #tpu.memory_space<hbm>>) target(%arg10 : memref<4096xi32, #tpu.memory_space<vmem>>) target_semaphore(%arg14 : memref<!tpu.dma_semaphore, #tpu.memory_space<semaphore_mem>>)
    %dma_wait3A_976 = tpu.memref_slice %arg5[%select_n3A_331, %mul3A_526, %mul3A_389] : memref<10x32x16384xf32, #tpu.memory_space<hbm>> -> memref<1x8x4096xf32, #tpu.memory_space<hbm>>
    %dma_wait3A_977 = tpu.memref_squeeze %dma_wait3A_976 : memref<1x8x4096xf32, #tpu.memory_space<hbm>> -> memref<8x4096xf32, #tpu.memory_space<hbm>>
    %dma_wait3A_978 = tpu.memref_slice %arg5[%select_n3A_331, %mul3A_526, %mul3A_389] : memref<10x32x16384xf32, #tpu.memory_space<hbm>> -> memref<1x8x4096xf32, #tpu.memory_space<hbm>>
    %dma_wait3A_979 = tpu.memref_squeeze %dma_wait3A_978 : memref<1x8x4096xf32, #tpu.memory_space<hbm>> -> memref<8x4096xf32, #tpu.memory_space<hbm>>
    tpu.wait_dma2 semaphore(%arg17 : memref<!tpu.dma_semaphore, #tpu.memory_space<semaphore_mem>>) src(%arg13 : memref<8x4096xf32, #tpu.memory_space<vmem>>) dst(%dma_wait3A_979 : memref<8x4096xf32, #tpu.memory_space<hbm>>)
    %parallel_loop3A_980 = arith.constant 0 : i32
    %parallel_loop3A_981 = arith.constant 256 : i32
    %parallel_loop3A_982 = arith.constant 1 : i32
    scf.for %parallel_loop3A_1138 = %parallel_loop3A_980 to %parallel_loop3A_981 step %parallel_loop3A_982  : i32 {
      %parallel_loop3A_1139 = arith.constant 16 : i32
      %parallel_loop3A_1140 = arith.muli %parallel_loop3A_1138, %parallel_loop3A_1139 : i32
      %parallel_loop3A_1141 = arith.index_cast %parallel_loop3A_1140 : i32 to index
      %parallel_loop3A_1142 = tpu.vector_load %arg11[%parallel_loop3A_1141] {strides = array<i32>} : memref<4096xi32, #tpu.memory_space<vmem>>, vector<16xi32>,
      %parallel_loop3A_1143 = arith.constant 10 : i32
      %parallel_loop3A_1144 = vector.broadcast %parallel_loop3A_1143 : i32 to vector<16xi32>
      %parallel_loop3A_1145 = arith.muli %parallel_loop3A_1142, %parallel_loop3A_1144 : vector<16xi32>
      %parallel_loop3A_1146 = vector.broadcast %select_n3A_785 : i32 to vector<16xi32>
      %parallel_loop3A_1147 = arith.addi %parallel_loop3A_1145, %parallel_loop3A_1146 : vector<16xi32>
      %parallel_loop3A_1148 = arith.addi %broadcast_in_dim3A_848, %parallel_loop3A_1147 : vector<16xi32>
      %parallel_loop3A_1149 = arith.constant 31 : i32
      %parallel_loop3A_1150 = vector.broadcast %parallel_loop3A_1149 : i32 to vector<16xi32>
      %parallel_loop3A_1151 = arith.andi %parallel_loop3A_1148, %parallel_loop3A_1150 : vector<16xi32>
      %parallel_loop3A_1152 = tpu.vector_load_idx %arg8[%parallel_loop3A_1147, %parallel_loop3A_1151] : memref<140x32xf32, #tpu.memory_space<vmem>>[vector<16xi32>, vector<16xi32>], vector<16xf32>,
      %parallel_loop3A_1153 = arith.constant 16 : i32
      %parallel_loop3A_1154 = arith.muli %parallel_loop3A_1138, %parallel_loop3A_1153 : i32
      %parallel_loop3A_1155 = arith.constant 0 : i32
      %parallel_loop3A_1156 = arith.index_cast %parallel_loop3A_1155 : i32 to index
      %parallel_loop3A_1157 = arith.index_cast %parallel_loop3A_1154 : i32 to index
      %parallel_loop3A_1158 = tpu.vector_load %arg13[%parallel_loop3A_1156, %parallel_loop3A_1157] {strides = array<i32>} : memref<8x4096xf32, #tpu.memory_space<vmem>>, vector<16xf32>,
      tpu.vector_store %arg13[%parallel_loop3A_1156, %parallel_loop3A_1157], %parallel_loop3A_1152 {strides = array<i32>} : memref<8x4096xf32, #tpu.memory_space<vmem>>, vector<16xf32>,
      %parallel_loop3A_1159 = arith.addi %broadcast_in_dim3A_853, %parallel_loop3A_1147 : vector<16xi32>
      %parallel_loop3A_1160 = arith.constant 31 : i32
      %parallel_loop3A_1161 = vector.broadcast %parallel_loop3A_1160 : i32 to vector<16xi32>
      %parallel_loop3A_1162 = arith.andi %parallel_loop3A_1159, %parallel_loop3A_1161 : vector<16xi32>
      %parallel_loop3A_1163 = tpu.vector_load_idx %arg8[%parallel_loop3A_1147, %parallel_loop3A_1162] : memref<140x32xf32, #tpu.memory_space<vmem>>[vector<16xi32>, vector<16xi32>], vector<16xf32>,
      %parallel_loop3A_1164 = arith.constant 16 : i32
      %parallel_loop3A_1165 = arith.muli %parallel_loop3A_1138, %parallel_loop3A_1164 : i32
      %parallel_loop3A_1166 = arith.constant 1 : i32
      %parallel_loop3A_1167 = arith.index_cast %parallel_loop3A_1166 : i32 to index
      %parallel_loop3A_1168 = arith.index_cast %parallel_loop3A_1165 : i32 to index
      %parallel_loop3A_1169 = tpu.vector_load %arg13[%parallel_loop3A_1167, %parallel_loop3A_1168] {strides = array<i32>} : memref<8x4096xf32, #tpu.memory_space<vmem>>, vector<16xf32>,
      tpu.vector_store %arg13[%parallel_loop3A_1167, %parallel_loop3A_1168], %parallel_loop3A_1163 {strides = array<i32>} : memref<8x4096xf32, #tpu.memory_space<vmem>>, vector<16xf32>,
      %parallel_loop3A_1170 = arith.addi %broadcast_in_dim3A_858, %parallel_loop3A_1147 : vector<16xi32>
      %parallel_loop3A_1171 = arith.constant 31 : i32
      %parallel_loop3A_1172 = vector.broadcast %parallel_loop3A_1171 : i32 to vector<16xi32>
      %parallel_loop3A_1173 = arith.andi %parallel_loop3A_1170, %parallel_loop3A_1172 : vector<16xi32>
      %parallel_loop3A_1174 = tpu.vector_load_idx %arg8[%parallel_loop3A_1147, %parallel_loop3A_1173] : memref<140x32xf32, #tpu.memory_space<vmem>>[vector<16xi32>, vector<16xi32>], vector<16xf32>,
      %parallel_loop3A_1175 = arith.constant 16 : i32
      %parallel_loop3A_1176 = arith.muli %parallel_loop3A_1138, %parallel_loop3A_1175 : i32
      %parallel_loop3A_1177 = arith.constant 2 : i32
      %parallel_loop3A_1178 = arith.index_cast %parallel_loop3A_1177 : i32 to index
      %parallel_loop3A_1179 = arith.index_cast %parallel_loop3A_1176 : i32 to index
      %parallel_loop3A_1180 = tpu.vector_load %arg13[%parallel_loop3A_1178, %parallel_loop3A_1179] {strides = array<i32>} : memref<8x4096xf32, #tpu.memory_space<vmem>>, vector<16xf32>,
      tpu.vector_store %arg13[%parallel_loop3A_1178, %parallel_loop3A_1179], %parallel_loop3A_1174 {strides = array<i32>} : memref<8x4096xf32, #tpu.memory_space<vmem>>, vector<16xf32>,
      %parallel_loop3A_1181 = arith.addi %broadcast_in_dim3A_863, %parallel_loop3A_1147 : vector<16xi32>
      %parallel_loop3A_1182 = arith.constant 31 : i32
      %parallel_loop3A_1183 = vector.broadcast %parallel_loop3A_1182 : i32 to vector<16xi32>
      %parallel_loop3A_1184 = arith.andi %parallel_loop3A_1181, %parallel_loop3A_1183 : vector<16xi32>
      %parallel_loop3A_1185 = tpu.vector_load_idx %arg8[%parallel_loop3A_1147, %parallel_loop3A_1184] : memref<140x32xf32, #tpu.memory_space<vmem>>[vector<16xi32>, vector<16xi32>], vector<16xf32>,
      %parallel_loop3A_1186 = arith.constant 16 : i32
      %parallel_loop3A_1187 = arith.muli %parallel_loop3A_1138, %parallel_loop3A_1186 : i32
      %parallel_loop3A_1188 = arith.constant 3 : i32
      %parallel_loop3A_1189 = arith.index_cast %parallel_loop3A_1188 : i32 to index
      %parallel_loop3A_1190 = arith.index_cast %parallel_loop3A_1187 : i32 to index
      %parallel_loop3A_1191 = tpu.vector_load %arg13[%parallel_loop3A_1189, %parallel_loop3A_1190] {strides = array<i32>} : memref<8x4096xf32, #tpu.memory_space<vmem>>, vector<16xf32>,
      tpu.vector_store %arg13[%parallel_loop3A_1189, %parallel_loop3A_1190], %parallel_loop3A_1185 {strides = array<i32>} : memref<8x4096xf32, #tpu.memory_space<vmem>>, vector<16xf32>,
      %parallel_loop3A_1192 = arith.addi %broadcast_in_dim3A_868, %parallel_loop3A_1147 : vector<16xi32>
      %parallel_loop3A_1193 = arith.constant 31 : i32
      %parallel_loop3A_1194 = vector.broadcast %parallel_loop3A_1193 : i32 to vector<16xi32>
      %parallel_loop3A_1195 = arith.andi %parallel_loop3A_1192, %parallel_loop3A_1194 : vector<16xi32>
      %parallel_loop3A_1196 = tpu.vector_load_idx %arg8[%parallel_loop3A_1147, %parallel_loop3A_1195] : memref<140x32xf32, #tpu.memory_space<vmem>>[vector<16xi32>, vector<16xi32>], vector<16xf32>,
      %parallel_loop3A_1197 = arith.constant 16 : i32
      %parallel_loop3A_1198 = arith.muli %parallel_loop3A_1138, %parallel_loop3A_1197 : i32
      %parallel_loop3A_1199 = arith.constant 4 : i32
      %parallel_loop3A_1200 = arith.index_cast %parallel_loop3A_1199 : i32 to index
      %parallel_loop3A_1201 = arith.index_cast %parallel_loop3A_1198 : i32 to index
      %parallel_loop3A_1202 = tpu.vector_load %arg13[%parallel_loop3A_1200, %parallel_loop3A_1201] {strides = array<i32>} : memref<8x4096xf32, #tpu.memory_space<vmem>>, vector<16xf32>,
      tpu.vector_store %arg13[%parallel_loop3A_1200, %parallel_loop3A_1201], %parallel_loop3A_1196 {strides = array<i32>} : memref<8x4096xf32, #tpu.memory_space<vmem>>, vector<16xf32>,
      %parallel_loop3A_1203 = arith.addi %broadcast_in_dim3A_873, %parallel_loop3A_1147 : vector<16xi32>
      %parallel_loop3A_1204 = arith.constant 31 : i32
      %parallel_loop3A_1205 = vector.broadcast %parallel_loop3A_1204 : i32 to vector<16xi32>
      %parallel_loop3A_1206 = arith.andi %parallel_loop3A_1203, %parallel_loop3A_1205 : vector<16xi32>
      %parallel_loop3A_1207 = tpu.vector_load_idx %arg8[%parallel_loop3A_1147, %parallel_loop3A_1206] : memref<140x32xf32, #tpu.memory_space<vmem>>[vector<16xi32>, vector<16xi32>], vector<16xf32>,
      %parallel_loop3A_1208 = arith.constant 16 : i32
      %parallel_loop3A_1209 = arith.muli %parallel_loop3A_1138, %parallel_loop3A_1208 : i32
      %parallel_loop3A_1210 = arith.constant 5 : i32
      %parallel_loop3A_1211 = arith.index_cast %parallel_loop3A_1210 : i32 to index
      %parallel_loop3A_1212 = arith.index_cast %parallel_loop3A_1209 : i32 to index
      %parallel_loop3A_1213 = tpu.vector_load %arg13[%parallel_loop3A_1211, %parallel_loop3A_1212] {strides = array<i32>} : memref<8x4096xf32, #tpu.memory_space<vmem>>, vector<16xf32>,
      tpu.vector_store %arg13[%parallel_loop3A_1211, %parallel_loop3A_1212], %parallel_loop3A_1207 {strides = array<i32>} : memref<8x4096xf32, #tpu.memory_space<vmem>>, vector<16xf32>,
      %parallel_loop3A_1214 = arith.addi %broadcast_in_dim3A_878, %parallel_loop3A_1147 : vector<16xi32>
      %parallel_loop3A_1215 = arith.constant 31 : i32
      %parallel_loop3A_1216 = vector.broadcast %parallel_loop3A_1215 : i32 to vector<16xi32>
      %parallel_loop3A_1217 = arith.andi %parallel_loop3A_1214, %parallel_loop3A_1216 : vector<16xi32>
      %parallel_loop3A_1218 = tpu.vector_load_idx %arg8[%parallel_loop3A_1147, %parallel_loop3A_1217] : memref<140x32xf32, #tpu.memory_space<vmem>>[vector<16xi32>, vector<16xi32>], vector<16xf32>,
      %parallel_loop3A_1219 = arith.constant 16 : i32
      %parallel_loop3A_1220 = arith.muli %parallel_loop3A_1138, %parallel_loop3A_1219 : i32
      %parallel_loop3A_1221 = arith.constant 6 : i32
      %parallel_loop3A_1222 = arith.index_cast %parallel_loop3A_1221 : i32 to index
      %parallel_loop3A_1223 = arith.index_cast %parallel_loop3A_1220 : i32 to index
      %parallel_loop3A_1224 = tpu.vector_load %arg13[%parallel_loop3A_1222, %parallel_loop3A_1223] {strides = array<i32>} : memref<8x4096xf32, #tpu.memory_space<vmem>>, vector<16xf32>,
      tpu.vector_store %arg13[%parallel_loop3A_1222, %parallel_loop3A_1223], %parallel_loop3A_1218 {strides = array<i32>} : memref<8x4096xf32, #tpu.memory_space<vmem>>, vector<16xf32>,
      %parallel_loop3A_1225 = arith.addi %broadcast_in_dim3A_883, %parallel_loop3A_1147 : vector<16xi32>
      %parallel_loop3A_1226 = arith.constant 31 : i32
      %parallel_loop3A_1227 = vector.broadcast %parallel_loop3A_1226 : i32 to vector<16xi32>
      %parallel_loop3A_1228 = arith.andi %parallel_loop3A_1225, %parallel_loop3A_1227 : vector<16xi32>
      %parallel_loop3A_1229 = tpu.vector_load_idx %arg8[%parallel_loop3A_1147, %parallel_loop3A_1228] : memref<140x32xf32, #tpu.memory_space<vmem>>[vector<16xi32>, vector<16xi32>], vector<16xf32>,
      %parallel_loop3A_1230 = arith.constant 16 : i32
      %parallel_loop3A_1231 = arith.muli %parallel_loop3A_1138, %parallel_loop3A_1230 : i32
      %parallel_loop3A_1232 = arith.constant 7 : i32
      %parallel_loop3A_1233 = arith.index_cast %parallel_loop3A_1232 : i32 to index
      %parallel_loop3A_1234 = arith.index_cast %parallel_loop3A_1231 : i32 to index
      %parallel_loop3A_1235 = tpu.vector_load %arg13[%parallel_loop3A_1233, %parallel_loop3A_1234] {strides = array<i32>} : memref<8x4096xf32, #tpu.memory_space<vmem>>, vector<16xf32>,
      tpu.vector_store %arg13[%parallel_loop3A_1233, %parallel_loop3A_1234], %parallel_loop3A_1229 {strides = array<i32>} : memref<8x4096xf32, #tpu.memory_space<vmem>>, vector<16xf32>,
    } {sc.loop_unroll_factor = 2 : i64, sc.parallel_access}
    %mul3A_983 = arith.constant 8 : i32
    %mul3A_984 = arith.muli %select_n3A_825, %mul3A_983 : i32
    %dma_start3A_985 = tpu.memref_slice %arg5[%select_n3A_785, %mul3A_984, %mul3A_843] : memref<10x32x16384xf32, #tpu.memory_space<hbm>> -> memref<1x8x4096xf32, #tpu.memory_space<hbm>>
    %dma_start3A_986 = tpu.memref_squeeze %dma_start3A_985 : memref<1x8x4096xf32, #tpu.memory_space<hbm>> -> memref<8x4096xf32, #tpu.memory_space<hbm>>
    %dma_start3A_987 = tpu.memref_slice %arg5[%select_n3A_785, %mul3A_984, %mul3A_843] : memref<10x32x16384xf32, #tpu.memory_space<hbm>> -> memref<1x8x4096xf32, #tpu.memory_space<hbm>>
    %dma_start3A_988 = tpu.memref_squeeze %dma_start3A_987 : memref<1x8x4096xf32, #tpu.memory_space<hbm>> -> memref<8x4096xf32, #tpu.memory_space<hbm>>
    tpu.enqueue_dma source(%arg13 : memref<8x4096xf32, #tpu.memory_space<vmem>>) target(%dma_start3A_988 : memref<8x4096xf32, #tpu.memory_space<hbm>>) target_semaphore(%arg17 : memref<!tpu.dma_semaphore, #tpu.memory_space<semaphore_mem>>)
    %add3A_989 = arith.constant 128 : i32
    %add3A_990 = arith.addi %add3A_989, %add3A : i32
    %jit3A_991 = arith.constant 16 : i32
    %div3A_992 = arith.divsi %add3A_990, %jit3A_991 : i32
    %sign3A_993 = arith.constant 0 : i32
    %sign3A_994 = arith.cmpi sgt, %add3A_990, %sign3A_993 : i32
    %sign3A_995 = arith.extui %sign3A_994 : i1 to i32
    %sign3A_996 = arith.constant 0 : i32
    %sign3A_997 = arith.cmpi slt, %add3A_990, %sign3A_996 : i32
    %sign3A_998 = arith.extui %sign3A_997 : i1 to i32
    %sign3A_999 = arith.subi %sign3A_995, %sign3A_998 : i32
    %sign3A_1000 = arith.constant 0 : i32
    %sign3A_1001 = arith.cmpi sgt, %jit3A_991, %sign3A_1000 : i32
    %sign3A_1002 = arith.extui %sign3A_1001 : i1 to i32
    %sign3A_1003 = arith.constant 0 : i32
    %sign3A_1004 = arith.cmpi slt, %jit3A_991, %sign3A_1003 : i32
    %sign3A_1005 = arith.extui %sign3A_1004 : i1 to i32
    %sign3A_1006 = arith.subi %sign3A_1002, %sign3A_1005 : i32
    %ne3A_1007 = arith.cmpi ne, %sign3A_999, %sign3A_1006 : i32
    %rem3A_1008 = arith.remsi %add3A_990, %jit3A_991 : i32
    %ne3A_1009 = arith.constant 0 : i32
    %ne3A_1010 = arith.cmpi ne, %rem3A_1008, %ne3A_1009 : i32
    %and3A_1011 = arith.andi %ne3A_1007, %ne3A_1010 : i1
    %sub3A_1012 = arith.constant 1 : i32
    %sub3A_1013 = arith.subi %div3A_992, %sub3A_1012 : i32
    %select_n3A_1014 = arith.select %and3A_1011, %sub3A_1013, %div3A_992 : i32
    %jit3A_1015 = arith.constant 16 : i32
    %eq3A_1016 = arith.constant 0 : i32
    %eq3A_1017 = arith.cmpi eq, %jit3A_1015, %eq3A_1016 : i32
    %jit3A_1018 = arith.constant 1 : i32
    %select_n3A_1019 = arith.select %eq3A_1017, %jit3A_1018, %jit3A_1015 : i32
    %rem3A_1020 = arith.remsi %add3A_990, %select_n3A_1019 : i32
    %ne3A_1021 = arith.constant 0 : i32
    %ne3A_1022 = arith.cmpi ne, %rem3A_1020, %ne3A_1021 : i32
    %lt3A_1023 = arith.constant 0 : i32
    %lt3A_1024 = arith.cmpi slt, %rem3A_1020, %lt3A_1023 : i32
    %lt3A_1025 = arith.constant 0 : i32
    %lt3A_1026 = arith.cmpi slt, %select_n3A_1019, %lt3A_1025 : i32
    %ne3A_1027 = arith.xori %lt3A_1024, %lt3A_1026 : i1
    %and3A_1028 = arith.andi %ne3A_1027, %ne3A_1022 : i1
    %add3A_1029 = arith.addi %rem3A_1020, %select_n3A_1019 : i32
    %select_n3A_1030 = arith.select %and3A_1028, %add3A_1029, %rem3A_1020 : i32
    %jit3A_1031 = arith.constant 4 : i32
    %div3A_1032 = arith.divsi %select_n3A_1030, %jit3A_1031 : i32
    %sign3A_1033 = arith.constant 0 : i32
    %sign3A_1034 = arith.cmpi sgt, %select_n3A_1030, %sign3A_1033 : i32
    %sign3A_1035 = arith.extui %sign3A_1034 : i1 to i32
    %sign3A_1036 = arith.constant 0 : i32
    %sign3A_1037 = arith.cmpi slt, %select_n3A_1030, %sign3A_1036 : i32
    %sign3A_1038 = arith.extui %sign3A_1037 : i1 to i32
    %sign3A_1039 = arith.subi %sign3A_1035, %sign3A_1038 : i32
    %sign3A_1040 = arith.constant 0 : i32
    %sign3A_1041 = arith.cmpi sgt, %jit3A_1031, %sign3A_1040 : i32
    %sign3A_1042 = arith.extui %sign3A_1041 : i1 to i32
    %sign3A_1043 = arith.constant 0 : i32
    %sign3A_1044 = arith.cmpi slt, %jit3A_1031, %sign3A_1043 : i32
    %sign3A_1045 = arith.extui %sign3A_1044 : i1 to i32
    %sign3A_1046 = arith.subi %sign3A_1042, %sign3A_1045 : i32
    %ne3A_1047 = arith.cmpi ne, %sign3A_1039, %sign3A_1046 : i32
    %rem3A_1048 = arith.remsi %select_n3A_1030, %jit3A_1031 : i32
    %ne3A_1049 = arith.constant 0 : i32
    %ne3A_1050 = arith.cmpi ne, %rem3A_1048, %ne3A_1049 : i32
    %and3A_1051 = arith.andi %ne3A_1047, %ne3A_1050 : i1
    %sub3A_1052 = arith.constant 1 : i32
    %sub3A_1053 = arith.subi %div3A_1032, %sub3A_1052 : i32
    %select_n3A_1054 = arith.select %and3A_1051, %sub3A_1053, %div3A_1032 : i32
    %jit3A_1055 = arith.constant 4 : i32
    %eq3A_1056 = arith.constant 0 : i32
    %eq3A_1057 = arith.cmpi eq, %jit3A_1055, %eq3A_1056 : i32
    %jit3A_1058 = arith.constant 1 : i32
    %select_n3A_1059 = arith.select %eq3A_1057, %jit3A_1058, %jit3A_1055 : i32
    %rem3A_1060 = arith.remsi %select_n3A_1030, %select_n3A_1059 : i32
    %ne3A_1061 = arith.constant 0 : i32
    %ne3A_1062 = arith.cmpi ne, %rem3A_1060, %ne3A_1061 : i32
    %lt3A_1063 = arith.constant 0 : i32
    %lt3A_1064 = arith.cmpi slt, %rem3A_1060, %lt3A_1063 : i32
    %lt3A_1065 = arith.constant 0 : i32
    %lt3A_1066 = arith.cmpi slt, %select_n3A_1059, %lt3A_1065 : i32
    %ne3A_1067 = arith.xori %lt3A_1064, %lt3A_1066 : i1
    %and3A_1068 = arith.andi %ne3A_1067, %ne3A_1062 : i1
    %add3A_1069 = arith.addi %rem3A_1060, %select_n3A_1059 : i32
    %select_n3A_1070 = arith.select %and3A_1068, %add3A_1069, %rem3A_1060 : i32
    %mul3A_1071 = arith.constant 4096 : i32
    %mul3A_1072 = arith.muli %select_n3A_1070, %mul3A_1071 : i32
    %mul3A_1073 = arith.constant 8 : i32
    %mul3A_1074 = arith.muli %select_n3A_1054, %mul3A_1073 : i32
    %add3A_1075 = arith.constant 0 : i32
    %add3A_1076 = arith.addi %mul3A_1074, %add3A_1075 : i32
    %broadcast_in_dim3A_1077 = vector.broadcast %add3A_1076 : i32 to vector<16xi32>
    %mul3A_1078 = arith.constant 8 : i32
    %mul3A_1079 = arith.muli %select_n3A_1054, %mul3A_1078 : i32
    %add3A_1080 = arith.constant 1 : i32
    %add3A_1081 = arith.addi %mul3A_1079, %add3A_1080 : i32
    %broadcast_in_dim3A_1082 = vector.broadcast %add3A_1081 : i32 to vector<16xi32>
    %mul3A_1083 = arith.constant 8 : i32
    %mul3A_1084 = arith.muli %select_n3A_1054, %mul3A_1083 : i32
    %add3A_1085 = arith.constant 2 : i32
    %add3A_1086 = arith.addi %mul3A_1084, %add3A_1085 : i32
    %broadcast_in_dim3A_1087 = vector.broadcast %add3A_1086 : i32 to vector<16xi32>
    %mul3A_1088 = arith.constant 8 : i32
    %mul3A_1089 = arith.muli %select_n3A_1054, %mul3A_1088 : i32
    %add3A_1090 = arith.constant 3 : i32
    %add3A_1091 = arith.addi %mul3A_1089, %add3A_1090 : i32
    %broadcast_in_dim3A_1092 = vector.broadcast %add3A_1091 : i32 to vector<16xi32>
    %mul3A_1093 = arith.constant 8 : i32
    %mul3A_1094 = arith.muli %select_n3A_1054, %mul3A_1093 : i32
    %add3A_1095 = arith.constant 4 : i32
    %add3A_1096 = arith.addi %mul3A_1094, %add3A_1095 : i32
    %broadcast_in_dim3A_1097 = vector.broadcast %add3A_1096 : i32 to vector<16xi32>
    %mul3A_1098 = arith.constant 8 : i32
    %mul3A_1099 = arith.muli %select_n3A_1054, %mul3A_1098 : i32
    %add3A_1100 = arith.constant 5 : i32
    %add3A_1101 = arith.addi %mul3A_1099, %add3A_1100 : i32
    %broadcast_in_dim3A_1102 = vector.broadcast %add3A_1101 : i32 to vector<16xi32>
    %mul3A_1103 = arith.constant 8 : i32
    %mul3A_1104 = arith.muli %select_n3A_1054, %mul3A_1103 : i32
    %add3A_1105 = arith.constant 6 : i32
    %add3A_1106 = arith.addi %mul3A_1104, %add3A_1105 : i32
    %broadcast_in_dim3A_1107 = vector.broadcast %add3A_1106 : i32 to vector<16xi32>
    %mul3A_1108 = arith.constant 8 : i32
    %mul3A_1109 = arith.muli %select_n3A_1054, %mul3A_1108 : i32
    %add3A_1110 = arith.constant 7 : i32
    %add3A_1111 = arith.addi %mul3A_1109, %add3A_1110 : i32
    %broadcast_in_dim3A_1112 = vector.broadcast %add3A_1111 : i32 to vector<16xi32>
    %dma_wait3A_1113 = tpu.memref_slice %arg4[%select_n3A_913, %mul3A_971] : memref<10x16384xi32, #tpu.memory_space<hbm>> -> memref<1x4096xi32, #tpu.memory_space<hbm>>
    %dma_wait3A_1114 = tpu.memref_squeeze %dma_wait3A_1113 : memref<1x4096xi32, #tpu.memory_space<hbm>> -> memref<4096xi32, #tpu.memory_space<hbm>>
    %dma_wait3A_1115 = tpu.memref_slice %arg4[%select_n3A_913, %mul3A_971] : memref<10x16384xi32, #tpu.memory_space<hbm>> -> memref<1x4096xi32, #tpu.memory_space<hbm>>
    %dma_wait3A_1116 = tpu.memref_squeeze %dma_wait3A_1115 : memref<1x4096xi32, #tpu.memory_space<hbm>> -> memref<4096xi32, #tpu.memory_space<hbm>>
    tpu.wait_dma2 semaphore(%arg14 : memref<!tpu.dma_semaphore, #tpu.memory_space<semaphore_mem>>) src(%dma_wait3A_1116 : memref<4096xi32, #tpu.memory_space<hbm>>) dst(%arg10 : memref<4096xi32, #tpu.memory_space<vmem>>)
    %dma_wait3A_1117 = tpu.memref_slice %arg5[%select_n3A_556, %mul3A_755, %mul3A_614] : memref<10x32x16384xf32, #tpu.memory_space<hbm>> -> memref<1x8x4096xf32, #tpu.memory_space<hbm>>
    %dma_wait3A_1118 = tpu.memref_squeeze %dma_wait3A_1117 : memref<1x8x4096xf32, #tpu.memory_space<hbm>> -> memref<8x4096xf32, #tpu.memory_space<hbm>>
    %dma_wait3A_1119 = tpu.memref_slice %arg5[%select_n3A_556, %mul3A_755, %mul3A_614] : memref<10x32x16384xf32, #tpu.memory_space<hbm>> -> memref<1x8x4096xf32, #tpu.memory_space<hbm>>
    %dma_wait3A_1120 = tpu.memref_squeeze %dma_wait3A_1119 : memref<1x8x4096xf32, #tpu.memory_space<hbm>> -> memref<8x4096xf32, #tpu.memory_space<hbm>>
    tpu.wait_dma2 semaphore(%arg16 : memref<!tpu.dma_semaphore, #tpu.memory_space<semaphore_mem>>) src(%arg12 : memref<8x4096xf32, #tpu.memory_space<vmem>>) dst(%dma_wait3A_1120 : memref<8x4096xf32, #tpu.memory_space<hbm>>)
    %parallel_loop3A_1121 = arith.constant 0 : i32
    %parallel_loop3A_1122 = arith.constant 256 : i32
    %parallel_loop3A_1123 = arith.constant 1 : i32
    scf.for %parallel_loop3A_1138 = %parallel_loop3A_1121 to %parallel_loop3A_1122 step %parallel_loop3A_1123  : i32 {
      %parallel_loop3A_1139 = arith.constant 16 : i32
      %parallel_loop3A_1140 = arith.muli %parallel_loop3A_1138, %parallel_loop3A_1139 : i32
      %parallel_loop3A_1141 = arith.index_cast %parallel_loop3A_1140 : i32 to index
      %parallel_loop3A_1142 = tpu.vector_load %arg10[%parallel_loop3A_1141] {strides = array<i32>} : memref<4096xi32, #tpu.memory_space<vmem>>, vector<16xi32>,
      %parallel_loop3A_1143 = arith.constant 10 : i32
      %parallel_loop3A_1144 = vector.broadcast %parallel_loop3A_1143 : i32 to vector<16xi32>
      %parallel_loop3A_1145 = arith.muli %parallel_loop3A_1142, %parallel_loop3A_1144 : vector<16xi32>
      %parallel_loop3A_1146 = vector.broadcast %select_n3A_1014 : i32 to vector<16xi32>
      %parallel_loop3A_1147 = arith.addi %parallel_loop3A_1145, %parallel_loop3A_1146 : vector<16xi32>
      %parallel_loop3A_1148 = arith.addi %broadcast_in_dim3A_1077, %parallel_loop3A_1147 : vector<16xi32>
      %parallel_loop3A_1149 = arith.constant 31 : i32
      %parallel_loop3A_1150 = vector.broadcast %parallel_loop3A_1149 : i32 to vector<16xi32>
      %parallel_loop3A_1151 = arith.andi %parallel_loop3A_1148, %parallel_loop3A_1150 : vector<16xi32>
      %parallel_loop3A_1152 = tpu.vector_load_idx %arg8[%parallel_loop3A_1147, %parallel_loop3A_1151] : memref<140x32xf32, #tpu.memory_space<vmem>>[vector<16xi32>, vector<16xi32>], vector<16xf32>,
      %parallel_loop3A_1153 = arith.constant 16 : i32
      %parallel_loop3A_1154 = arith.muli %parallel_loop3A_1138, %parallel_loop3A_1153 : i32
      %parallel_loop3A_1155 = arith.constant 0 : i32
      %parallel_loop3A_1156 = arith.index_cast %parallel_loop3A_1155 : i32 to index
      %parallel_loop3A_1157 = arith.index_cast %parallel_loop3A_1154 : i32 to index
      %parallel_loop3A_1158 = tpu.vector_load %arg12[%parallel_loop3A_1156, %parallel_loop3A_1157] {strides = array<i32>} : memref<8x4096xf32, #tpu.memory_space<vmem>>, vector<16xf32>,
      tpu.vector_store %arg12[%parallel_loop3A_1156, %parallel_loop3A_1157], %parallel_loop3A_1152 {strides = array<i32>} : memref<8x4096xf32, #tpu.memory_space<vmem>>, vector<16xf32>,
      %parallel_loop3A_1159 = arith.addi %broadcast_in_dim3A_1082, %parallel_loop3A_1147 : vector<16xi32>
      %parallel_loop3A_1160 = arith.constant 31 : i32
      %parallel_loop3A_1161 = vector.broadcast %parallel_loop3A_1160 : i32 to vector<16xi32>
      %parallel_loop3A_1162 = arith.andi %parallel_loop3A_1159, %parallel_loop3A_1161 : vector<16xi32>
      %parallel_loop3A_1163 = tpu.vector_load_idx %arg8[%parallel_loop3A_1147, %parallel_loop3A_1162] : memref<140x32xf32, #tpu.memory_space<vmem>>[vector<16xi32>, vector<16xi32>], vector<16xf32>,
      %parallel_loop3A_1164 = arith.constant 16 : i32
      %parallel_loop3A_1165 = arith.muli %parallel_loop3A_1138, %parallel_loop3A_1164 : i32
      %parallel_loop3A_1166 = arith.constant 1 : i32
      %parallel_loop3A_1167 = arith.index_cast %parallel_loop3A_1166 : i32 to index
      %parallel_loop3A_1168 = arith.index_cast %parallel_loop3A_1165 : i32 to index
      %parallel_loop3A_1169 = tpu.vector_load %arg12[%parallel_loop3A_1167, %parallel_loop3A_1168] {strides = array<i32>} : memref<8x4096xf32, #tpu.memory_space<vmem>>, vector<16xf32>,
      tpu.vector_store %arg12[%parallel_loop3A_1167, %parallel_loop3A_1168], %parallel_loop3A_1163 {strides = array<i32>} : memref<8x4096xf32, #tpu.memory_space<vmem>>, vector<16xf32>,
      %parallel_loop3A_1170 = arith.addi %broadcast_in_dim3A_1087, %parallel_loop3A_1147 : vector<16xi32>
      %parallel_loop3A_1171 = arith.constant 31 : i32
      %parallel_loop3A_1172 = vector.broadcast %parallel_loop3A_1171 : i32 to vector<16xi32>
      %parallel_loop3A_1173 = arith.andi %parallel_loop3A_1170, %parallel_loop3A_1172 : vector<16xi32>
      %parallel_loop3A_1174 = tpu.vector_load_idx %arg8[%parallel_loop3A_1147, %parallel_loop3A_1173] : memref<140x32xf32, #tpu.memory_space<vmem>>[vector<16xi32>, vector<16xi32>], vector<16xf32>,
      %parallel_loop3A_1175 = arith.constant 16 : i32
      %parallel_loop3A_1176 = arith.muli %parallel_loop3A_1138, %parallel_loop3A_1175 : i32
      %parallel_loop3A_1177 = arith.constant 2 : i32
      %parallel_loop3A_1178 = arith.index_cast %parallel_loop3A_1177 : i32 to index
      %parallel_loop3A_1179 = arith.index_cast %parallel_loop3A_1176 : i32 to index
      %parallel_loop3A_1180 = tpu.vector_load %arg12[%parallel_loop3A_1178, %parallel_loop3A_1179] {strides = array<i32>} : memref<8x4096xf32, #tpu.memory_space<vmem>>, vector<16xf32>,
      tpu.vector_store %arg12[%parallel_loop3A_1178, %parallel_loop3A_1179], %parallel_loop3A_1174 {strides = array<i32>} : memref<8x4096xf32, #tpu.memory_space<vmem>>, vector<16xf32>,
      %parallel_loop3A_1181 = arith.addi %broadcast_in_dim3A_1092, %parallel_loop3A_1147 : vector<16xi32>
      %parallel_loop3A_1182 = arith.constant 31 : i32
      %parallel_loop3A_1183 = vector.broadcast %parallel_loop3A_1182 : i32 to vector<16xi32>
      %parallel_loop3A_1184 = arith.andi %parallel_loop3A_1181, %parallel_loop3A_1183 : vector<16xi32>
      %parallel_loop3A_1185 = tpu.vector_load_idx %arg8[%parallel_loop3A_1147, %parallel_loop3A_1184] : memref<140x32xf32, #tpu.memory_space<vmem>>[vector<16xi32>, vector<16xi32>], vector<16xf32>,
      %parallel_loop3A_1186 = arith.constant 16 : i32
      %parallel_loop3A_1187 = arith.muli %parallel_loop3A_1138, %parallel_loop3A_1186 : i32
      %parallel_loop3A_1188 = arith.constant 3 : i32
      %parallel_loop3A_1189 = arith.index_cast %parallel_loop3A_1188 : i32 to index
      %parallel_loop3A_1190 = arith.index_cast %parallel_loop3A_1187 : i32 to index
      %parallel_loop3A_1191 = tpu.vector_load %arg12[%parallel_loop3A_1189, %parallel_loop3A_1190] {strides = array<i32>} : memref<8x4096xf32, #tpu.memory_space<vmem>>, vector<16xf32>,
      tpu.vector_store %arg12[%parallel_loop3A_1189, %parallel_loop3A_1190], %parallel_loop3A_1185 {strides = array<i32>} : memref<8x4096xf32, #tpu.memory_space<vmem>>, vector<16xf32>,
      %parallel_loop3A_1192 = arith.addi %broadcast_in_dim3A_1097, %parallel_loop3A_1147 : vector<16xi32>
      %parallel_loop3A_1193 = arith.constant 31 : i32
      %parallel_loop3A_1194 = vector.broadcast %parallel_loop3A_1193 : i32 to vector<16xi32>
      %parallel_loop3A_1195 = arith.andi %parallel_loop3A_1192, %parallel_loop3A_1194 : vector<16xi32>
      %parallel_loop3A_1196 = tpu.vector_load_idx %arg8[%parallel_loop3A_1147, %parallel_loop3A_1195] : memref<140x32xf32, #tpu.memory_space<vmem>>[vector<16xi32>, vector<16xi32>], vector<16xf32>,
      %parallel_loop3A_1197 = arith.constant 16 : i32
      %parallel_loop3A_1198 = arith.muli %parallel_loop3A_1138, %parallel_loop3A_1197 : i32
      %parallel_loop3A_1199 = arith.constant 4 : i32
      %parallel_loop3A_1200 = arith.index_cast %parallel_loop3A_1199 : i32 to index
      %parallel_loop3A_1201 = arith.index_cast %parallel_loop3A_1198 : i32 to index
      %parallel_loop3A_1202 = tpu.vector_load %arg12[%parallel_loop3A_1200, %parallel_loop3A_1201] {strides = array<i32>} : memref<8x4096xf32, #tpu.memory_space<vmem>>, vector<16xf32>,
      tpu.vector_store %arg12[%parallel_loop3A_1200, %parallel_loop3A_1201], %parallel_loop3A_1196 {strides = array<i32>} : memref<8x4096xf32, #tpu.memory_space<vmem>>, vector<16xf32>,
      %parallel_loop3A_1203 = arith.addi %broadcast_in_dim3A_1102, %parallel_loop3A_1147 : vector<16xi32>
      %parallel_loop3A_1204 = arith.constant 31 : i32
      %parallel_loop3A_1205 = vector.broadcast %parallel_loop3A_1204 : i32 to vector<16xi32>
      %parallel_loop3A_1206 = arith.andi %parallel_loop3A_1203, %parallel_loop3A_1205 : vector<16xi32>
      %parallel_loop3A_1207 = tpu.vector_load_idx %arg8[%parallel_loop3A_1147, %parallel_loop3A_1206] : memref<140x32xf32, #tpu.memory_space<vmem>>[vector<16xi32>, vector<16xi32>], vector<16xf32>,
      %parallel_loop3A_1208 = arith.constant 16 : i32
      %parallel_loop3A_1209 = arith.muli %parallel_loop3A_1138, %parallel_loop3A_1208 : i32
      %parallel_loop3A_1210 = arith.constant 5 : i32
      %parallel_loop3A_1211 = arith.index_cast %parallel_loop3A_1210 : i32 to index
      %parallel_loop3A_1212 = arith.index_cast %parallel_loop3A_1209 : i32 to index
      %parallel_loop3A_1213 = tpu.vector_load %arg12[%parallel_loop3A_1211, %parallel_loop3A_1212] {strides = array<i32>} : memref<8x4096xf32, #tpu.memory_space<vmem>>, vector<16xf32>,
      tpu.vector_store %arg12[%parallel_loop3A_1211, %parallel_loop3A_1212], %parallel_loop3A_1207 {strides = array<i32>} : memref<8x4096xf32, #tpu.memory_space<vmem>>, vector<16xf32>,
      %parallel_loop3A_1214 = arith.addi %broadcast_in_dim3A_1107, %parallel_loop3A_1147 : vector<16xi32>
      %parallel_loop3A_1215 = arith.constant 31 : i32
      %parallel_loop3A_1216 = vector.broadcast %parallel_loop3A_1215 : i32 to vector<16xi32>
      %parallel_loop3A_1217 = arith.andi %parallel_loop3A_1214, %parallel_loop3A_1216 : vector<16xi32>
      %parallel_loop3A_1218 = tpu.vector_load_idx %arg8[%parallel_loop3A_1147, %parallel_loop3A_1217] : memref<140x32xf32, #tpu.memory_space<vmem>>[vector<16xi32>, vector<16xi32>], vector<16xf32>,
      %parallel_loop3A_1219 = arith.constant 16 : i32
      %parallel_loop3A_1220 = arith.muli %parallel_loop3A_1138, %parallel_loop3A_1219 : i32
      %parallel_loop3A_1221 = arith.constant 6 : i32
      %parallel_loop3A_1222 = arith.index_cast %parallel_loop3A_1221 : i32 to index
      %parallel_loop3A_1223 = arith.index_cast %parallel_loop3A_1220 : i32 to index
      %parallel_loop3A_1224 = tpu.vector_load %arg12[%parallel_loop3A_1222, %parallel_loop3A_1223] {strides = array<i32>} : memref<8x4096xf32, #tpu.memory_space<vmem>>, vector<16xf32>,
      tpu.vector_store %arg12[%parallel_loop3A_1222, %parallel_loop3A_1223], %parallel_loop3A_1218 {strides = array<i32>} : memref<8x4096xf32, #tpu.memory_space<vmem>>, vector<16xf32>,
      %parallel_loop3A_1225 = arith.addi %broadcast_in_dim3A_1112, %parallel_loop3A_1147 : vector<16xi32>
      %parallel_loop3A_1226 = arith.constant 31 : i32
      %parallel_loop3A_1227 = vector.broadcast %parallel_loop3A_1226 : i32 to vector<16xi32>
      %parallel_loop3A_1228 = arith.andi %parallel_loop3A_1225, %parallel_loop3A_1227 : vector<16xi32>
      %parallel_loop3A_1229 = tpu.vector_load_idx %arg8[%parallel_loop3A_1147, %parallel_loop3A_1228] : memref<140x32xf32, #tpu.memory_space<vmem>>[vector<16xi32>, vector<16xi32>], vector<16xf32>,
      %parallel_loop3A_1230 = arith.constant 16 : i32
      %parallel_loop3A_1231 = arith.muli %parallel_loop3A_1138, %parallel_loop3A_1230 : i32
      %parallel_loop3A_1232 = arith.constant 7 : i32
      %parallel_loop3A_1233 = arith.index_cast %parallel_loop3A_1232 : i32 to index
      %parallel_loop3A_1234 = arith.index_cast %parallel_loop3A_1231 : i32 to index
      %parallel_loop3A_1235 = tpu.vector_load %arg12[%parallel_loop3A_1233, %parallel_loop3A_1234] {strides = array<i32>} : memref<8x4096xf32, #tpu.memory_space<vmem>>, vector<16xf32>,
      tpu.vector_store %arg12[%parallel_loop3A_1233, %parallel_loop3A_1234], %parallel_loop3A_1229 {strides = array<i32>} : memref<8x4096xf32, #tpu.memory_space<vmem>>, vector<16xf32>,
    } {sc.loop_unroll_factor = 2 : i64, sc.parallel_access}
    %mul3A_1124 = arith.constant 8 : i32
    %mul3A_1125 = arith.muli %select_n3A_1054, %mul3A_1124 : i32
    %dma_start3A_1126 = tpu.memref_slice %arg5[%select_n3A_1014, %mul3A_1125, %mul3A_1072] : memref<10x32x16384xf32, #tpu.memory_space<hbm>> -> memref<1x8x4096xf32, #tpu.memory_space<hbm>>
    %dma_start3A_1127 = tpu.memref_squeeze %dma_start3A_1126 : memref<1x8x4096xf32, #tpu.memory_space<hbm>> -> memref<8x4096xf32, #tpu.memory_space<hbm>>
    %dma_start3A_1128 = tpu.memref_slice %arg5[%select_n3A_1014, %mul3A_1125, %mul3A_1072] : memref<10x32x16384xf32, #tpu.memory_space<hbm>> -> memref<1x8x4096xf32, #tpu.memory_space<hbm>>
    %dma_start3A_1129 = tpu.memref_squeeze %dma_start3A_1128 : memref<1x8x4096xf32, #tpu.memory_space<hbm>> -> memref<8x4096xf32, #tpu.memory_space<hbm>>
    tpu.enqueue_dma source(%arg12 : memref<8x4096xf32, #tpu.memory_space<vmem>>) target(%dma_start3A_1129 : memref<8x4096xf32, #tpu.memory_space<hbm>>) target_semaphore(%arg16 : memref<!tpu.dma_semaphore, #tpu.memory_space<semaphore_mem>>)
    %dma_wait3A_1130 = tpu.memref_slice %arg5[%select_n3A_785, %mul3A_984, %mul3A_843] : memref<10x32x16384xf32, #tpu.memory_space<hbm>> -> memref<1x8x4096xf32, #tpu.memory_space<hbm>>
    %dma_wait3A_1131 = tpu.memref_squeeze %dma_wait3A_1130 : memref<1x8x4096xf32, #tpu.memory_space<hbm>> -> memref<8x4096xf32, #tpu.memory_space<hbm>>
    %dma_wait3A_1132 = tpu.memref_slice %arg5[%select_n3A_785, %mul3A_984, %mul3A_843] : memref<10x32x16384xf32, #tpu.memory_space<hbm>> -> memref<1x8x4096xf32, #tpu.memory_space<hbm>>
    %dma_wait3A_1133 = tpu.memref_squeeze %dma_wait3A_1132 : memref<1x8x4096xf32, #tpu.memory_space<hbm>> -> memref<8x4096xf32, #tpu.memory_space<hbm>>
    tpu.wait_dma2 semaphore(%arg17 : memref<!tpu.dma_semaphore, #tpu.memory_space<semaphore_mem>>) src(%arg13 : memref<8x4096xf32, #tpu.memory_space<vmem>>) dst(%dma_wait3A_1133 : memref<8x4096xf32, #tpu.memory_space<hbm>>)
    %dma_wait3A_1134 = tpu.memref_slice %arg5[%select_n3A_1014, %mul3A_1125, %mul3A_1072] : memref<10x32x16384xf32, #tpu.memory_space<hbm>> -> memref<1x8x4096xf32, #tpu.memory_space<hbm>>
    %dma_wait3A_1135 = tpu.memref_squeeze %dma_wait3A_1134 : memref<1x8x4096xf32, #tpu.memory_space<hbm>> -> memref<8x4096xf32, #tpu.memory_space<hbm>>
    %dma_wait3A_1136 = tpu.memref_slice %arg5[%select_n3A_1014, %mul3A_1125, %mul3A_1072] : memref<10x32x16384xf32, #tpu.memory_space<hbm>> -> memref<1x8x4096xf32, #tpu.memory_space<hbm>>
    %dma_wait3A_1137 = tpu.memref_squeeze %dma_wait3A_1136 : memref<1x8x4096xf32, #tpu.memory_space<hbm>> -> memref<8x4096xf32, #tpu.memory_space<hbm>>
    tpu.wait_dma2 semaphore(%arg16 : memref<!tpu.dma_semaphore, #tpu.memory_space<semaphore_mem>>) src(%arg12 : memref<8x4096xf32, #tpu.memory_space<vmem>>) dst(%dma_wait3A_1137 : memref<8x4096xf32, #tpu.memory_space<hbm>>)
    return
  }
}

</mosaic_0001>

<sc_bundles>
// kernel: kernel.3.cloned.1.call-start
scs
__scs_entry_jumppad:
0x0: {  	(pc) =	sbr.rel $0x88, $3  }
0x1: {  	(tag) =	ssettag $0x0;
	lr =	simm.s32 $0x1  }
0x2: {  	[smem:$0x3F9E] =	sst lr;
	_ =	strace $0xD0000000  }
0x3: {  	_ = 	snop  }
0x4: {  	_ = 	snop  }
0x5: {  	_ = 	snop  }
0x6: {  	_ = 	snop  }
0x7: {  	_ = 	snop  }
__scs_overlays_trampoline_lowered:
0x8: {  	[smem:$0x3FAD] =	sst s0  }
0x9: {  	[smem:$0x3FAE] =	sst s1  }
0xa: {  	[smem:$0x3FAF] =	sst s2  }
0xb: {  	[smem:$0x3FB0] =	sst s3  }
0xc: {  	[smem:$0x3FB1] =	sst s4  }
0xd: {  	[smem:$0x3FB2] =	sst s5  }
0xe: {  	[smem:$0x3FB3] =	sst s6  }
0xf: {  	[smem:$0x3FB4] =	sst s7  }
0x10: {  	[smem:$0x3FB5] =	sst s8  }
0x11: {  	[smem:$0x3FB6] =	sst s9;
	s0 =	simm.s32 @!p0 $0x0  }
0x12: {  	s1 =	sld [smem:$0x3F9C];
	s0 =	simm.s32 @p0 $0x1  }
0x13: {  	[smem:$0x3FB7] =	sst s0;
	s0 =	simm.s32 @!p1 $0x0  }
0x14: {  	s2 =	sld [smem:$0x3F9B];
	s0 =	simm.s32 @p1 $0x1  }
0x15: {  	[smem:$0x3FB8] =	sst s0;
	s0 =	simm.s32 @!p2 $0x0  }
0x16: {  	s3 =	sld [smem:$0x3FDB];
	s0 =	simm.s32 @p2 $0x1  }
0x17: {  	s4 =	simm.s32 $0x1BF5;
	[smem:$0x3FBA] =	sst s0  }
0x18: {  	s0 =	sld [smem:$0x3F9D];
	_ =	swait.ge [sflag:s4], $0x0  }
0x19: {  	s7 =	sld [smem:$0x3F9E]  }
0x1a: {  	s8 =	sadd.s32 $0xFFFFE003, lr  }
0x1b: {  	s9 =	sadd.s32 $0xFFFFFEF7, lr;
	s5 =	simm.s32 $0xFFFFFFFF;
	p2 =	slt.u32 s8, $0xFFFFF086  }
0x1c: {  	p1 =	slt.u32 s9, $0xF7A;
	s5 =	simm.s32 @!p2 $0x0  }
0x1d: {  	s5 =	simm.s32 @p1 $0x1;
	p0 =	seq.s32 s7, s2  }
0x1e: {  	s7 =	smul.u32 @!p0 $0xF7A, s2;
	p2 =	seq.s32 @!p0 s5, $0x0  }
0x1f: {  	s9 =	smul.u32 $0xF7A, s1;
	s8 =	simm.s32 @!p0 $0x1BF5;
	p2 =	por !p2, p0  }
0x20: {  	[sflag:s8] =	ssyncset.s32 @!p0 $0xFFFFF086;
	s6 =	sadd.s32 @!p0 s3, s7;
	s7 =	simm.s32 @!p0 $0x108  }
0x21: {  	s3 =	sadd.s32 s3, s9;
	s6 =	sadd.s32 @!p0 $0x88, s6;
	s7 =	simm.s32 @p2 $0x1082  }
0x22: {  	[simem:s7], [sflag:s8] =	dma.local @!p0 [hbm:s6], $0xF7A  }
0x23: {  	s9 =	sor.u32 $0xD0000000, s2;
	s6 =	simm.s32 $0x108;
	_ =	swait.ge @!p0 [sflag:s8], $0x0  }
0x24: {  	s3 =	sadd.s32 $0x88, s3;
	s6 =	simm.s32 @!p1 $0x1082;
	[sflag:s4] =	ssyncset.s32 $0xFFFFF086  }
0x25: {  	[simem:s6], [sflag:s4] =	dma.local [hbm:s3], $0xF7A  }
0x26: {  	[smem:$0x3F9E] =	sst s1;
	(tag) =	ssettag s2;
	_ =	strace s9  }
0x27: {  	s1 =	sld [smem:$0x3FAE]  }
0x28: {  	s2 =	sld [smem:$0x3FAF]  }
0x29: {  	s4 =	sld [smem:$0x3FB1]  }
0x2a: {  	p0 =	seq.s32 s5, $0x0;
	s5 =	sld [smem:$0x3FB2]  }
0x2b: {  	s6 =	sld [smem:$0x3FB3]  }
0x2c: {  	s7 =	sld [smem:$0x3FB4]  }
0x2d: {  	s3 =	simm.s32 $0x108;
	s8 =	sld [smem:$0x3FB5]  }
0x2e: {  	s3 =	simm.s32 @!p0 $0x1082;
	s9 =	sld [smem:$0x3FB6]  }
0x2f: {  	lr =	sadd.s32 s0, s3;
	s0 =	sld [smem:$0x3FAD]  }
0x30: {  	s3 =	sld [smem:$0x3FB0]  }
0x31: {  	[smem:$0x3FB9] =	sst s10  }
0x32: {  	s10 =	sld [smem:$0x3FB7];
	_ =	sdelay $0x3  }
0x33: {  	p0 =	seq.s32 s10, $0x1;
	s10 =	sld [smem:$0x3FB9];
	_ =	sdelay $0x3  }
0x34: {  	[smem:$0x3FB9] =	sst s10  }
0x35: {  	s10 =	sld [smem:$0x3FB8];
	_ =	sdelay $0x3  }
0x36: {  	p1 =	seq.s32 s10, $0x1;
	s10 =	sld [smem:$0x3FB9];
	_ =	sdelay $0x3  }
0x37: {  	[smem:$0x3FB9] =	sst s10  }
0x38: {  	s10 =	sld [smem:$0x3FBA]  }
0x39: {  	_ = 	snop;
	(pc) =	sbr.ind lr, $3  }
0x3a: {  	_ = 	snop  }
0x3b: {  	_ = 	snop  }
0x3c: {  	p2 =	seq.s32 s10, $0x1;
	s10 =	sld [smem:$0x3FB9]  }
0x3d: {  	_ =	shalt  }
0x3e: {  	_ =	shalt  }
0x3f: {  	_ =	shalt  }
0x40: {  	_ =	shalt  }
0x41: {  	_ =	shalt  }
0x42: {  	_ =	shalt  }
0x43: {  	_ =	shalt  }
0x44: {  	_ =	shalt  }
0x45: {  	_ =	shalt  }
0x46: {  	_ =	shalt  }
0x47: {  	_ =	shalt  }
0x48: {  	_ =	shalt  }
0x49: {  	_ =	shalt  }
0x4a: {  	_ =	shalt  }
0x4b: {  	_ =	shalt  }
0x4c: {  	_ =	shalt  }
0x4d: {  	_ =	shalt  }
0x4e: {  	_ =	shalt  }
0x4f: {  	_ =	shalt  }
0x50: {  	_ =	shalt  }
0x51: {  	_ =	shalt  }
0x52: {  	_ =	shalt  }
0x53: {  	_ =	shalt  }
0x54: {  	_ =	shalt  }
0x55: {  	_ =	shalt  }
0x56: {  	_ =	shalt  }
0x57: {  	_ =	shalt  }
0x58: {  	_ =	shalt  }
0x59: {  	_ =	shalt  }
0x5a: {  	_ =	shalt  }
0x5b: {  	_ =	shalt  }
0x5c: {  	_ =	shalt  }
0x5d: {  	_ =	shalt  }
0x5e: {  	_ =	shalt  }
0x5f: {  	_ =	shalt  }
0x60: {  	_ =	shalt  }
0x61: {  	_ =	shalt  }
0x62: {  	_ =	shalt  }
0x63: {  	_ =	shalt  }
0x64: {  	_ =	shalt  }
0x65: {  	_ =	shalt  }
0x66: {  	_ =	shalt  }
0x67: {  	_ =	shalt  }
0x68: {  	_ =	shalt  }
0x69: {  	_ =	shalt  }
0x6a: {  	_ =	shalt  }
0x6b: {  	_ =	shalt  }
0x6c: {  	_ =	shalt  }
0x6d: {  	_ =	shalt  }
0x6e: {  	_ =	shalt  }
0x6f: {  	_ =	shalt  }
0x70: {  	_ =	shalt  }
0x71: {  	_ =	shalt  }
0x72: {  	_ =	shalt  }
0x73: {  	_ =	shalt  }
0x74: {  	_ =	shalt  }
0x75: {  	_ =	shalt  }
0x76: {  	_ =	shalt  }
0x77: {  	_ =	shalt  }
0x78: {  	_ =	shalt  }
0x79: {  	_ =	shalt  }
0x7a: {  	_ =	shalt  }
0x7b: {  	_ =	shalt  }
0x7c: {  	_ =	shalt  }
0x7d: {  	_ =	shalt  }
0x7e: {  	_ =	shalt  }
0x7f: {  	_ =	shalt  }
0x80: {  	_ =	shalt  }
0x81: {  	_ =	shalt  }
0x82: {  	_ =	shalt  }
0x83: {  	_ =	shalt  }
0x84: {  	_ =	shalt  }
0x85: {  	_ =	shalt  }
0x86: {  	_ =	shalt  }
0x87: {  	_ =	shalt  }
.Lfunc_end0:
.L_simem_size_0:
called_computation_lowered:
.L_overlay_start_0:
0x88: {  	s2 =	sld [smem:$0x3FD9]  }
0x89: {  	s3 =	sld [smem:$0x3FFE];
	_ =	sdelay $0x1  }
0x8a: {  	s1 =	srdreg.scid  }
0x8b: {  	s0 =	sand.u32 $0x1, s1  }
0x8c: {  	s18 =	sshll.u32 s0, $0xA;
	s2 =	sadd.s32 s3, s2  }
0x8d: {  	s2 =	sadd.s32 s2, s18  }
0x8e: {  	[smem:$0x3FC5] =	sst s2  }
0x8f: {  	_ = 	snop  }
0x90: {  	s2 =	sld [smem:$0x3FC9]  }
0x91: {  	s19 =	sld [smem:$0x3FC8]  }
0x92: {  	s4 =	sld [smem:$0x3FC7]  }
0x93: {  	s5 =	sld [smem:$0x3FD0];
	(tm) =	ssettm $0x1  }
0x94: {  	s6 =	sld [smem:$0x3FFB];
	_ =	sdelay $0x3  }
0x95: {  	_ =	strace s6  }
0x96: {  	s6 =	sld [smem:$0x3FFC];
	_ =	sdelay $0x3  }
0x97: {  	_ =	strace s6  }
0x98: {  	s6 =	sld [smem:$0x3FFD];
	_ =	sdelay $0x3  }
0x99: {  	_ =	strace s6  }
0x9a: {  	_ =	strace $0x8FFFFFFF  }
0x9b: {  	s20 =	sld [smem:$0x3FDB];
	_ =	sdelay $0x1  }
0x9c: {  	s7 =	simm.s32 $_scs_section_size  }
0x9d: {  	s8 =	simm.s32 $_size__tile_overlayer_lowered;
	s9 =	simm.s32 $_tile_overlayer_lowered  }
0x9e: {  	s23 =	simm.s32 $0x1BFF;
	s22 =	sshll.u32 s9, $0x1;
	s6 =	sadd.s32 s7, s20  }
0x9f: {  	s10 =	simm.s32 $0x0;
	s21 =	sshll.u32 s8, $0x1;
	s8 =	sadd.s32 s22, s6  }
0xa0: {  	[timem:s10], [sflag:s23] =	dma.local [hbm:s8], s21  }
0xa1: {  	_ =	swait.ge [sflag:s23], s21  }
0xa2: {  	s7 =	ssub.s32 $0x0, s21;
	[sflag:s23] =	ssyncset.done $0x0  }
0xa3: {  	[sflag:s23] =	ssyncadd.s32 s7;
	_ =	sdelay $0x1  }
0xa4: {  	s24 =	simm.s32 $0x1B8B  }
0xa5: {  	_ =	swait.ge [sflag:s24], $0x1  }
0xa6: {  	[sflag:s24] =	ssyncset.done $0x0  }
0xa7: {  	s25 =	simm.s32 $0x1B8E;
	[sflag:s24] =	ssyncadd.s32 $0xFFFFFFFF  }
0xa8: {  	s26 =	simm.s32 $execute0_lowered;
	[smem:$0x3FD2] =	sst s25  }
0xa9: {  	s7 =	sshll.u32 s26, $0x1;
	_ =	strace $0x80000046;
	[dreg:$0x1] =	wrdreg $0xFFFFFFFF  }
0xaa: {  	s28 =	simm.s32 $_size_execute0_lowered;
	s6 =	sadd.s32 s6, s7;
	[dreg:$0x0] =	wrdreg $0x0  }
0xab: {  	s7 =	sshll.u32 s28, $0x1;
	[dreg:$0x2] =	wrdreg s6  }
0xac: {  	[dreg:$0x3] =	wrdreg s7  }
0xad: {  	[dreg:$0x4] =	wrdreg $0xC0  }
0xae: {  	_ =	task [dreg:s10], $0x5FFFF  }
0xaf: {  	[dreg:$0x1] =	wrdreg $0xFFFFFFFF  }
0xb0: {  	[dreg:$0x0] =	wrdreg $0x60  }
0xb1: {  	[dreg:$0x2] =	wrdreg s19  }
0xb2: {  	[dreg:$0x3] =	wrdreg s4  }
0xb3: {  	[dreg:$0x4] =	wrdreg s2  }
0xb4: {  	[dreg:$0x5] =	wrdreg s5  }
0xb5: {  	[dreg:$0x6] =	wrdreg $0x9  }
0xb6: {  	_ =	task.clear_ibuf [dreg:s10], $0x7FFFF;
	_ =	strace $0x90000046  }
0xb7: {  	s29 =	simm.s32 $0x9;
	_ =	strace $0x80000048  }
0xb8: {  	_ =	swait.ge [sflag:s29], $0x1  }
0xb9: {  	[sflag:s29] =	ssyncadd.s32 $0xFFFFFFFF  }
0xba: {  	_ =	strace $0x90000048  }
0xbb: {  	_ =	sfence  }
0xbc: {  	s30 =	sld [smem:$0x0];
	_ =	sdelay $0x2  }
0xbd: {  	s31 =	sshll.u32 s1, $0xD;
	s1 =	sshrl.u32 s1, $0x2  }
0xbe: {  	s3 =	sand.u32 $0x4000, s31;
	s1 =	sadd.s32 s1, s30  }
0xbf: {  	s0 =	sor.u32 s3, s0;
	s1 =	sshll.u32 s1, $0x11  }
0xc0: {  	s0 =	sor.u32 s1, s0  }
0xc1: {  	s0 =	sadd.s32 $0x8F2B, s0  }
0xc2: {  	[sflag:s0] =	ssyncadd.remote.s32 $0x1  }
0xc3: {  	_ =	sfence.sel $0xFFFF  }
0xc4: {  	[dreg:$0x0] =	wrdreg $0xFFFFFFFF;
	(pc) =	sbr.abs _section_cstart, $3  }
0xc5: {  	[dreg:$0x1] =	wrdreg $0xFFFFFFFF  }
0xc6: {  	_ =	task.clear_ibuf [dreg:s10], $0x2FFFF;
	_ =	strace $0x9FFFFFFF  }
0xc7: {  	(tm) =	ssettm $0x7FFFFFFF  }
tec
execute0_lowered:
.L_overlay_start_1:
0x0: {  	(tag) =	ssettag $0x1  }
0x1: {  	s6 =	rddreg [dreg:$0x2]  }
0x2: {  	s2 =	rddreg [dreg:$0x3];
	s4 =	simm.s32 $0x0;
	s0 =	srdreg.scid  }
0x3: {  	s8 =	stileid.u32;
	s29 =	simm.s32 $0x3;
	s30 =	simm.s32 $0x4  }
0x4: {  	s31 =	simm.s32 $0x0;
	[smem:$0x7FF] =	sst s4;
	s1 =	sand.u32 $0x1, s0  }
0x5: {  	s17 =	sshll.u32 s8, $0x1;
	s0 =	sshrl.u32 s8, $0x3;
	_ =	strace $0x80000047  }
0x6: {  	s3 =	ssub.s32 $0x2, s1;
	s5 =	sand.u32 $0xE, s17;
	s20 =	sshll.u32 s0, $0x7  }
0x7: {  	s23 =	sshll.u32 s0, $0x13;
	s13 =	sor.u32 $0x4, s0;
	s7 =	sshrl.u32 s3, $0x1  }
0x8: {  	s5 =	sor.u32 s1, s5;
	s1 =	sor.u32 $0x2, s0;
	s15 =	sshll.u32 s13, $0x7  }
0x9: {  	s26 =	sshll.u32 s13, $0x13;
	s7 =	ssub.s32 s3, s7;
	s18 =	sshll.u32 s5, $0xF  }
0xa: {  	s9 =	sshll.u32 s1, $0x7;
	s10 =	sshll.u32 s5, $0x1;
	s19 =	sand.u32 $0x18000, s18  }
0xb: {  	s17 =	sshll.u32 s1, $0x13;
	s7 =	smax.u32 s7, $0x1;
	s3 =	sor.u32 s20, s19  }
0xc: {  	s21 =	sor.u32 s9, s19;
	s9 =	sand.u32 $0x18, s10;
	s15 =	sor.u32 s15, s19  }
0xd: {  	[dreg:$0xe] =	wrdreg s7;
	s3 =	sshrl.u32 s3, $0x3;
	s11 =	sshrl.u32 s21, $0x3  }
0xe: {  	s12 =	sor.u32 $0x1, s9;
	s24 =	sshll.u32 s9, $0xE;
	s15 =	sshrl.u32 s15, $0x3  }
0xf: {  	s5 =	sadd.s32 s6, s3;
	s22 =	sadd.s32 s6, s11;
	s14 =	sor.u32 s23, s24  }
0x10: {  	s3 =	sor.u32 $0x6, s0;
	s15 =	sadd.s32 s6, s15;
	s25 =	sor.u32 s17, s24  }
0x11: {  	[dreg:$0x6] =	wrdreg s22;
	s14 =	sor.u32 s19, s14;
	s16 =	sshll.u32 s3, $0x7  }
0x12: {  	[dreg:$0x7] =	wrdreg s15;
	s15 =	sor.u32 s19, s25;
	s28 =	sshll.u32 s3, $0x13  }
0x13: {  	s25 =	sor.u32 $0x7, s10;
	[dreg:$0x5] =	wrdreg s5;
	s5 =	sadd.s32 $0x4000, s5  }
0x14: {  	s16 =	sor.u32 s16, s19;
	s17 =	sor.u32 s28, s24;
	s14 =	sshrl.u32 s14, $0x3  }
0x15: {  	s15 =	sshrl.u32 s15, $0x3;
	s28 =	sor.u32 $0x5, s9;
	[dreg:$0xf] =	wrdreg s5  }
0x16: {  	v7 =	vmov s25;
	s25 =	simm.s32 $0x7880;
	s16 =	sshrl.u32 s16, $0x3;
	s14 =	sadd.s32 s2, s14  }
0x17: {  	s17 =	sor.u32 s19, s17;
	s20 =	sadd.s32 s2, s15;
	[dreg:$0x9] =	wrdreg s14  }
0x18: {  	s6 =	sadd.s32 s6, s16;
	s16 =	sor.u32 s26, s24;
	[dreg:$0xa] =	wrdreg s20  }
0x19: {  	s22 =	sshrl.u32 s17, $0x3;
	s26 =	sor.u32 $0x4, s9;
	s17 =	simm.s32 $0x400  }
0x1a: {  	[dreg:$0x8] =	wrdreg s6;
	s6 =	sor.u32 $0x8, s0;
	s16 =	sor.u32 s19, s16  }
0x1b: {  	s23 =	sadd.s32 s2, s22;
	v4 =	vmov s26;
	s22 =	simm.s32 $0x1;
	s26 =	simm.s32 $0x2  }
0x1c: {  	s18 =	sshll.u32 s6, $0x13;
	s21 =	sshrl.u32 s16, $0x3;
	[dreg:$0xc] =	wrdreg s23  }
0x1d: {  	v11 =	vlaneseq.u32;
	s16 =	simm.s32 $0x80;
	s11 =	sor.u32 s18, s24;
	s18 =	sor.u32 $0x2, s9  }
0x1e: {  	v14 =	vor.u32 $0x10, v11;
	v8 =	vmov s0;
	v10 =	vmov s13;
	s14 =	sadd.s32 s2, s21;
	s24 =	sor.u32 $0x6, s10;
	s8 =	sor.u32 s19, s11  }
0x1f: {  	v9 =	vmov s1;
	v0 =	vmov s9;
	v1 =	vmov s12;
	s21 =	simm.s32 $0x5800;
	s19 =	sor.u32 $0x3, s9;
	s8 =	sshrl.u32 s8, $0x3  }
0x20: {  	v12 =	vmov s3;
	v5 =	vmov s28;
	[dreg:$0xb] =	wrdreg s14;
	v2 =	vmov s18;
	s18 =	simm.s32 $0x5880;
	s2 =	sadd.s32 s2, s8  }
0x21: {  	v13 =	vmov s6;
	v6 =	vmov s24;
	s24 =	simm.s32 $0x1000;
	v3 =	vmov s19;
	s19 =	simm.s32 $0x5;
	[dreg:$0xd] =	wrdreg s2  }
.LBB2_1:
0x22: {  	s0 =	rddreg [dreg:$0x5]  }
0x23: {  	[tilespmem:s18], [sflag:$0x1] =	stream.strided.gather [hbm4b:s0+s16], $0x1000, s17, s16, $0x38;
	[tilespmem:$0x17880] =	vst v63  }
0x24: {  	s23 =	rddreg [dreg:$0x0]  }
0x25: {  	[tilespmem:s4], [sflag:$0x5] =	stream.linear.gather [hbm4b:s23+s4], $0x700, $0x38;
	[tilespmem:$0x17880] =	vst v63  }
0x26: {  	_ =	swait.ge [sflag:s19], $0x700  }
0x27: {  	[sflag:s19] =	ssyncset.done $0x0  }
0x28: {  	[sflag:s19] =	ssyncadd.s32 $0xFFFFF900  }
0x29: {  	s1 =	simm.s32 $0x800;
	s28 =	rddreg [dreg:$0x1]  }
0x2a: {  	[tilespmem:s1], [sflag:$0x5] =	stream.linear.gather [hbm4b:s28+s4], $0x500, $0x38;
	[tilespmem:$0x17880] =	vst v63  }
0x2b: {  	_ =	swait.ge [sflag:s19], $0x500  }
0x2c: {  	s2 =	simm.s32 $0x0;
	[sflag:s19] =	ssyncset.done $0x0  }
0x2d: {  	s0 =	simm.s32 $0x1010;
	s1 =	simm.s32 $0x0;
	[sflag:s19] =	ssyncadd.s32 $0xFFFFFB00  }
.LBB2_2:
0x2e: {  	s3 =	sshll.u32 s2, $0x7;
	s6 =	simm.s32 $0x0  }
0x2f: {  	s3 =	sand.u32 $0x3FFFFF80, s3;
	v16 =	vld [tilespmem:s6+$0x800]  }
0x30: {  	v15 =	vld [tilespmem:s3+$0x0];
	_ =	sdelay $0x4  }
0x31: {  	v15 =	vadd.f32 v16, v15;
	_ =	sdelay $0x1  }
0x32: {  	[tilespmem:$0x5800] =	vst v15  }
0x33: {  	v15 =	vld [tilespmem:s3+$0x10]  }
0x34: {  	v16 =	vld [tilespmem:s6+$0x810]  }
0x35: {  	v17 =	vmov s1  }
0x36: {  	v18 =	vsub.s32 v11, v17  }
0x37: {  	v18 =	vand.u32 $0x1F, v18;
	_ =	sdelay $0x1  }
0x38: {  	v15 =	vadd.f32 v16, v15;
	_ =	sdelay $0x1  }
0x39: {  	[tilespmem:$0x5810] =	vst v15  }
0x3a: {  	v16 =	vsub.s32 v14, v17;
	v15 =	vmov s0;
	v17 =	vld.idx.msk [tilespmem:v18+s21+$0x0], $0xffff  }
0x3b: {  	v16 =	vand.u32 $0x1F, v16;
	_ =	sdelay $0x3  }
0x3c: {  	[tilespmem:v15+s6+$0xFFFFFFF0 ss:$0x1] =	vst.idx.msk $0xffff, v17  }
0x3d: {  	s7 =	simm.s32 $0x200;
	s8 =	smov.u32 s1;
	v16 =	vld.idx.msk [tilespmem:v16+s21+$0x0], $0xffff  }
.LBB2_3:
0x3e: {  	_ =	sdelay $0x1  }
0x3f: {  	p0 =	sne.s32 s7, $0x1200  }
0x40: {  	s8 =	sadd.s32 $0x1, s8;
	s9 =	smov.u32 s7;
	s7 =	sadd.s32 $0x200, s7  }
0x41: {  	[tilespmem:v15+s6+$0x0 ss:$0x1] =	vst.idx.msk $0xffff, v16  }
0x42: {  	s6 =	sshra.s32 s9, $0x2;
	v16 =	vld [tilespmem:s3+$0x0]  }
0x43: {  	v17 =	vld [tilespmem:s6+$0x800];
	_ =	sdelay $0x4  }
0x44: {  	v16 =	vadd.f32 v17, v16;
	_ =	sdelay $0x1  }
0x45: {  	[tilespmem:$0x5800] =	vst v16  }
0x46: {  	v16 =	vld [tilespmem:s3+$0x10]  }
0x47: {  	v18 =	vmov s8;
	v17 =	vld [tilespmem:s6+$0x810]  }
0x48: {  	v19 =	vsub.s32 v11, v18;
	v18 =	vsub.s32 v14, v18  }
0x49: {  	v19 =	vand.u32 $0x1F, v19;
	_ =	sdelay $0x2  }
0x4a: {  	v16 =	vadd.f32 v17, v16;
	_ =	sdelay $0x1  }
0x4b: {  	[tilespmem:$0x5810] =	vst v16  }
0x4c: {  	v16 =	vld.idx.msk [tilespmem:v19+s21+$0x0], $0xffff  }
0x4d: {  	v17 =	vand.u32 $0x1F, v18;
	_ =	sdelay $0x1  }
.Ltmp0:
0x4e: {  	(pc) =	sbr.rel @p0 .LBB2_3-.Ltmp0, $3  }
0x4f: {  	_ =	sdelay $0x1  }
0x50: {  	[tilespmem:v15+s6+$0xFFFFFFF0 ss:$0x1] =	vst.idx.msk $0xffff, v16  }
0x51: {  	v16 =	vld.idx.msk [tilespmem:v17+s21+$0x0], $0xffff  }
0x52: {  	s2 =	sadd.s32 $0x1, s2  }
0x53: {  	p0 =	sne.s32 s2, $0xE  }
.Ltmp1:
0x54: {  	_ = 	snop;
	(pc) =	sbr.rel @p0 .LBB2_2-.Ltmp1, $2  }
0x55: {  	_ =	sdelay $0x2  }
0x56: {  	s0 =	sadd.s32 $0x500, s0;
	s1 =	sadd.s32 $0xA, s1;
	[tilespmem:v15+s6+$0x0 ss:$0x1] =	vst.idx.msk $0xffff, v16  }
0x57: {  	_ =	swait.ge [sflag:s22], $0x1000;
	s1 =	simm.s32 $0x6880;
	s2 =	simm.s32 $0x0  }
0x58: {  	[sflag:s22] =	ssyncset.done $0x0;
	s0 =	rddreg [dreg:$0x6];
	s10 =	sand.u32 $0x60, s2  }
0x59: {  	s11 =	sand.u32 $0xF80, s2;
	[sflag:s22] =	ssyncadd.s32 $0xFFFFF000;
	s6 =	sor.u32 $0x10, s10  }
0x5a: {  	[tilespmem:s1], [sflag:$0x2] =	stream.strided.gather [hbm4b:s0+s16], $0x1000, s17, s16, $0x38;
	[tilespmem:$0x17880] =	vst v63  }
0x5b: {  	s1 =	sor.u32 s6, s11  }
0x5c: {  	v15 =	vld [tilespmem:s1+$0x5880]  }
0x5d: {  	s12 =	simm.s32 $0x5880  }
0x5e: {  	v16 =	vld [tilespmem:s12+$0x0];
	_ =	sdelay $0x2  }
0x5f: {  	v15 =	vmul.u32 $0xA, v15;
	_ =	sdelay $0x1  }
0x60: {  	v28 =	vor.u32 v8, v15;
	v15 =	vmul.u32 $0xA, v16  }
0x61: {  	v16 =	vadd.s32 v0, v28  }
0x62: {  	v23 =	vshll.u32 v28, $0x7;
	v16 =	vand.u32 $0x1F, v16;
	v27 =	vor.u32 v8, v15  }
0x63: {  	s7 =	simm.s32 $0x20;
	v15 =	vor.u32 v23, v16;
	v16 =	vadd.s32 v0, v27  }
0x64: {  	s3 =	sand.u32 $0x60, s7;
	v19 =	vshll.u32 v27, $0x7;
	v16 =	vand.u32 $0x1F, v16  }
0x65: {  	s13 =	simm.s32 $0x58A0;
	s7 =	sand.u32 $0xF80, s7;
	s14 =	sor.u32 $0x10, s3;
	v16 =	vor.u32 v19, v16  }
0x66: {  	s7 =	sor.u32 s14, s7;
	v17 =	vld [tilespmem:s13+$0x0]  }
0x67: {  	v20 =	vld [tilespmem:s7+$0x5880];
	v18 =	vadd.s32 v1, v28  }
0x68: {  	v18 =	vand.u32 $0x1F, v18;
	v15 =	vld.idx.msk [tilespmem:v15+s24+$0x0], $0xffff  }
0x69: {  	v21 =	vadd.s32 v1, v27;
	v18 =	vor.u32 v23, v18  }
0x6a: {  	s15 =	sand.u32 $0x7C00, s2;
	v22 =	vld.idx.msk [tilespmem:v16+s24+$0x0], $0xffff;
	v16 =	vand.u32 $0x1F, v21  }
0x6b: {  	s8 =	sadd.s32 $0x7880, s15;
	v21 =	vor.u32 v19, v16  }
0x6c: {  	s7 =	sor.u32 s6, s8  }
0x6d: {  	v16 =	vmul.u32 $0xA, v17;
	v17 =	vmul.u32 $0xA, v20;
	[tilespmem:s7+$0x0] =	vst v15;
	v15 =	vadd.s32 v2, v28  }
0x6e: {  	s6 =	sor.u32 s10, s8;
	v24 =	vadd.s32 v2, v27;
	v20 =	vld.idx.msk [tilespmem:v18+s24+$0x0], $0xffff;
	v15 =	vand.u32 $0x1F, v15  }
0x6f: {  	v16 =	vor.u32 v8, v16;
	v18 =	vor.u32 v8, v17;
	[tilespmem:s6+$0x0] =	vst v22;
	v22 =	vor.u32 v23, v15  }
0x70: {  	v15 =	vand.u32 $0x1F, v24;
	v24 =	vadd.s32 v0, v16;
	v17 =	vadd.s32 v0, v18;
	v21 =	vld.idx.msk [tilespmem:v21+s24+$0x0], $0xffff  }
0x71: {  	s23 =	simm.s32 $0x40;
	v25 =	vor.u32 v19, v15;
	v26 =	vand.u32 $0x1F, v17;
	v17 =	vshll.u32 v18, $0x7  }
0x72: {  	s20 =	simm.s32 $0x58C0;
	s5 =	sand.u32 $0x60, s23;
	v15 =	vshll.u32 v16, $0x7;
	v24 =	vand.u32 $0x1F, v24;
	v26 =	vor.u32 v17, v26  }
0x73: {  	s0 =	sand.u32 $0xF80, s23;
	v29 =	vld [tilespmem:s20+$0x0];
	s12 =	sor.u32 $0x10, s5;
	v24 =	vor.u32 v15, v24;
	[tilespmem:s7+$0x80] =	vst v20;
	v20 =	vadd.s32 v3, v28  }
0x74: {  	s9 =	sor.u32 s12, s0;
	v22 =	vld.idx.msk [tilespmem:v22+s24+$0x0], $0xffff;
	v20 =	vand.u32 $0x1F, v20  }
0x75: {  	v32 =	vld [tilespmem:s9+$0x5880];
	[tilespmem:s6+$0x80] =	vst v21;
	v20 =	vor.u32 v23, v20;
	v21 =	vadd.s32 v3, v27  }
0x76: {  	v30 =	vadd.s32 v1, v18;
	v25 =	vld.idx.msk [tilespmem:v25+s24+$0x0], $0xffff;
	v21 =	vand.u32 $0x1F, v21  }
0x77: {  	v30 =	vand.u32 $0x1F, v30;
	v26 =	vld.idx.msk [tilespmem:v26+s24+$0x0], $0xffff;
	v31 =	vor.u32 v19, v21  }
0x78: {  	s0 =	simm.s32 $0x100;
	v30 =	vor.u32 v17, v30;
	v24 =	vld.idx.msk [tilespmem:v24+s24+$0x0], $0xffff;
	v21 =	vadd.s32 v1, v16  }
0x79: {  	s13 =	sand.u32 $0x7C00, s0;
	v29 =	vmul.u32 $0xA, v29;
	v21 =	vand.u32 $0x1F, v21;
	[tilespmem:s7+$0x100] =	vst v22;
	v22 =	vadd.s32 v4, v28  }
0x7a: {  	s9 =	sadd.s32 $0x7880, s13;
	v33 =	vor.u32 v15, v21;
	v34 =	vld.idx.msk [tilespmem:v20+s24+$0x0], $0xffff;
	v20 =	vand.u32 $0x1F, v22  }
0x7b: {  	s1 =	sor.u32 s14, s9;
	v21 =	vor.u32 v8, v29;
	[tilespmem:s6+$0x100] =	vst v25;
	v22 =	vor.u32 v23, v20;
	v20 =	vadd.s32 v4, v27  }
0x7c: {  	s3 =	sor.u32 s3, s9;
	v29 =	vadd.s32 v5, v27;
	v25 =	vadd.s32 v2, v16;
	[tilespmem:s1+$0x0] =	vst v26;
	v31 =	vld.idx.msk [tilespmem:v31+s24+$0x0], $0xffff;
	v20 =	vand.u32 $0x1F, v20  }
0x7d: {  	v32 =	vmul.u32 $0xA, v32;
	[tilespmem:s3+$0x0] =	vst v24;
	v24 =	vadd.s32 v2, v18;
	v26 =	vld.idx.msk [tilespmem:v30+s24+$0x0], $0xffff;
	v30 =	vor.u32 v19, v20  }
0x7e: {  	v36 =	vadd.s32 v0, v21;
	v25 =	vand.u32 $0x1F, v25;
	v24 =	vand.u32 $0x1F, v24  }
0x7f: {  	v20 =	vshll.u32 v21, $0x7;
	v53 =	vor.u32 v17, v24;
	v24 =	vadd.s32 v5, v28;
	v33 =	vld.idx.msk [tilespmem:v33+s24+$0x0], $0xffff;
	[tilespmem:s7+$0x180] =	vst v34  }
0x80: {  	v37 =	vor.u32 v15, v25;
	v25 =	vor.u32 v8, v32;
	v24 =	vand.u32 $0x1F, v24;
	v22 =	vld.idx.msk [tilespmem:v22+s24+$0x0], $0xffff  }
0x81: {  	v32 =	vadd.s32 v0, v25;
	[tilespmem:s6+$0x180] =	vst v31;
	v31 =	vor.u32 v23, v24;
	v24 =	vand.u32 $0x1F, v36  }
0x82: {  	s14 =	simm.s32 $0x58E0;
	v32 =	vand.u32 $0x1F, v32;
	v30 =	vld.idx.msk [tilespmem:v30+s24+$0x0], $0xffff;
	v36 =	vor.u32 v20, v24;
	v24 =	vshll.u32 v25, $0x7  }
0x83: {  	v35 =	vld [tilespmem:s14+$0x0];
	v58 =	vadd.s32 v6, v28;
	v29 =	vand.u32 $0x1F, v29;
	[tilespmem:s1+$0x80] =	vst v26;
	v26 =	vor.u32 v24, v32  }
0x84: {  	v54 =	vadd.s32 v3, v18;
	v29 =	vor.u32 v19, v29;
	v55 =	vld.idx.msk [tilespmem:v53+s24+$0x0], $0xffff;
	[tilespmem:s3+$0x80] =	vst v33  }
0x85: {  	v59 =	vand.u32 $0x1F, v58;
	v61 =	vadd.s32 v6, v27;
	v32 =	vand.u32 $0x1F, v54;
	v56 =	vld.idx.msk [tilespmem:v37+s24+$0x0], $0xffff;
	[tilespmem:s7+$0x200] =	vst v22  }
0x86: {  	s28 =	simm.s32 $0x60;
	v63 =	vand.u32 $0x1F, v61;
	v57 =	vor.u32 v17, v32;
	v41 =	vld.idx.msk [tilespmem:v31+s24+$0x0], $0xffff;
	v31 =	vadd.s32 v3, v16  }
0x87: {  	s11 =	sand.u32 $0x60, s28;
	v62 =	vadd.s32 v4, v18;
	v32 =	vld.idx.msk [tilespmem:v36+s24+$0x0], $0xffff;
	v31 =	vand.u32 $0x1F, v31;
	[tilespmem:s6+$0x200] =	vst v30;
	v30 =	vor.u32 v23, v59  }
0x88: {  	s15 =	sand.u32 $0xF80, s28;
	s14 =	sor.u32 $0x10, s11;
	v38 =	vadd.s32 v1, v21;
	v60 =	vadd.s32 v1, v25;
	v37 =	vld.idx.msk [tilespmem:v26+s24+$0x0], $0xffff;
	v42 =	vor.u32 v15, v31  }
0x89: {  	s20 =	simm.s32 $0x200;
	s9 =	sor.u32 s14, s15;
	v28 =	vadd.s32 v7, v28;
	v22 =	vmul.u32 $0xA, v35;
	v36 =	vand.u32 $0x1F, v60;
	v31 =	vld.idx.msk [tilespmem:v29+s24+$0x0], $0xffff  }
0x8a: {  	s10 =	sand.u32 $0x7C00, s20;
	[tilespmem:s1+$0x100] =	vst v55;
	v26 =	vadd.s32 v7, v27;
	v27 =	vand.u32 $0x1F, v38;
	v39 =	vor.u32 v24, v36;
	v29 =	vld [tilespmem:s9+$0x5880]  }
0x8b: {  	s23 =	sadd.s32 $0x7880, s10;
	v34 =	vor.u32 v19, v63;
	v35 =	vand.u32 $0x1F, v62;
	v38 =	vld.idx.msk [tilespmem:v57+s24+$0x0], $0xffff;
	v40 =	vor.u32 v20, v27;
	[tilespmem:s7+$0x280] =	vst v41  }
0x8c: {  	s10 =	simm.s32 $0x5900;
	s8 =	sor.u32 s5, s23;
	v22 =	vor.u32 v8, v22;
	s9 =	simm.s32 $0x6;
	v36 =	vor.u32 v17, v35;
	[tilespmem:s3+$0x100] =	vst v56;
	v35 =	vld.idx.msk [tilespmem:v30+s24+$0x0], $0xffff  }
0x8d: {  	v27 =	vadd.s32 v5, v16;
	s7 =	sor.u32 s12, s23;
	v41 =	vadd.s32 v4, v16;
	s12 =	sand.u32 $0x3, s2;
	s23 =	simm.s32 $0x0;
	v33 =	vld.idx.msk [tilespmem:v42+s24+$0x0], $0xffff;
	v42 =	vand.u32 $0x1F, v28  }
.LBB2_6:
0x8e: {  	v30 =	vld [tilespmem:s10+$0x0];
	v44 =	vadd.s32 v2, v21;
	[tilespmem:s7+$0x0] =	vst v37;
	v37 =	vand.u32 $0x1F, v41;
	s15 =	sshll.u32 s12, $0x5;
	v41 =	vor.u32 v23, v42;
	v28 =	vmovc v25;
	s12 =	smov.u32 s11;
	s13 =	smov.u32 s14  }
0x8f: {  	v23 =	vmov v17;
	[tilespmem:s8+$0x0] =	vst v32;
	v32 =	vld.idx.msk [tilespmem:v39+s24+$0x0], $0xffff;
	v25 =	vadd.s32 v2, v28;
	v37 =	vor.u32 v15, v37;
	s11 =	sadd.s32 s15, s2;
	s2 =	smov.u32 s0;
	s0 =	smov.u32 s20  }
0x90: {  	v17 =	vmovc v24;
	v43 =	vmovc v21;
	v39 =	vshll.u32 v22, $0x7;
	v42 =	vand.u32 $0x1F, v44;
	v40 =	vld.idx.msk [tilespmem:v40+s24+$0x0], $0xffff;
	v25 =	vand.u32 $0x1F, v25;
	[tilespmem:s1+$0x180] =	vst v38;
	s14 =	sor.u32 $0x300, s11;
	s15 =	sor.u32 $0x380, s11;
	s11 =	sadd.s32 $0x10, s11  }
0x91: {  	v24 =	vadd.s32 v5, v18;
	v21 =	vmul.u32 $0xA, v29;
	v29 =	vor.u32 v17, v25;
	v36 =	vld.idx.msk [tilespmem:v36+s24+$0x0], $0xffff;
	[tilespmem:s6+$0x280] =	vst v31;
	s5 =	sor.u32 $0x300, s11;
	s6 =	smov.u32 s3;
	s3 =	smov.u32 s8  }
0x92: {  	v24 =	vand.u32 $0x1F, v24;
	v38 =	vor.u32 v20, v42;
	v31 =	vadd.s32 v0, v22;
	v34 =	vld.idx.msk [tilespmem:v34+s24+$0x0], $0xffff;
	[tilespmem:s5+$0x7880] =	vst v35  }
0x93: {  	v25 =	vor.u32 v8, v21;
	v21 =	vand.u32 $0x1F, v26;
	[tilespmem:s6+$0x180] =	vst v33;
	v33 =	vor.u32 v23, v24;
	v26 =	vld.idx.msk [tilespmem:v41+s24+$0x0], $0xffff  }
0x94: {  	v24 =	vand.u32 $0x1F, v31;
	v31 =	vadd.s32 v0, v25;
	v35 =	vld.idx.msk [tilespmem:v37+s24+$0x0], $0xffff;
	v37 =	vor.u32 v19, v21;
	v19 =	vmovc v15  }
0x95: {  	v41 =	vor.u32 v39, v24;
	v42 =	vand.u32 $0x1F, v31;
	v24 =	vshll.u32 v25, $0x7;
	v15 =	vmovc v20;
	v20 =	vmovc v39;
	[tilespmem:s7+$0x80] =	vst v32  }
0x96: {  	v27 =	vand.u32 $0x1F, v27;
	v39 =	vadd.s32 v3, v28;
	v31 =	vor.u32 v24, v42;
	[tilespmem:s3+$0x80] =	vst v40;
	v29 =	vld.idx.msk [tilespmem:v29+s24+$0x0], $0xffff  }
0x97: {  	v32 =	vand.u32 $0x1F, v39;
	v27 =	vor.u32 v19, v27;
	v21 =	vmov v22;
	v38 =	vld.idx.msk [tilespmem:v38+s24+$0x0], $0xffff;
	[tilespmem:s1+$0x200] =	vst v36  }
0x98: {  	s5 =	sor.u32 $0x380, s11;
	v22 =	vmul.u32 $0xA, v30;
	v30 =	vor.u32 v17, v32;
	v32 =	vadd.s32 v6, v18;
	v33 =	vld.idx.msk [tilespmem:v33+s24+$0x0], $0xffff;
	[tilespmem:s14+$0x7880] =	vst v34  }
0x99: {  	v36 =	vand.u32 $0x1F, v32;
	v34 =	vadd.s32 v3, v43;
	v42 =	vld.idx.msk [tilespmem:v37+s24+$0x0], $0xffff;
	[tilespmem:s5+$0x7880] =	vst v26  }
0x9a: {  	s28 =	sadd.s32 $0x20, s28;
	s9 =	sadd.s32 $0x2, s9;
	v22 =	vor.u32 v8, v22;
	v26 =	vand.u32 $0x1F, v34;
	v34 =	vor.u32 v23, v36;
	v32 =	vld.idx.msk [tilespmem:v41+s24+$0x0], $0xffff;
	[tilespmem:s6+$0x200] =	vst v35  }
0x9b: {  	p0 =	slt.u32 s9, $0xFE;
	s11 =	sand.u32 $0x60, s28;
	v41 =	vor.u32 v15, v26;
	v26 =	vadd.s32 v7, v16;
	v37 =	vld.idx.msk [tilespmem:v31+s24+$0x0], $0xffff;
	v31 =	vadd.s32 v1, v25  }
.Ltmp2:
0x9c: {  	v44 =	vadd.s32 v6, v16;
	s14 =	sor.u32 $0x10, s11;
	s5 =	sand.u32 $0xF80, s28;
	v35 =	vadd.s32 v1, v21;
	v36 =	vand.u32 $0x1F, v31;
	[tilespmem:s7+$0x100] =	vst v29;
	v31 =	vld.idx.msk [tilespmem:v27+s24+$0x0], $0xffff;
	(pc) =	sbr.rel @p0 .LBB2_6-.Ltmp2, $4  }
0x9d: {  	s20 =	sadd.s32 $0x100, s20;
	s5 =	sor.u32 s14, s5;
	v35 =	vand.u32 $0x1F, v35;
	v39 =	vor.u32 v24, v36;
	[tilespmem:s3+$0x100] =	vst v38;
	v38 =	vld.idx.msk [tilespmem:v30+s24+$0x0], $0xffff;
	v30 =	vadd.s32 v4, v28  }
0x9e: {  	v16 =	vmovc v43;
	v40 =	vor.u32 v20, v35;
	v27 =	vadd.s32 v5, v43;
	v29 =	vld [tilespmem:s5+$0x5880];
	s5 =	sand.u32 $0x7C00, s20;
	v30 =	vand.u32 $0x1F, v30;
	[tilespmem:s1+$0x280] =	vst v33;
	s1 =	smov.u32 s7  }
0x9f: {  	s10 =	sadd.s32 $0x20, s10;
	s23 =	sadd.s32 $0x1, s23;
	v43 =	vadd.s32 v7, v18;
	s5 =	sadd.s32 $0x7880, s5;
	v36 =	vor.u32 v17, v30;
	v30 =	vand.u32 $0x1F, v44;
	v35 =	vld.idx.msk [tilespmem:v34+s24+$0x0], $0xffff;
	[tilespmem:s15+$0x7880] =	vst v42  }
0xa0: {  	v18 =	vmovc v28;
	v42 =	vand.u32 $0x1F, v43;
	s8 =	sor.u32 s12, s5;
	s7 =	sor.u32 s13, s5;
	v33 =	vld.idx.msk [tilespmem:v41+s24+$0x0], $0xffff;
	v41 =	vadd.s32 v4, v16;
	s12 =	sand.u32 $0x3, s23;
	v34 =	vor.u32 v19, v30  }
0xa1: {  	_ =	sdelay $0x1  }
0xa2: {  	v28 =	vmul.u32 $0xA, v29;
	_ =	sdelay $0x1  }
0xa3: {  	v30 =	vor.u32 v8, v28  }
0xa4: {  	v28 =	vadd.s32 v0, v30  }
0xa5: {  	v43 =	vadd.s32 v0, v22;
	v29 =	vshll.u32 v30, $0x7;
	v44 =	vand.u32 $0x1F, v28  }
0xa6: {  	v43 =	vand.u32 $0x1F, v43;
	v28 =	vshll.u32 v22, $0x7;
	v44 =	vor.u32 v29, v44  }
0xa7: {  	v43 =	vor.u32 v28, v43;
	_ =	sdelay $0x2  }
0xa8: {  	v45 =	vadd.s32 v1, v30  }
0xa9: {  	v46 =	vadd.s32 v1, v22;
	v45 =	vand.u32 $0x1F, v45;
	v44 =	vld.idx.msk [tilespmem:v44+s24+$0x0], $0xffff  }
0xaa: {  	s28 =	sadd.s32 $0x100, s20;
	v46 =	vand.u32 $0x1F, v46;
	v45 =	vor.u32 v29, v45;
	v43 =	vld.idx.msk [tilespmem:v43+s24+$0x0], $0xffff  }
0xab: {  	[tilespmem:s7+$0x0] =	vst v37;
	s5 =	sand.u32 $0x7C00, s28;
	v55 =	vor.u32 v28, v46  }
0xac: {  	[tilespmem:s8+$0x0] =	vst v32;
	v57 =	vadd.s32 v2, v21;
	s5 =	sadd.s32 $0x7880, s5  }
0xad: {  	v56 =	vadd.s32 v2, v25;
	s10 =	sshll.u32 s12, $0x5;
	[tilespmem:s1+$0x180] =	vst v38;
	v40 =	vld.idx.msk [tilespmem:v40+s24+$0x0], $0xffff;
	v38 =	vand.u32 $0x1F, v57;
	s9 =	sor.u32 s14, s5  }
0xae: {  	v39 =	vld.idx.msk [tilespmem:v39+s24+$0x0], $0xffff;
	v32 =	vand.u32 $0x1F, v56;
	s10 =	sadd.s32 s10, s2;
	v38 =	vor.u32 v20, v38;
	s2 =	sor.u32 s11, s5;
	v58 =	vadd.s32 v2, v30;
	[tilespmem:s9+$0x0] =	vst v44  }
0xaf: {  	v59 =	vadd.s32 v2, v22;
	v32 =	vor.u32 v24, v32;
	[tilespmem:s2+$0x0] =	vst v43;
	v44 =	vand.u32 $0x1F, v58;
	v45 =	vld.idx.msk [tilespmem:v45+s24+$0x0], $0xffff  }
0xb0: {  	[tilespmem:s6+$0x280] =	vst v31;
	v60 =	vand.u32 $0x1F, v59;
	v31 =	vld.idx.msk [tilespmem:v55+s24+$0x0], $0xffff;
	v61 =	vor.u32 v29, v44  }
0xb1: {  	v63 =	vadd.s32 v3, v25;
	[tilespmem:s3+$0x180] =	vst v33;
	v62 =	vor.u32 v28, v60  }
0xb2: {  	v23 =	vor.u32 v23, v42;
	v36 =	vld.idx.msk [tilespmem:v36+s24+$0x0], $0xffff;
	[tilespmem:s8+$0x80] =	vst v40;
	v44 =	vadd.s32 v3, v21  }
0xb3: {  	v50 =	vadd.s32 v5, v18;
	v51 =	vadd.s32 v4, v25;
	[tilespmem:s7+$0x80] =	vst v39;
	v38 =	vld.idx.msk [tilespmem:v38+s24+$0x0], $0xffff;
	v39 =	vand.u32 $0x1F, v44  }
0xb4: {  	v37 =	vand.u32 $0x1F, v63;
	s11 =	sadd.s32 $0x10, s10;
	v32 =	vld.idx.msk [tilespmem:v32+s24+$0x0], $0xffff;
	v39 =	vor.u32 v20, v39;
	[tilespmem:s9+$0x80] =	vst v45;
	v45 =	vadd.s32 v3, v30  }
0xb5: {  	v37 =	vor.u32 v24, v37;
	s12 =	sor.u32 $0x300, s11;
	v46 =	vadd.s32 v3, v22;
	[tilespmem:s2+$0x80] =	vst v31;
	v31 =	vld.idx.msk [tilespmem:v61+s24+$0x0], $0xffff;
	v40 =	vand.u32 $0x1F, v45  }
0xb6: {  	v52 =	vadd.s32 v4, v21;
	[tilespmem:s12+$0x7880] =	vst v35;
	v49 =	vand.u32 $0x1F, v46;
	v47 =	vld.idx.msk [tilespmem:v62+s24+$0x0], $0xffff;
	v48 =	vor.u32 v29, v40  }
0xb7: {  	v41 =	vand.u32 $0x1F, v41;
	v54 =	vadd.s32 v4, v22;
	v34 =	vld.idx.msk [tilespmem:v34+s24+$0x0], $0xffff;
	[tilespmem:s1+$0x200] =	vst v36;
	v40 =	vor.u32 v28, v49  }
0xb8: {  	v26 =	vand.u32 $0x1F, v26;
	v41 =	vor.u32 v15, v41;
	v23 =	vld.idx.msk [tilespmem:v23+s24+$0x0], $0xffff;
	v36 =	vand.u32 $0x1F, v50;
	[tilespmem:s8+$0x100] =	vst v38  }
0xb9: {  	v42 =	vadd.s32 v6, v25;
	v36 =	vor.u32 v17, v36;
	[tilespmem:s7+$0x100] =	vst v32;
	v38 =	vand.u32 $0x1F, v52;
	v39 =	vld.idx.msk [tilespmem:v39+s24+$0x0], $0xffff  }
0xba: {  	v32 =	vand.u32 $0x1F, v51;
	v37 =	vld.idx.msk [tilespmem:v37+s24+$0x0], $0xffff;
	v38 =	vor.u32 v20, v38;
	[tilespmem:s9+$0x100] =	vst v31;
	v31 =	vadd.s32 v4, v30  }
0xbb: {  	v19 =	vor.u32 v19, v26;
	s13 =	sor.u32 $0x300, s10;
	v32 =	vor.u32 v24, v32;
	[tilespmem:s2+$0x100] =	vst v47;
	v53 =	vld.idx.msk [tilespmem:v48+s24+$0x0], $0xffff;
	v31 =	vand.u32 $0x1F, v31  }
0xbc: {  	v57 =	vadd.s32 v5, v25;
	s5 =	sor.u32 $0x380, s11;
	v35 =	vand.u32 $0x1F, v54;
	[tilespmem:s13+$0x7880] =	vst v34;
	v55 =	vld.idx.msk [tilespmem:v40+s24+$0x0], $0xffff;
	v31 =	vor.u32 v29, v31  }
0xbd: {  	v63 =	vadd.s32 v6, v16;
	v56 =	vld.idx.msk [tilespmem:v41+s24+$0x0], $0xffff;
	[tilespmem:s5+$0x7880] =	vst v23;
	v23 =	vor.u32 v28, v35  }
0xbe: {  	v26 =	vand.u32 $0x1F, v27;
	v16 =	vadd.s32 v7, v16;
	v27 =	vld.idx.msk [tilespmem:v36+s24+$0x0], $0xffff;
	v58 =	vadd.s32 v5, v21;
	[tilespmem:s8+$0x180] =	vst v39  }
0xbf: {  	v25 =	vadd.s32 v7, v25;
	v26 =	vor.u32 v15, v26;
	[tilespmem:s7+$0x180] =	vst v37;
	v36 =	vand.u32 $0x1F, v58;
	v59 =	vld.idx.msk [tilespmem:v38+s24+$0x0], $0xffff  }
0xc0: {  	v60 =	vadd.s32 v5, v30;
	v35 =	vand.u32 $0x1F, v57;
	v32 =	vld.idx.msk [tilespmem:v32+s24+$0x0], $0xffff;
	v36 =	vor.u32 v20, v36;
	[tilespmem:s9+$0x180] =	vst v53  }
0xc1: {  	v33 =	vand.u32 $0x1F, v60;
	v35 =	vor.u32 v24, v35;
	v61 =	vadd.s32 v5, v22;
	[tilespmem:s2+$0x180] =	vst v55;
	v31 =	vld.idx.msk [tilespmem:v31+s24+$0x0], $0xffff  }
0xc2: {  	v33 =	vor.u32 v29, v33;
	[tilespmem:s3+$0x200] =	vst v56;
	v62 =	vadd.s32 v6, v18;
	v38 =	vand.u32 $0x1F, v61;
	v23 =	vld.idx.msk [tilespmem:v23+s24+$0x0], $0xffff  }
0xc3: {  	v19 =	vld.idx.msk [tilespmem:v19+s24+$0x0], $0xffff;
	v43 =	vadd.s32 v6, v21;
	[tilespmem:s1+$0x280] =	vst v27;
	v34 =	vand.u32 $0x1F, v62;
	v27 =	vor.u32 v28, v38  }
0xc4: {  	v41 =	vand.u32 $0x1F, v63;
	v26 =	vld.idx.msk [tilespmem:v26+s24+$0x0], $0xffff;
	v37 =	vand.u32 $0x1F, v43;
	v34 =	vor.u32 v17, v34;
	[tilespmem:s8+$0x200] =	vst v59  }
0xc5: {  	v37 =	vor.u32 v20, v37;
	[tilespmem:s7+$0x200] =	vst v32;
	v38 =	vor.u32 v15, v41;
	v36 =	vld.idx.msk [tilespmem:v36+s24+$0x0], $0xffff  }
0xc6: {  	v32 =	vand.u32 $0x1F, v42;
	v18 =	vadd.s32 v7, v18;
	v35 =	vld.idx.msk [tilespmem:v35+s24+$0x0], $0xffff;
	[tilespmem:s9+$0x200] =	vst v31;
	v31 =	vadd.s32 v6, v30  }
0xc7: {  	s14 =	sor.u32 $0x380, s10;
	v32 =	vor.u32 v24, v32;
	[tilespmem:s2+$0x200] =	vst v23;
	v23 =	vadd.s32 v6, v22;
	v33 =	vld.idx.msk [tilespmem:v33+s24+$0x0], $0xffff;
	v31 =	vand.u32 $0x1F, v31  }
0xc8: {  	s15 =	sadd.s32 $0x1, s23;
	[tilespmem:s14+$0x7880] =	vst v19;
	v18 =	vand.u32 $0x1F, v18;
	v27 =	vld.idx.msk [tilespmem:v27+s24+$0x0], $0xffff;
	v23 =	vand.u32 $0x1F, v23;
	v19 =	vor.u32 v29, v31  }
0xc9: {  	s23 =	sand.u32 $0x3, s15;
	v16 =	vand.u32 $0x1F, v16;
	[tilespmem:s3+$0x280] =	vst v26;
	v17 =	vor.u32 v17, v18;
	v31 =	vld.idx.msk [tilespmem:v34+s24+$0x0], $0xffff;
	v23 =	vor.u32 v28, v23  }
0xca: {  	s6 =	sshll.u32 s23, $0x5;
	v25 =	vand.u32 $0x1F, v25;
	v15 =	vor.u32 v15, v16;
	v16 =	vadd.s32 v7, v21;
	v18 =	vld.idx.msk [tilespmem:v38+s24+$0x0], $0xffff;
	[tilespmem:s8+$0x280] =	vst v36  }
0xcb: {  	s0 =	sadd.s32 s6, s0;
	s1 =	sadd.s32 $0x1, s15;
	v24 =	vor.u32 v24, v25;
	[tilespmem:s7+$0x280] =	vst v35;
	v16 =	vand.u32 $0x1F, v16;
	v25 =	vld.idx.msk [tilespmem:v37+s24+$0x0], $0xffff  }
0xcc: {  	v26 =	vadd.s32 v7, v30;
	s7 =	sand.u32 $0x3, s1;
	s1 =	sadd.s32 $0x1, s1;
	v21 =	vld.idx.msk [tilespmem:v32+s24+$0x0], $0xffff;
	v16 =	vor.u32 v20, v16;
	s8 =	sadd.s32 $0x10, s0;
	[tilespmem:s9+$0x280] =	vst v33  }
0xcd: {  	s3 =	sshll.u32 s7, $0x5;
	s1 =	sand.u32 $0x3, s1;
	v20 =	vadd.s32 v7, v22;
	v22 =	vand.u32 $0x1F, v26;
	s10 =	sor.u32 $0x300, s8;
	[tilespmem:s2+$0x280] =	vst v27;
	v19 =	vld.idx.msk [tilespmem:v19+s24+$0x0], $0xffff  }
0xce: {  	s11 =	sor.u32 $0x300, s0;
	s3 =	sadd.s32 s3, s20;
	s1 =	sshll.u32 s1, $0x5;
	v20 =	vand.u32 $0x1F, v20;
	v22 =	vor.u32 v29, v22;
	[tilespmem:s10+$0x7880] =	vst v31;
	v23 =	vld.idx.msk [tilespmem:v23+s24+$0x0], $0xffff  }
0xcf: {  	s12 =	sadd.s32 $0x10, s3;
	s1 =	sadd.s32 s1, s28;
	s14 =	sor.u32 $0x300, s3;
	[tilespmem:s11+$0x7880] =	vst v18;
	v18 =	vor.u32 v28, v20;
	v17 =	vld.idx.msk [tilespmem:v17+s24+$0x0], $0xffff  }
0xd0: {  	s13 =	sor.u32 $0x300, s12;
	s15 =	sadd.s32 $0x10, s1;
	v15 =	vld.idx.msk [tilespmem:v15+s24+$0x0], $0xffff;
	[tilespmem:s14+$0x7880] =	vst v25  }
0xd1: {  	s20 =	sor.u32 $0x300, s15;
	[tilespmem:s13+$0x7880] =	vst v21;
	v16 =	vld.idx.msk [tilespmem:v16+s24+$0x0], $0xffff  }
0xd2: {  	s23 =	sor.u32 $0x300, s1;
	v20 =	vld.idx.msk [tilespmem:v24+s24+$0x0], $0xffff;
	[tilespmem:s20+$0x7880] =	vst v19  }
0xd3: {  	s5 =	sor.u32 $0x380, s8;
	[tilespmem:s23+$0x7880] =	vst v23;
	v19 =	vld.idx.msk [tilespmem:v22+s24+$0x0], $0xffff  }
0xd4: {  	s0 =	sor.u32 $0x380, s0;
	[tilespmem:s5+$0x7880] =	vst v17;
	v17 =	vld.idx.msk [tilespmem:v18+s24+$0x0], $0xffff  }
0xd5: {  	s3 =	sor.u32 $0x380, s3;
	[tilespmem:s0+$0x7880] =	vst v15  }
0xd6: {  	s5 =	sor.u32 $0x380, s12;
	[tilespmem:s3+$0x7880] =	vst v16  }
0xd7: {  	s6 =	sor.u32 $0x380, s15;
	[tilespmem:s5+$0x7880] =	vst v20  }
0xd8: {  	s1 =	sor.u32 $0x380, s1;
	[tilespmem:s6+$0x7880] =	vst v19  }
0xd9: {  	[tilespmem:s1+$0x7880] =	vst v17  }
0xda: {  	s2 =	simm.s32 $0x0;
	s0 =	rddreg [dreg:$0x9]  }
0xdb: {  	[hbm4b:s0+s2] =	stream.linear.scatter [tilespmem:s25], [sflag:$0x3], $0x8000, $0x38;
	[tilespmem:$0x17880] =	vst v63  }
0xdc: {  	s8 =	sand.u32 $0x60, s2;
	_ =	swait.ge [sflag:s26], $0x1000  }
0xdd: {  	s10 =	sand.u32 $0xF80, s2;
	s9 =	sor.u32 $0x10, s8;
	[sflag:s26] =	ssyncset.done $0x0  }
0xde: {  	s1 =	sor.u32 s9, s10;
	s7 =	rddreg [dreg:$0x7];
	[sflag:s26] =	ssyncadd.s32 $0xFFFFF000  }
0xdf: {  	[tilespmem:s18], [sflag:$0x1] =	stream.strided.gather [hbm4b:s7+s16], $0x1000, s17, s16, $0x38;
	[tilespmem:$0x17880] =	vst v63  }
0xe0: {  	v15 =	vld [tilespmem:s1+$0x6880]  }
0xe1: {  	s11 =	simm.s32 $0x6880  }
0xe2: {  	v16 =	vld [tilespmem:s11+$0x0];
	_ =	sdelay $0x2  }
0xe3: {  	v15 =	vmul.u32 $0xA, v15;
	_ =	sdelay $0x1  }
0xe4: {  	v28 =	vadd.s32 v9, v15;
	v15 =	vmul.u32 $0xA, v16  }
0xe5: {  	v16 =	vadd.s32 v0, v28  }
0xe6: {  	v23 =	vshll.u32 v28, $0x7;
	v16 =	vand.u32 $0x1F, v16;
	v27 =	vadd.s32 v9, v15  }
0xe7: {  	s12 =	simm.s32 $0x20;
	v15 =	vor.u32 v23, v16;
	v16 =	vadd.s32 v0, v27  }
0xe8: {  	s14 =	sand.u32 $0x60, s12;
	v19 =	vshll.u32 v27, $0x7;
	v16 =	vand.u32 $0x1F, v16  }
0xe9: {  	s13 =	simm.s32 $0x68A0;
	s15 =	sor.u32 $0x10, s14;
	s6 =	sand.u32 $0xF80, s12;
	v16 =	vor.u32 v19, v16  }
0xea: {  	s6 =	sor.u32 s15, s6;
	v17 =	vld [tilespmem:s13+$0x0]  }
0xeb: {  	v20 =	vld [tilespmem:s6+$0x6880];
	v18 =	vadd.s32 v1, v28  }
0xec: {  	v18 =	vand.u32 $0x1F, v18;
	v15 =	vld.idx.msk [tilespmem:v15+s24+$0x0], $0xffff  }
0xed: {  	v21 =	vadd.s32 v1, v27;
	v18 =	vor.u32 v23, v18  }
0xee: {  	s20 =	sand.u32 $0x7C00, s2;
	v22 =	vld.idx.msk [tilespmem:v16+s24+$0x0], $0xffff;
	v16 =	vand.u32 $0x1F, v21  }
0xef: {  	s6 =	sadd.s32 $0xF880, s20;
	v21 =	vor.u32 v19, v16  }
0xf0: {  	s7 =	sor.u32 s9, s6  }
0xf1: {  	v16 =	vmul.u32 $0xA, v17;
	v17 =	vmul.u32 $0xA, v20;
	[tilespmem:s7+$0x0] =	vst v15;
	v15 =	vadd.s32 v2, v28  }
0xf2: {  	s6 =	sor.u32 s8, s6;
	v24 =	vadd.s32 v2, v27;
	v20 =	vld.idx.msk [tilespmem:v18+s24+$0x0], $0xffff;
	v15 =	vand.u32 $0x1F, v15  }
0xf3: {  	v16 =	vadd.s32 v9, v16;
	v18 =	vadd.s32 v9, v17;
	[tilespmem:s6+$0x0] =	vst v22;
	v22 =	vor.u32 v23, v15  }
0xf4: {  	v15 =	vand.u32 $0x1F, v24;
	v24 =	vadd.s32 v0, v16;
	v17 =	vadd.s32 v0, v18;
	v21 =	vld.idx.msk [tilespmem:v21+s24+$0x0], $0xffff  }
0xf5: {  	s5 =	simm.s32 $0x40;
	v25 =	vor.u32 v19, v15;
	v26 =	vand.u32 $0x1F, v17;
	v17 =	vshll.u32 v18, $0x7  }
0xf6: {  	s23 =	simm.s32 $0x68C0;
	s8 =	sand.u32 $0x60, s5;
	v15 =	vshll.u32 v16, $0x7;
	v24 =	vand.u32 $0x1F, v24;
	v26 =	vor.u32 v17, v26  }
0xf7: {  	s0 =	sand.u32 $0xF80, s5;
	v29 =	vld [tilespmem:s23+$0x0];
	s12 =	sor.u32 $0x10, s8;
	v24 =	vor.u32 v15, v24;
	[tilespmem:s7+$0x80] =	vst v20;
	v20 =	vadd.s32 v3, v28  }
0xf8: {  	s9 =	sor.u32 s12, s0;
	v22 =	vld.idx.msk [tilespmem:v22+s24+$0x0], $0xffff;
	v20 =	vand.u32 $0x1F, v20  }
0xf9: {  	v44 =	vld [tilespmem:s9+$0x6880];
	[tilespmem:s6+$0x80] =	vst v21;
	v20 =	vor.u32 v23, v20;
	v21 =	vadd.s32 v3, v27  }
0xfa: {  	v30 =	vadd.s32 v1, v18;
	v25 =	vld.idx.msk [tilespmem:v25+s24+$0x0], $0xffff;
	v21 =	vand.u32 $0x1F, v21  }
0xfb: {  	v30 =	vand.u32 $0x1F, v30;
	v26 =	vld.idx.msk [tilespmem:v26+s24+$0x0], $0xffff;
	v31 =	vor.u32 v19, v21  }
0xfc: {  	s0 =	simm.s32 $0x100;
	v30 =	vor.u32 v17, v30;
	v24 =	vld.idx.msk [tilespmem:v24+s24+$0x0], $0xffff;
	v21 =	vadd.s32 v1, v16  }
0xfd: {  	s10 =	sand.u32 $0x7C00, s0;
	v29 =	vmul.u32 $0xA, v29;
	v21 =	vand.u32 $0x1F, v21;
	[tilespmem:s7+$0x100] =	vst v22;
	v22 =	vadd.s32 v4, v28  }
0xfe: {  	s5 =	sadd.s32 $0xF880, s10;
	v45 =	vor.u32 v15, v21;
	v46 =	vld.idx.msk [tilespmem:v20+s24+$0x0], $0xffff;
	v20 =	vand.u32 $0x1F, v22  }
0xff: {  	s1 =	sor.u32 s15, s5;
	v21 =	vadd.s32 v9, v29;
	[tilespmem:s6+$0x100] =	vst v25;
	v22 =	vor.u32 v23, v20;
	v20 =	vadd.s32 v4, v27  }
0x100: {  	s3 =	sor.u32 s14, s5;
	v29 =	vadd.s32 v5, v27;
	v25 =	vadd.s32 v2, v16;
	[tilespmem:s1+$0x0] =	vst v26;
	v31 =	vld.idx.msk [tilespmem:v31+s24+$0x0], $0xffff;
	v20 =	vand.u32 $0x1F, v20  }
0x101: {  	v32 =	vmul.u32 $0xA, v44;
	[tilespmem:s3+$0x0] =	vst v24;
	v24 =	vadd.s32 v2, v18;
	v26 =	vld.idx.msk [tilespmem:v30+s24+$0x0], $0xffff;
	v30 =	vor.u32 v19, v20  }
0x102: {  	v49 =	vadd.s32 v0, v21;
	v25 =	vand.u32 $0x1F, v25;
	v24 =	vand.u32 $0x1F, v24  }
0x103: {  	v20 =	vshll.u32 v21, $0x7;
	v48 =	vor.u32 v17, v24;
	v24 =	vadd.s32 v5, v28;
	v33 =	vld.idx.msk [tilespmem:v45+s24+$0x0], $0xffff;
	[tilespmem:s7+$0x180] =	vst v46  }
0x104: {  	v50 =	vor.u32 v15, v25;
	v25 =	vadd.s32 v9, v32;
	v24 =	vand.u32 $0x1F, v24;
	v22 =	vld.idx.msk [tilespmem:v22+s24+$0x0], $0xffff  }
0x105: {  	v32 =	vadd.s32 v0, v25;
	[tilespmem:s6+$0x180] =	vst v31;
	v31 =	vor.u32 v23, v24;
	v24 =	vand.u32 $0x1F, v49  }
0x106: {  	s11 =	simm.s32 $0x68E0;
	v32 =	vand.u32 $0x1F, v32;
	v30 =	vld.idx.msk [tilespmem:v30+s24+$0x0], $0xffff;
	v36 =	vor.u32 v20, v24;
	v24 =	vshll.u32 v25, $0x7  }
0x107: {  	v47 =	vld [tilespmem:s11+$0x0];
	v55 =	vadd.s32 v6, v28;
	v29 =	vand.u32 $0x1F, v29;
	[tilespmem:s1+$0x80] =	vst v26;
	v26 =	vor.u32 v24, v32  }
0x108: {  	v51 =	vadd.s32 v3, v18;
	v29 =	vor.u32 v19, v29;
	v52 =	vld.idx.msk [tilespmem:v48+s24+$0x0], $0xffff;
	[tilespmem:s3+$0x80] =	vst v33  }
0x109: {  	v57 =	vand.u32 $0x1F, v55;
	v61 =	vadd.s32 v6, v27;
	v32 =	vand.u32 $0x1F, v51;
	v53 =	vld.idx.msk [tilespmem:v50+s24+$0x0], $0xffff;
	[tilespmem:s7+$0x200] =	vst v22  }
0x10a: {  	s28 =	simm.s32 $0x60;
	v63 =	vand.u32 $0x1F, v61;
	v54 =	vor.u32 v17, v32;
	v56 =	vld.idx.msk [tilespmem:v31+s24+$0x0], $0xffff;
	v31 =	vadd.s32 v3, v16  }
0x10b: {  	s11 =	sand.u32 $0x60, s28;
	v34 =	vor.u32 v19, v63;
	v32 =	vld.idx.msk [tilespmem:v36+s24+$0x0], $0xffff;
	v31 =	vand.u32 $0x1F, v31;
	[tilespmem:s6+$0x200] =	vst v30;
	v30 =	vor.u32 v23, v57  }
0x10c: {  	s13 =	sand.u32 $0xF80, s28;
	s14 =	sor.u32 $0x10, s11;
	v41 =	vadd.s32 v4, v16;
	v58 =	vadd.s32 v1, v25;
	v37 =	vld.idx.msk [tilespmem:v26+s24+$0x0], $0xffff;
	v59 =	vor.u32 v15, v31  }
0x10d: {  	s20 =	simm.s32 $0x200;
	s5 =	sor.u32 s14, s13;
	v62 =	vadd.s32 v4, v18;
	v60 =	vadd.s32 v1, v21;
	v36 =	vand.u32 $0x1F, v58;
	v31 =	vld.idx.msk [tilespmem:v29+s24+$0x0], $0xffff  }
0x10e: {  	s15 =	sand.u32 $0x7C00, s20;
	[tilespmem:s1+$0x100] =	vst v52;
	v26 =	vadd.s32 v7, v27;
	v27 =	vand.u32 $0x1F, v60;
	v39 =	vor.u32 v24, v36;
	v29 =	vld [tilespmem:s5+$0x6880]  }
0x10f: {  	s23 =	sadd.s32 $0xF880, s15;
	v35 =	vand.u32 $0x1F, v62;
	v22 =	vmul.u32 $0xA, v47;
	v38 =	vld.idx.msk [tilespmem:v54+s24+$0x0], $0xffff;
	v40 =	vor.u32 v20, v27;
	[tilespmem:s7+$0x280] =	vst v56  }
0x110: {  	s9 =	simm.s32 $0x6;
	s10 =	simm.s32 $0x6900;
	s8 =	sor.u32 s8, s23;
	v28 =	vadd.s32 v7, v28;
	v36 =	vor.u32 v17, v35;
	[tilespmem:s3+$0x100] =	vst v53;
	v35 =	vld.idx.msk [tilespmem:v30+s24+$0x0], $0xffff  }
0x111: {  	v42 =	vand.u32 $0x1F, v28;
	v22 =	vadd.s32 v9, v22;
	v27 =	vadd.s32 v5, v16;
	s7 =	sor.u32 s12, s23;
	s12 =	sand.u32 $0x3, s2;
	s23 =	simm.s32 $0x0;
	v33 =	vld.idx.msk [tilespmem:v59+s24+$0x0], $0xffff  }
.LBB2_8:
0x112: {  	v30 =	vld [tilespmem:s10+$0x0];
	v44 =	vadd.s32 v2, v21;
	[tilespmem:s7+$0x0] =	vst v37;
	v37 =	vand.u32 $0x1F, v41;
	s5 =	sshll.u32 s12, $0x5;
	v41 =	vor.u32 v23, v42;
	v28 =	vmovc v25;
	s12 =	smov.u32 s11;
	s13 =	smov.u32 s14  }
0x113: {  	v23 =	vmov v17;
	[tilespmem:s8+$0x0] =	vst v32;
	v32 =	vld.idx.msk [tilespmem:v39+s24+$0x0], $0xffff;
	v25 =	vadd.s32 v2, v28;
	v37 =	vor.u32 v15, v37;
	s5 =	sadd.s32 s5, s2;
	s2 =	smov.u32 s0;
	s0 =	smov.u32 s20  }
0x114: {  	v17 =	vmovc v24;
	v43 =	vmovc v21;
	v39 =	vshll.u32 v22, $0x7;
	v42 =	vand.u32 $0x1F, v44;
	v40 =	vld.idx.msk [tilespmem:v40+s24+$0x0], $0xffff;
	v25 =	vand.u32 $0x1F, v25;
	[tilespmem:s1+$0x180] =	vst v38;
	s11 =	sor.u32 $0x300, s5;
	s15 =	sor.u32 $0x380, s5;
	s5 =	sadd.s32 $0x10, s5  }
0x115: {  	v24 =	vadd.s32 v5, v18;
	v21 =	vmul.u32 $0xA, v29;
	v29 =	vor.u32 v17, v25;
	v36 =	vld.idx.msk [tilespmem:v36+s24+$0x0], $0xffff;
	[tilespmem:s6+$0x280] =	vst v31;
	s14 =	sor.u32 $0x300, s5;
	s6 =	smov.u32 s3;
	s3 =	smov.u32 s8  }
0x116: {  	v24 =	vand.u32 $0x1F, v24;
	v38 =	vor.u32 v20, v42;
	v31 =	vadd.s32 v0, v22;
	v34 =	vld.idx.msk [tilespmem:v34+s24+$0x0], $0xffff;
	[tilespmem:s14+$0xF880] =	vst v35  }
0x117: {  	v25 =	vadd.s32 v9, v21;
	v21 =	vand.u32 $0x1F, v26;
	[tilespmem:s6+$0x180] =	vst v33;
	v33 =	vor.u32 v23, v24;
	v26 =	vld.idx.msk [tilespmem:v41+s24+$0x0], $0xffff  }
0x118: {  	v24 =	vand.u32 $0x1F, v31;
	v31 =	vadd.s32 v0, v25;
	v35 =	vld.idx.msk [tilespmem:v37+s24+$0x0], $0xffff;
	v37 =	vor.u32 v19, v21;
	v19 =	vmovc v15  }
0x119: {  	v41 =	vor.u32 v39, v24;
	v42 =	vand.u32 $0x1F, v31;
	v24 =	vshll.u32 v25, $0x7;
	v15 =	vmovc v20;
	v20 =	vmovc v39;
	[tilespmem:s7+$0x80] =	vst v32  }
0x11a: {  	v27 =	vand.u32 $0x1F, v27;
	v39 =	vadd.s32 v3, v28;
	v31 =	vor.u32 v24, v42;
	[tilespmem:s3+$0x80] =	vst v40;
	v29 =	vld.idx.msk [tilespmem:v29+s24+$0x0], $0xffff  }
0x11b: {  	v32 =	vand.u32 $0x1F, v39;
	v27 =	vor.u32 v19, v27;
	v21 =	vmov v22;
	v38 =	vld.idx.msk [tilespmem:v38+s24+$0x0], $0xffff;
	[tilespmem:s1+$0x200] =	vst v36  }
0x11c: {  	s5 =	sor.u32 $0x380, s5;
	v22 =	vmul.u32 $0xA, v30;
	v30 =	vor.u32 v17, v32;
	v32 =	vadd.s32 v6, v18;
	v33 =	vld.idx.msk [tilespmem:v33+s24+$0x0], $0xffff;
	[tilespmem:s11+$0xF880] =	vst v34  }
0x11d: {  	v36 =	vand.u32 $0x1F, v32;
	v34 =	vadd.s32 v3, v43;
	v42 =	vld.idx.msk [tilespmem:v37+s24+$0x0], $0xffff;
	[tilespmem:s5+$0xF880] =	vst v26  }
0x11e: {  	s28 =	sadd.s32 $0x20, s28;
	s9 =	sadd.s32 $0x2, s9;
	v22 =	vadd.s32 v9, v22;
	v26 =	vand.u32 $0x1F, v34;
	v34 =	vor.u32 v23, v36;
	v32 =	vld.idx.msk [tilespmem:v41+s24+$0x0], $0xffff;
	[tilespmem:s6+$0x200] =	vst v35  }
0x11f: {  	p0 =	slt.u32 s9, $0xFE;
	s11 =	sand.u32 $0x60, s28;
	v41 =	vor.u32 v15, v26;
	v26 =	vadd.s32 v7, v16;
	v37 =	vld.idx.msk [tilespmem:v31+s24+$0x0], $0xffff;
	v31 =	vadd.s32 v1, v25  }
.Ltmp3:
0x120: {  	v44 =	vadd.s32 v6, v16;
	s14 =	sor.u32 $0x10, s11;
	s5 =	sand.u32 $0xF80, s28;
	v35 =	vadd.s32 v1, v21;
	v36 =	vand.u32 $0x1F, v31;
	[tilespmem:s7+$0x100] =	vst v29;
	v31 =	vld.idx.msk [tilespmem:v27+s24+$0x0], $0xffff;
	(pc) =	sbr.rel @p0 .LBB2_8-.Ltmp3, $4  }
0x121: {  	s20 =	sadd.s32 $0x100, s20;
	s5 =	sor.u32 s14, s5;
	v35 =	vand.u32 $0x1F, v35;
	v39 =	vor.u32 v24, v36;
	[tilespmem:s3+$0x100] =	vst v38;
	v38 =	vld.idx.msk [tilespmem:v30+s24+$0x0], $0xffff;
	v30 =	vadd.s32 v4, v28  }
0x122: {  	v16 =	vmovc v43;
	v40 =	vor.u32 v20, v35;
	v27 =	vadd.s32 v5, v43;
	v29 =	vld [tilespmem:s5+$0x6880];
	s5 =	sand.u32 $0x7C00, s20;
	v30 =	vand.u32 $0x1F, v30;
	[tilespmem:s1+$0x280] =	vst v33;
	s1 =	smov.u32 s7  }
0x123: {  	s10 =	sadd.s32 $0x20, s10;
	s23 =	sadd.s32 $0x1, s23;
	v43 =	vadd.s32 v7, v18;
	s5 =	sadd.s32 $0xF880, s5;
	v36 =	vor.u32 v17, v30;
	v30 =	vand.u32 $0x1F, v44;
	v35 =	vld.idx.msk [tilespmem:v34+s24+$0x0], $0xffff;
	[tilespmem:s15+$0xF880] =	vst v42  }
0x124: {  	v18 =	vmovc v28;
	v42 =	vand.u32 $0x1F, v43;
	s8 =	sor.u32 s12, s5;
	s7 =	sor.u32 s13, s5;
	v33 =	vld.idx.msk [tilespmem:v41+s24+$0x0], $0xffff;
	v41 =	vadd.s32 v4, v16;
	s12 =	sand.u32 $0x3, s23;
	v34 =	vor.u32 v19, v30  }
0x125: {  	_ =	sdelay $0x1  }
0x126: {  	v28 =	vmul.u32 $0xA, v29;
	_ =	sdelay $0x1  }
0x127: {  	v30 =	vadd.s32 v9, v28  }
0x128: {  	v28 =	vadd.s32 v0, v30  }
0x129: {  	v43 =	vadd.s32 v0, v22;
	v29 =	vshll.u32 v30, $0x7;
	v44 =	vand.u32 $0x1F, v28  }
0x12a: {  	v43 =	vand.u32 $0x1F, v43;
	v28 =	vshll.u32 v22, $0x7;
	v44 =	vor.u32 v29, v44  }
0x12b: {  	v43 =	vor.u32 v28, v43  }
0x12c: {  	[tilespmem:s7+$0x0] =	vst v37;
	v56 =	vadd.s32 v2, v25  }
0x12d: {  	[tilespmem:s8+$0x0] =	vst v32;
	v39 =	vld.idx.msk [tilespmem:v39+s24+$0x0], $0xffff;
	v32 =	vand.u32 $0x1F, v56  }
0x12e: {  	v32 =	vor.u32 v24, v32;
	v45 =	vadd.s32 v1, v30  }
0x12f: {  	v46 =	vadd.s32 v1, v22;
	v45 =	vand.u32 $0x1F, v45;
	v44 =	vld.idx.msk [tilespmem:v44+s24+$0x0], $0xffff  }
0x130: {  	s28 =	sadd.s32 $0x100, s20;
	v46 =	vand.u32 $0x1F, v46;
	v45 =	vor.u32 v29, v45;
	v43 =	vld.idx.msk [tilespmem:v43+s24+$0x0], $0xffff  }
0x131: {  	[tilespmem:s6+$0x280] =	vst v31;
	s5 =	sand.u32 $0x7C00, s28;
	v55 =	vor.u32 v28, v46  }
0x132: {  	v57 =	vadd.s32 v2, v21;
	v63 =	vadd.s32 v3, v25;
	s5 =	sadd.s32 $0xF880, s5;
	[tilespmem:s7+$0x80] =	vst v39  }
0x133: {  	s10 =	sshll.u32 s12, $0x5;
	v59 =	vadd.s32 v2, v22;
	v23 =	vor.u32 v23, v42;
	[tilespmem:s1+$0x180] =	vst v38;
	v37 =	vand.u32 $0x1F, v63;
	s9 =	sor.u32 s14, s5;
	v32 =	vld.idx.msk [tilespmem:v32+s24+$0x0], $0xffff  }
0x134: {  	s10 =	sadd.s32 s10, s2;
	v40 =	vld.idx.msk [tilespmem:v40+s24+$0x0], $0xffff;
	v38 =	vand.u32 $0x1F, v57;
	v37 =	vor.u32 v24, v37;
	s2 =	sor.u32 s11, s5;
	v58 =	vadd.s32 v2, v30;
	[tilespmem:s9+$0x0] =	vst v44  }
0x135: {  	v50 =	vadd.s32 v5, v18;
	v38 =	vor.u32 v20, v38;
	s11 =	sadd.s32 $0x10, s10;
	[tilespmem:s2+$0x0] =	vst v43;
	v44 =	vand.u32 $0x1F, v58;
	v45 =	vld.idx.msk [tilespmem:v45+s24+$0x0], $0xffff  }
0x136: {  	v51 =	vadd.s32 v4, v25;
	v60 =	vand.u32 $0x1F, v59;
	s12 =	sor.u32 $0x300, s11;
	[tilespmem:s3+$0x180] =	vst v33;
	v31 =	vld.idx.msk [tilespmem:v55+s24+$0x0], $0xffff;
	v61 =	vor.u32 v29, v44  }
0x137: {  	v41 =	vand.u32 $0x1F, v41;
	v52 =	vadd.s32 v4, v21;
	v36 =	vld.idx.msk [tilespmem:v36+s24+$0x0], $0xffff;
	[tilespmem:s12+$0xF880] =	vst v35;
	v62 =	vor.u32 v28, v60  }
0x138: {  	v54 =	vadd.s32 v4, v22;
	v41 =	vor.u32 v15, v41;
	v23 =	vld.idx.msk [tilespmem:v23+s24+$0x0], $0xffff;
	[tilespmem:s7+$0x100] =	vst v32  }
0x139: {  	v26 =	vand.u32 $0x1F, v26;
	[tilespmem:s8+$0x80] =	vst v40;
	v32 =	vand.u32 $0x1F, v51;
	v37 =	vld.idx.msk [tilespmem:v37+s24+$0x0], $0xffff;
	v44 =	vadd.s32 v3, v21  }
0x13a: {  	v38 =	vld.idx.msk [tilespmem:v38+s24+$0x0], $0xffff;
	v32 =	vor.u32 v24, v32;
	v39 =	vand.u32 $0x1F, v44;
	[tilespmem:s9+$0x80] =	vst v45;
	v45 =	vadd.s32 v3, v30  }
0x13b: {  	v46 =	vadd.s32 v3, v22;
	v39 =	vor.u32 v20, v39;
	[tilespmem:s2+$0x80] =	vst v31;
	v31 =	vld.idx.msk [tilespmem:v61+s24+$0x0], $0xffff;
	v40 =	vand.u32 $0x1F, v45  }
0x13c: {  	v19 =	vor.u32 v19, v26;
	s5 =	sor.u32 $0x380, s11;
	[tilespmem:s1+$0x200] =	vst v36;
	v49 =	vand.u32 $0x1F, v46;
	v47 =	vld.idx.msk [tilespmem:v62+s24+$0x0], $0xffff;
	v48 =	vor.u32 v29, v40  }
0x13d: {  	v26 =	vand.u32 $0x1F, v27;
	v57 =	vadd.s32 v5, v25;
	v56 =	vld.idx.msk [tilespmem:v41+s24+$0x0], $0xffff;
	[tilespmem:s5+$0xF880] =	vst v23;
	v40 =	vor.u32 v28, v49  }
0x13e: {  	v34 =	vld.idx.msk [tilespmem:v34+s24+$0x0], $0xffff;
	v26 =	vor.u32 v15, v26;
	v35 =	vand.u32 $0x1F, v54;
	v36 =	vand.u32 $0x1F, v50;
	[tilespmem:s7+$0x180] =	vst v37  }
0x13f: {  	v36 =	vor.u32 v17, v36;
	v23 =	vor.u32 v28, v35;
	v35 =	vand.u32 $0x1F, v57;
	[tilespmem:s8+$0x100] =	vst v38;
	v32 =	vld.idx.msk [tilespmem:v32+s24+$0x0], $0xffff  }
0x140: {  	v38 =	vand.u32 $0x1F, v52;
	v35 =	vor.u32 v24, v35;
	v39 =	vld.idx.msk [tilespmem:v39+s24+$0x0], $0xffff;
	[tilespmem:s9+$0x100] =	vst v31;
	v31 =	vadd.s32 v4, v30  }
0x141: {  	v38 =	vor.u32 v20, v38;
	[tilespmem:s2+$0x100] =	vst v47;
	v53 =	vld.idx.msk [tilespmem:v48+s24+$0x0], $0xffff;
	v31 =	vand.u32 $0x1F, v31  }
0x142: {  	s13 =	sor.u32 $0x300, s10;
	[tilespmem:s3+$0x200] =	vst v56;
	v55 =	vld.idx.msk [tilespmem:v40+s24+$0x0], $0xffff;
	v31 =	vor.u32 v29, v31  }
0x143: {  	v42 =	vadd.s32 v6, v25;
	[tilespmem:s13+$0xF880] =	vst v34;
	v26 =	vld.idx.msk [tilespmem:v26+s24+$0x0], $0xffff  }
0x144: {  	v63 =	vadd.s32 v6, v16;
	v16 =	vadd.s32 v7, v16;
	v27 =	vld.idx.msk [tilespmem:v36+s24+$0x0], $0xffff;
	[tilespmem:s7+$0x200] =	vst v32  }
0x145: {  	v16 =	vand.u32 $0x1F, v16;
	v58 =	vadd.s32 v5, v21;
	v32 =	vand.u32 $0x1F, v42;
	v35 =	vld.idx.msk [tilespmem:v35+s24+$0x0], $0xffff;
	[tilespmem:s8+$0x180] =	vst v39  }
0x146: {  	v60 =	vadd.s32 v5, v30;
	v36 =	vand.u32 $0x1F, v58;
	v32 =	vor.u32 v24, v32;
	v59 =	vld.idx.msk [tilespmem:v38+s24+$0x0], $0xffff;
	[tilespmem:s9+$0x180] =	vst v53  }
0x147: {  	v33 =	vand.u32 $0x1F, v60;
	v36 =	vor.u32 v20, v36;
	v61 =	vadd.s32 v5, v22;
	[tilespmem:s2+$0x180] =	vst v55;
	v31 =	vld.idx.msk [tilespmem:v31+s24+$0x0], $0xffff  }
0x148: {  	v33 =	vor.u32 v29, v33;
	[tilespmem:s3+$0x280] =	vst v26;
	v62 =	vadd.s32 v6, v18;
	v38 =	vand.u32 $0x1F, v61;
	v23 =	vld.idx.msk [tilespmem:v23+s24+$0x0], $0xffff  }
0x149: {  	s15 =	sadd.s32 $0x1, s23;
	v41 =	vand.u32 $0x1F, v63;
	v19 =	vld.idx.msk [tilespmem:v19+s24+$0x0], $0xffff;
	[tilespmem:s1+$0x280] =	vst v27;
	v34 =	vand.u32 $0x1F, v62;
	v27 =	vor.u32 v28, v38  }
0x14a: {  	v43 =	vadd.s32 v6, v21;
	s1 =	sadd.s32 $0x1, s15;
	v34 =	vor.u32 v17, v34;
	[tilespmem:s7+$0x280] =	vst v35;
	v38 =	vor.u32 v15, v41  }
0x14b: {  	s7 =	sand.u32 $0x3, s1;
	v15 =	vor.u32 v15, v16;
	v16 =	vadd.s32 v7, v21;
	v21 =	vld.idx.msk [tilespmem:v32+s24+$0x0], $0xffff;
	[tilespmem:s8+$0x200] =	vst v59  }
0x14c: {  	v37 =	vand.u32 $0x1F, v43;
	s3 =	sshll.u32 s7, $0x5;
	v36 =	vld.idx.msk [tilespmem:v36+s24+$0x0], $0xffff;
	[tilespmem:s9+$0x200] =	vst v31;
	v31 =	vadd.s32 v6, v30  }
0x14d: {  	s14 =	sor.u32 $0x380, s10;
	v37 =	vor.u32 v20, v37;
	s3 =	sadd.s32 s3, s20;
	[tilespmem:s2+$0x200] =	vst v23;
	v23 =	vadd.s32 v6, v22;
	v33 =	vld.idx.msk [tilespmem:v33+s24+$0x0], $0xffff;
	v31 =	vand.u32 $0x1F, v31  }
0x14e: {  	[tilespmem:s14+$0xF880] =	vst v19;
	v18 =	vadd.s32 v7, v18;
	s11 =	sadd.s32 $0x10, s3;
	v27 =	vld.idx.msk [tilespmem:v27+s24+$0x0], $0xffff;
	v23 =	vand.u32 $0x1F, v23;
	v19 =	vor.u32 v29, v31  }
0x14f: {  	s23 =	sand.u32 $0x3, s15;
	v25 =	vadd.s32 v7, v25;
	v18 =	vand.u32 $0x1F, v18;
	s12 =	sor.u32 $0x300, s11;
	v31 =	vld.idx.msk [tilespmem:v34+s24+$0x0], $0xffff;
	v23 =	vor.u32 v28, v23  }
0x150: {  	s6 =	sshll.u32 s23, $0x5;
	v25 =	vand.u32 $0x1F, v25;
	v17 =	vor.u32 v17, v18;
	v18 =	vld.idx.msk [tilespmem:v38+s24+$0x0], $0xffff;
	[tilespmem:s12+$0xF880] =	vst v21  }
0x151: {  	s0 =	sadd.s32 s6, s0;
	v24 =	vor.u32 v24, v25;
	[tilespmem:s8+$0x280] =	vst v36  }
0x152: {  	v26 =	vadd.s32 v7, v30;
	s1 =	sadd.s32 $0x1, s1;
	v16 =	vand.u32 $0x1F, v16;
	s8 =	sadd.s32 $0x10, s0;
	v25 =	vld.idx.msk [tilespmem:v37+s24+$0x0], $0xffff;
	[tilespmem:s9+$0x280] =	vst v33  }
0x153: {  	s1 =	sand.u32 $0x3, s1;
	v16 =	vor.u32 v20, v16;
	v20 =	vadd.s32 v7, v22;
	v22 =	vand.u32 $0x1F, v26;
	s9 =	sor.u32 $0x300, s8;
	[tilespmem:s2+$0x280] =	vst v27;
	v19 =	vld.idx.msk [tilespmem:v19+s24+$0x0], $0xffff  }
0x154: {  	s10 =	sor.u32 $0x300, s0;
	s1 =	sshll.u32 s1, $0x5;
	v20 =	vand.u32 $0x1F, v20;
	v22 =	vor.u32 v29, v22;
	[tilespmem:s9+$0xF880] =	vst v31;
	v23 =	vld.idx.msk [tilespmem:v23+s24+$0x0], $0xffff  }
0x155: {  	s1 =	sadd.s32 s1, s28;
	[tilespmem:s10+$0xF880] =	vst v18;
	v18 =	vor.u32 v28, v20;
	v17 =	vld.idx.msk [tilespmem:v17+s24+$0x0], $0xffff  }
0x156: {  	s13 =	sor.u32 $0x300, s3;
	s14 =	sadd.s32 $0x10, s1;
	v20 =	vld.idx.msk [tilespmem:v24+s24+$0x0], $0xffff  }
0x157: {  	s15 =	sor.u32 $0x300, s14;
	v15 =	vld.idx.msk [tilespmem:v15+s24+$0x0], $0xffff;
	[tilespmem:s13+$0xF880] =	vst v25  }
0x158: {  	s20 =	sor.u32 $0x300, s1;
	v16 =	vld.idx.msk [tilespmem:v16+s24+$0x0], $0xffff;
	[tilespmem:s15+$0xF880] =	vst v19  }
0x159: {  	s5 =	sor.u32 $0x380, s8;
	[tilespmem:s20+$0xF880] =	vst v23;
	v19 =	vld.idx.msk [tilespmem:v22+s24+$0x0], $0xffff  }
0x15a: {  	s23 =	sor.u32 $0x380, s11;
	[tilespmem:s5+$0xF880] =	vst v17;
	v17 =	vld.idx.msk [tilespmem:v18+s24+$0x0], $0xffff  }
0x15b: {  	s0 =	sor.u32 $0x380, s0;
	[tilespmem:s23+$0xF880] =	vst v20  }
0x15c: {  	s3 =	sor.u32 $0x380, s3;
	[tilespmem:s0+$0xF880] =	vst v15  }
0x15d: {  	[tilespmem:s3+$0xF880] =	vst v16;
	s3 =	sor.u32 $0x380, s14  }
0x15e: {  	s1 =	sor.u32 $0x380, s1;
	[tilespmem:s3+$0xF880] =	vst v19  }
0x15f: {  	[tilespmem:s1+$0xF880] =	vst v17  }
0x160: {  	s5 =	simm.s32 $0xF880;
	s1 =	simm.s32 $0x0;
	s0 =	rddreg [dreg:$0xa]  }
0x161: {  	[hbm4b:s0+s1] =	stream.linear.scatter [tilespmem:s5], [sflag:$0x4], $0x8000, $0x38;
	[tilespmem:$0x17880] =	vst v63  }
0x162: {  	_ =	swait.ge [sflag:s22], $0x1000  }
0x163: {  	[sflag:s22] =	ssyncset.done $0x0  }
0x164: {  	s7 =	simm.s32 $0x6880;
	s6 =	rddreg [dreg:$0x8];
	[sflag:s22] =	ssyncadd.s32 $0xFFFFF000  }
0x165: {  	[tilespmem:s7], [sflag:$0x2] =	stream.strided.gather [hbm4b:s6+s16], $0x1000, s17, s16, $0x38;
	[tilespmem:$0x17880] =	vst v63  }
0x166: {  	s8 =	sand.u32 $0x60, s1;
	_ =	swait.ge [sflag:s29], $0x8000  }
0x167: {  	s10 =	sand.u32 $0xF80, s1;
	s9 =	sor.u32 $0x10, s8;
	[sflag:s29] =	ssyncset.done $0x0  }
0x168: {  	s2 =	sor.u32 s9, s10;
	[sflag:s29] =	ssyncadd.s32 $0xFFFF8000  }
0x169: {  	v15 =	vld [tilespmem:s2+$0x5880]  }
0x16a: {  	s11 =	simm.s32 $0x5880  }
0x16b: {  	v16 =	vld [tilespmem:s11+$0x0];
	_ =	sdelay $0x2  }
0x16c: {  	v15 =	vmul.u32 $0xA, v15;
	_ =	sdelay $0x1  }
0x16d: {  	v28 =	vadd.s32 v10, v15;
	v15 =	vmul.u32 $0xA, v16  }
0x16e: {  	v16 =	vadd.s32 v0, v28  }
0x16f: {  	v23 =	vshll.u32 v28, $0x7;
	v16 =	vand.u32 $0x1F, v16;
	v27 =	vadd.s32 v10, v15  }
0x170: {  	s12 =	simm.s32 $0x20;
	v15 =	vor.u32 v23, v16;
	v16 =	vadd.s32 v0, v27  }
0x171: {  	s14 =	sand.u32 $0x60, s12;
	v19 =	vshll.u32 v27, $0x7;
	v16 =	vand.u32 $0x1F, v16  }
0x172: {  	s13 =	simm.s32 $0x58A0;
	s15 =	sor.u32 $0x10, s14;
	s6 =	sand.u32 $0xF80, s12;
	v16 =	vor.u32 v19, v16  }
0x173: {  	s6 =	sor.u32 s15, s6;
	v17 =	vld [tilespmem:s13+$0x0]  }
0x174: {  	v20 =	vld [tilespmem:s6+$0x5880];
	v18 =	vadd.s32 v1, v28  }
0x175: {  	v18 =	vand.u32 $0x1F, v18;
	v15 =	vld.idx.msk [tilespmem:v15+s24+$0x0], $0xffff  }
0x176: {  	v21 =	vadd.s32 v1, v27;
	v18 =	vor.u32 v23, v18  }
0x177: {  	s20 =	sand.u32 $0x7C00, s1;
	v22 =	vld.idx.msk [tilespmem:v16+s24+$0x0], $0xffff;
	v16 =	vand.u32 $0x1F, v21  }
0x178: {  	s6 =	sadd.s32 $0x7880, s20;
	v21 =	vor.u32 v19, v16  }
0x179: {  	s7 =	sor.u32 s9, s6  }
0x17a: {  	v16 =	vmul.u32 $0xA, v17;
	v17 =	vmul.u32 $0xA, v20;
	[tilespmem:s7+$0x0] =	vst v15;
	v15 =	vadd.s32 v2, v28  }
0x17b: {  	s6 =	sor.u32 s8, s6;
	v24 =	vadd.s32 v2, v27;
	v20 =	vld.idx.msk [tilespmem:v18+s24+$0x0], $0xffff;
	v15 =	vand.u32 $0x1F, v15  }
0x17c: {  	v16 =	vadd.s32 v10, v16;
	v18 =	vadd.s32 v10, v17;
	[tilespmem:s6+$0x0] =	vst v22;
	v22 =	vor.u32 v23, v15  }
0x17d: {  	v15 =	vand.u32 $0x1F, v24;
	v24 =	vadd.s32 v0, v16;
	v17 =	vadd.s32 v0, v18;
	v21 =	vld.idx.msk [tilespmem:v21+s24+$0x0], $0xffff  }
0x17e: {  	s5 =	simm.s32 $0x40;
	v25 =	vor.u32 v19, v15;
	v26 =	vand.u32 $0x1F, v17;
	v17 =	vshll.u32 v18, $0x7  }
0x17f: {  	s23 =	simm.s32 $0x58C0;
	s8 =	sand.u32 $0x60, s5;
	v15 =	vshll.u32 v16, $0x7;
	v24 =	vand.u32 $0x1F, v24;
	v26 =	vor.u32 v17, v26  }
0x180: {  	s0 =	sand.u32 $0xF80, s5;
	v29 =	vld [tilespmem:s23+$0x0];
	s12 =	sor.u32 $0x10, s8;
	v24 =	vor.u32 v15, v24;
	[tilespmem:s7+$0x80] =	vst v20;
	v20 =	vadd.s32 v3, v28  }
0x181: {  	s9 =	sor.u32 s12, s0;
	v22 =	vld.idx.msk [tilespmem:v22+s24+$0x0], $0xffff;
	v20 =	vand.u32 $0x1F, v20  }
0x182: {  	v44 =	vld [tilespmem:s9+$0x5880];
	[tilespmem:s6+$0x80] =	vst v21;
	v20 =	vor.u32 v23, v20;
	v21 =	vadd.s32 v3, v27  }
0x183: {  	v30 =	vadd.s32 v1, v18;
	v25 =	vld.idx.msk [tilespmem:v25+s24+$0x0], $0xffff;
	v21 =	vand.u32 $0x1F, v21  }
0x184: {  	v30 =	vand.u32 $0x1F, v30;
	v26 =	vld.idx.msk [tilespmem:v26+s24+$0x0], $0xffff;
	v31 =	vor.u32 v19, v21  }
0x185: {  	s0 =	simm.s32 $0x100;
	v30 =	vor.u32 v17, v30;
	v24 =	vld.idx.msk [tilespmem:v24+s24+$0x0], $0xffff;
	v21 =	vadd.s32 v1, v16  }
0x186: {  	s10 =	sand.u32 $0x7C00, s0;
	v29 =	vmul.u32 $0xA, v29;
	v21 =	vand.u32 $0x1F, v21;
	[tilespmem:s7+$0x100] =	vst v22;
	v22 =	vadd.s32 v4, v28  }
0x187: {  	s5 =	sadd.s32 $0x7880, s10;
	v45 =	vor.u32 v15, v21;
	v46 =	vld.idx.msk [tilespmem:v20+s24+$0x0], $0xffff;
	v20 =	vand.u32 $0x1F, v22  }
0x188: {  	s2 =	sor.u32 s15, s5;
	v21 =	vadd.s32 v10, v29;
	[tilespmem:s6+$0x100] =	vst v25;
	v22 =	vor.u32 v23, v20;
	v20 =	vadd.s32 v4, v27  }
0x189: {  	s3 =	sor.u32 s14, s5;
	v29 =	vadd.s32 v5, v27;
	v25 =	vadd.s32 v2, v16;
	[tilespmem:s2+$0x0] =	vst v26;
	v31 =	vld.idx.msk [tilespmem:v31+s24+$0x0], $0xffff;
	v20 =	vand.u32 $0x1F, v20  }
0x18a: {  	v32 =	vmul.u32 $0xA, v44;
	[tilespmem:s3+$0x0] =	vst v24;
	v24 =	vadd.s32 v2, v18;
	v26 =	vld.idx.msk [tilespmem:v30+s24+$0x0], $0xffff;
	v30 =	vor.u32 v19, v20  }
0x18b: {  	v49 =	vadd.s32 v0, v21;
	v25 =	vand.u32 $0x1F, v25;
	v24 =	vand.u32 $0x1F, v24  }
0x18c: {  	v20 =	vshll.u32 v21, $0x7;
	v48 =	vor.u32 v17, v24;
	v24 =	vadd.s32 v5, v28;
	v33 =	vld.idx.msk [tilespmem:v45+s24+$0x0], $0xffff;
	[tilespmem:s7+$0x180] =	vst v46  }
0x18d: {  	v50 =	vor.u32 v15, v25;
	v25 =	vadd.s32 v10, v32;
	v24 =	vand.u32 $0x1F, v24;
	v22 =	vld.idx.msk [tilespmem:v22+s24+$0x0], $0xffff  }
0x18e: {  	v32 =	vadd.s32 v0, v25;
	[tilespmem:s6+$0x180] =	vst v31;
	v31 =	vor.u32 v23, v24;
	v24 =	vand.u32 $0x1F, v49  }
0x18f: {  	s11 =	simm.s32 $0x58E0;
	v32 =	vand.u32 $0x1F, v32;
	v30 =	vld.idx.msk [tilespmem:v30+s24+$0x0], $0xffff;
	v36 =	vor.u32 v20, v24;
	v24 =	vshll.u32 v25, $0x7  }
0x190: {  	v47 =	vld [tilespmem:s11+$0x0];
	v55 =	vadd.s32 v6, v28;
	v29 =	vand.u32 $0x1F, v29;
	[tilespmem:s2+$0x80] =	vst v26;
	v26 =	vor.u32 v24, v32  }
0x191: {  	v51 =	vadd.s32 v3, v18;
	v29 =	vor.u32 v19, v29;
	v52 =	vld.idx.msk [tilespmem:v48+s24+$0x0], $0xffff;
	[tilespmem:s3+$0x80] =	vst v33  }
0x192: {  	v57 =	vand.u32 $0x1F, v55;
	v61 =	vadd.s32 v6, v27;
	v32 =	vand.u32 $0x1F, v51;
	v53 =	vld.idx.msk [tilespmem:v50+s24+$0x0], $0xffff;
	[tilespmem:s7+$0x200] =	vst v22  }
0x193: {  	s28 =	simm.s32 $0x60;
	v63 =	vand.u32 $0x1F, v61;
	v54 =	vor.u32 v17, v32;
	v56 =	vld.idx.msk [tilespmem:v31+s24+$0x0], $0xffff;
	v31 =	vadd.s32 v3, v16  }
0x194: {  	s11 =	sand.u32 $0x60, s28;
	v34 =	vor.u32 v19, v63;
	v32 =	vld.idx.msk [tilespmem:v36+s24+$0x0], $0xffff;
	v31 =	vand.u32 $0x1F, v31;
	[tilespmem:s6+$0x200] =	vst v30;
	v30 =	vor.u32 v23, v57  }
0x195: {  	s13 =	sand.u32 $0xF80, s28;
	s14 =	sor.u32 $0x10, s11;
	v41 =	vadd.s32 v4, v16;
	v58 =	vadd.s32 v1, v25;
	v37 =	vld.idx.msk [tilespmem:v26+s24+$0x0], $0xffff;
	v59 =	vor.u32 v15, v31  }
0x196: {  	s20 =	simm.s32 $0x200;
	s5 =	sor.u32 s14, s13;
	v62 =	vadd.s32 v4, v18;
	v60 =	vadd.s32 v1, v21;
	v36 =	vand.u32 $0x1F, v58;
	v31 =	vld.idx.msk [tilespmem:v29+s24+$0x0], $0xffff  }
0x197: {  	s15 =	sand.u32 $0x7C00, s20;
	[tilespmem:s2+$0x100] =	vst v52;
	v26 =	vadd.s32 v7, v27;
	v27 =	vand.u32 $0x1F, v60;
	v39 =	vor.u32 v24, v36;
	v29 =	vld [tilespmem:s5+$0x5880]  }
0x198: {  	s23 =	sadd.s32 $0x7880, s15;
	v35 =	vand.u32 $0x1F, v62;
	v22 =	vmul.u32 $0xA, v47;
	v38 =	vld.idx.msk [tilespmem:v54+s24+$0x0], $0xffff;
	v40 =	vor.u32 v20, v27;
	[tilespmem:s7+$0x280] =	vst v56  }
0x199: {  	s9 =	simm.s32 $0x6;
	s10 =	simm.s32 $0x5900;
	s8 =	sor.u32 s8, s23;
	v28 =	vadd.s32 v7, v28;
	v36 =	vor.u32 v17, v35;
	[tilespmem:s3+$0x100] =	vst v53;
	v35 =	vld.idx.msk [tilespmem:v30+s24+$0x0], $0xffff  }
0x19a: {  	v42 =	vand.u32 $0x1F, v28;
	v22 =	vadd.s32 v10, v22;
	v27 =	vadd.s32 v5, v16;
	s7 =	sor.u32 s12, s23;
	s12 =	sand.u32 $0x3, s1;
	s23 =	simm.s32 $0x0;
	v33 =	vld.idx.msk [tilespmem:v59+s24+$0x0], $0xffff  }
.LBB2_10:
0x19b: {  	v30 =	vld [tilespmem:s10+$0x0];
	v44 =	vadd.s32 v2, v21;
	[tilespmem:s7+$0x0] =	vst v37;
	v37 =	vand.u32 $0x1F, v41;
	s5 =	sshll.u32 s12, $0x5;
	v41 =	vor.u32 v23, v42;
	v28 =	vmovc v25;
	s12 =	smov.u32 s11;
	s13 =	smov.u32 s14  }
0x19c: {  	v23 =	vmov v17;
	[tilespmem:s8+$0x0] =	vst v32;
	v32 =	vld.idx.msk [tilespmem:v39+s24+$0x0], $0xffff;
	v25 =	vadd.s32 v2, v28;
	v37 =	vor.u32 v15, v37;
	s5 =	sadd.s32 s5, s1;
	s1 =	smov.u32 s0;
	s0 =	smov.u32 s20  }
0x19d: {  	v17 =	vmovc v24;
	v43 =	vmovc v21;
	v39 =	vshll.u32 v22, $0x7;
	v42 =	vand.u32 $0x1F, v44;
	v40 =	vld.idx.msk [tilespmem:v40+s24+$0x0], $0xffff;
	v25 =	vand.u32 $0x1F, v25;
	[tilespmem:s2+$0x180] =	vst v38;
	s11 =	sor.u32 $0x300, s5;
	s15 =	sor.u32 $0x380, s5;
	s5 =	sadd.s32 $0x10, s5  }
0x19e: {  	v24 =	vadd.s32 v5, v18;
	v21 =	vmul.u32 $0xA, v29;
	v29 =	vor.u32 v17, v25;
	v36 =	vld.idx.msk [tilespmem:v36+s24+$0x0], $0xffff;
	[tilespmem:s6+$0x280] =	vst v31;
	s14 =	sor.u32 $0x300, s5;
	s6 =	smov.u32 s3;
	s3 =	smov.u32 s8  }
0x19f: {  	v24 =	vand.u32 $0x1F, v24;
	v38 =	vor.u32 v20, v42;
	v31 =	vadd.s32 v0, v22;
	v34 =	vld.idx.msk [tilespmem:v34+s24+$0x0], $0xffff;
	[tilespmem:s14+$0x7880] =	vst v35  }
0x1a0: {  	v25 =	vadd.s32 v10, v21;
	v21 =	vand.u32 $0x1F, v26;
	[tilespmem:s6+$0x180] =	vst v33;
	v33 =	vor.u32 v23, v24;
	v26 =	vld.idx.msk [tilespmem:v41+s24+$0x0], $0xffff  }
0x1a1: {  	v24 =	vand.u32 $0x1F, v31;
	v31 =	vadd.s32 v0, v25;
	v35 =	vld.idx.msk [tilespmem:v37+s24+$0x0], $0xffff;
	v37 =	vor.u32 v19, v21;
	v19 =	vmovc v15  }
0x1a2: {  	v41 =	vor.u32 v39, v24;
	v42 =	vand.u32 $0x1F, v31;
	v24 =	vshll.u32 v25, $0x7;
	v15 =	vmovc v20;
	v20 =	vmovc v39;
	[tilespmem:s7+$0x80] =	vst v32  }
0x1a3: {  	v27 =	vand.u32 $0x1F, v27;
	v39 =	vadd.s32 v3, v28;
	v31 =	vor.u32 v24, v42;
	[tilespmem:s3+$0x80] =	vst v40;
	v29 =	vld.idx.msk [tilespmem:v29+s24+$0x0], $0xffff  }
0x1a4: {  	v32 =	vand.u32 $0x1F, v39;
	v27 =	vor.u32 v19, v27;
	v21 =	vmov v22;
	v38 =	vld.idx.msk [tilespmem:v38+s24+$0x0], $0xffff;
	[tilespmem:s2+$0x200] =	vst v36  }
0x1a5: {  	s5 =	sor.u32 $0x380, s5;
	v22 =	vmul.u32 $0xA, v30;
	v30 =	vor.u32 v17, v32;
	v32 =	vadd.s32 v6, v18;
	v33 =	vld.idx.msk [tilespmem:v33+s24+$0x0], $0xffff;
	[tilespmem:s11+$0x7880] =	vst v34  }
0x1a6: {  	v36 =	vand.u32 $0x1F, v32;
	v34 =	vadd.s32 v3, v43;
	v42 =	vld.idx.msk [tilespmem:v37+s24+$0x0], $0xffff;
	[tilespmem:s5+$0x7880] =	vst v26  }
0x1a7: {  	s28 =	sadd.s32 $0x20, s28;
	s9 =	sadd.s32 $0x2, s9;
	v22 =	vadd.s32 v10, v22;
	v26 =	vand.u32 $0x1F, v34;
	v34 =	vor.u32 v23, v36;
	v32 =	vld.idx.msk [tilespmem:v41+s24+$0x0], $0xffff;
	[tilespmem:s6+$0x200] =	vst v35  }
0x1a8: {  	p0 =	slt.u32 s9, $0xFE;
	s11 =	sand.u32 $0x60, s28;
	v41 =	vor.u32 v15, v26;
	v26 =	vadd.s32 v7, v16;
	v37 =	vld.idx.msk [tilespmem:v31+s24+$0x0], $0xffff;
	v31 =	vadd.s32 v1, v25  }
.Ltmp4:
0x1a9: {  	v44 =	vadd.s32 v6, v16;
	s14 =	sor.u32 $0x10, s11;
	s5 =	sand.u32 $0xF80, s28;
	v35 =	vadd.s32 v1, v21;
	v36 =	vand.u32 $0x1F, v31;
	[tilespmem:s7+$0x100] =	vst v29;
	v31 =	vld.idx.msk [tilespmem:v27+s24+$0x0], $0xffff;
	(pc) =	sbr.rel @p0 .LBB2_10-.Ltmp4, $4  }
0x1aa: {  	s20 =	sadd.s32 $0x100, s20;
	s5 =	sor.u32 s14, s5;
	v35 =	vand.u32 $0x1F, v35;
	v39 =	vor.u32 v24, v36;
	[tilespmem:s3+$0x100] =	vst v38;
	v38 =	vld.idx.msk [tilespmem:v30+s24+$0x0], $0xffff;
	v30 =	vadd.s32 v4, v28  }
0x1ab: {  	v16 =	vmovc v43;
	v40 =	vor.u32 v20, v35;
	v27 =	vadd.s32 v5, v43;
	v29 =	vld [tilespmem:s5+$0x5880];
	s5 =	sand.u32 $0x7C00, s20;
	v30 =	vand.u32 $0x1F, v30;
	[tilespmem:s2+$0x280] =	vst v33;
	s2 =	smov.u32 s7  }
0x1ac: {  	s10 =	sadd.s32 $0x20, s10;
	s23 =	sadd.s32 $0x1, s23;
	v43 =	vadd.s32 v7, v18;
	s5 =	sadd.s32 $0x7880, s5;
	v36 =	vor.u32 v17, v30;
	v30 =	vand.u32 $0x1F, v44;
	v35 =	vld.idx.msk [tilespmem:v34+s24+$0x0], $0xffff;
	[tilespmem:s15+$0x7880] =	vst v42  }
0x1ad: {  	v18 =	vmovc v28;
	v42 =	vand.u32 $0x1F, v43;
	s8 =	sor.u32 s12, s5;
	s7 =	sor.u32 s13, s5;
	v33 =	vld.idx.msk [tilespmem:v41+s24+$0x0], $0xffff;
	v41 =	vadd.s32 v4, v16;
	s12 =	sand.u32 $0x3, s23;
	v34 =	vor.u32 v19, v30  }
0x1ae: {  	_ =	sdelay $0x1  }
0x1af: {  	v28 =	vmul.u32 $0xA, v29;
	_ =	sdelay $0x1  }
0x1b0: {  	v30 =	vadd.s32 v10, v28  }
0x1b1: {  	v28 =	vadd.s32 v0, v30  }
0x1b2: {  	v43 =	vadd.s32 v0, v22;
	v29 =	vshll.u32 v30, $0x7;
	v44 =	vand.u32 $0x1F, v28  }
0x1b3: {  	v43 =	vand.u32 $0x1F, v43;
	v28 =	vshll.u32 v22, $0x7;
	v44 =	vor.u32 v29, v44  }
0x1b4: {  	v43 =	vor.u32 v28, v43  }
0x1b5: {  	[tilespmem:s7+$0x0] =	vst v37;
	v56 =	vadd.s32 v2, v25  }
0x1b6: {  	[tilespmem:s8+$0x0] =	vst v32;
	v39 =	vld.idx.msk [tilespmem:v39+s24+$0x0], $0xffff;
	v32 =	vand.u32 $0x1F, v56  }
0x1b7: {  	v32 =	vor.u32 v24, v32;
	v45 =	vadd.s32 v1, v30  }
0x1b8: {  	v46 =	vadd.s32 v1, v22;
	v45 =	vand.u32 $0x1F, v45;
	v44 =	vld.idx.msk [tilespmem:v44+s24+$0x0], $0xffff  }
0x1b9: {  	s28 =	sadd.s32 $0x100, s20;
	v46 =	vand.u32 $0x1F, v46;
	v45 =	vor.u32 v29, v45;
	v43 =	vld.idx.msk [tilespmem:v43+s24+$0x0], $0xffff  }
0x1ba: {  	[tilespmem:s6+$0x280] =	vst v31;
	s5 =	sand.u32 $0x7C00, s28;
	v55 =	vor.u32 v28, v46  }
0x1bb: {  	v57 =	vadd.s32 v2, v21;
	v63 =	vadd.s32 v3, v25;
	s5 =	sadd.s32 $0x7880, s5;
	[tilespmem:s7+$0x80] =	vst v39  }
0x1bc: {  	s10 =	sshll.u32 s12, $0x5;
	v59 =	vadd.s32 v2, v22;
	v23 =	vor.u32 v23, v42;
	[tilespmem:s2+$0x180] =	vst v38;
	v37 =	vand.u32 $0x1F, v63;
	s9 =	sor.u32 s14, s5;
	v32 =	vld.idx.msk [tilespmem:v32+s24+$0x0], $0xffff  }
0x1bd: {  	s10 =	sadd.s32 s10, s1;
	v40 =	vld.idx.msk [tilespmem:v40+s24+$0x0], $0xffff;
	v38 =	vand.u32 $0x1F, v57;
	v37 =	vor.u32 v24, v37;
	s1 =	sor.u32 s11, s5;
	v58 =	vadd.s32 v2, v30;
	[tilespmem:s9+$0x0] =	vst v44  }
0x1be: {  	v50 =	vadd.s32 v5, v18;
	v38 =	vor.u32 v20, v38;
	s11 =	sadd.s32 $0x10, s10;
	[tilespmem:s1+$0x0] =	vst v43;
	v44 =	vand.u32 $0x1F, v58;
	v45 =	vld.idx.msk [tilespmem:v45+s24+$0x0], $0xffff  }
0x1bf: {  	v51 =	vadd.s32 v4, v25;
	v60 =	vand.u32 $0x1F, v59;
	s12 =	sor.u32 $0x300, s11;
	[tilespmem:s3+$0x180] =	vst v33;
	v31 =	vld.idx.msk [tilespmem:v55+s24+$0x0], $0xffff;
	v61 =	vor.u32 v29, v44  }
0x1c0: {  	v41 =	vand.u32 $0x1F, v41;
	v52 =	vadd.s32 v4, v21;
	v36 =	vld.idx.msk [tilespmem:v36+s24+$0x0], $0xffff;
	[tilespmem:s12+$0x7880] =	vst v35;
	v62 =	vor.u32 v28, v60  }
0x1c1: {  	v54 =	vadd.s32 v4, v22;
	v41 =	vor.u32 v15, v41;
	v23 =	vld.idx.msk [tilespmem:v23+s24+$0x0], $0xffff;
	[tilespmem:s7+$0x100] =	vst v32  }
0x1c2: {  	v26 =	vand.u32 $0x1F, v26;
	[tilespmem:s8+$0x80] =	vst v40;
	v32 =	vand.u32 $0x1F, v51;
	v37 =	vld.idx.msk [tilespmem:v37+s24+$0x0], $0xffff;
	v44 =	vadd.s32 v3, v21  }
0x1c3: {  	v38 =	vld.idx.msk [tilespmem:v38+s24+$0x0], $0xffff;
	v32 =	vor.u32 v24, v32;
	v39 =	vand.u32 $0x1F, v44;
	[tilespmem:s9+$0x80] =	vst v45;
	v45 =	vadd.s32 v3, v30  }
0x1c4: {  	v46 =	vadd.s32 v3, v22;
	v39 =	vor.u32 v20, v39;
	[tilespmem:s1+$0x80] =	vst v31;
	v31 =	vld.idx.msk [tilespmem:v61+s24+$0x0], $0xffff;
	v40 =	vand.u32 $0x1F, v45  }
0x1c5: {  	v19 =	vor.u32 v19, v26;
	s5 =	sor.u32 $0x380, s11;
	[tilespmem:s2+$0x200] =	vst v36;
	v49 =	vand.u32 $0x1F, v46;
	v47 =	vld.idx.msk [tilespmem:v62+s24+$0x0], $0xffff;
	v48 =	vor.u32 v29, v40  }
0x1c6: {  	v26 =	vand.u32 $0x1F, v27;
	v57 =	vadd.s32 v5, v25;
	v56 =	vld.idx.msk [tilespmem:v41+s24+$0x0], $0xffff;
	[tilespmem:s5+$0x7880] =	vst v23;
	v40 =	vor.u32 v28, v49  }
0x1c7: {  	v34 =	vld.idx.msk [tilespmem:v34+s24+$0x0], $0xffff;
	v26 =	vor.u32 v15, v26;
	v35 =	vand.u32 $0x1F, v54;
	v36 =	vand.u32 $0x1F, v50;
	[tilespmem:s7+$0x180] =	vst v37  }
0x1c8: {  	v36 =	vor.u32 v17, v36;
	v23 =	vor.u32 v28, v35;
	v35 =	vand.u32 $0x1F, v57;
	[tilespmem:s8+$0x100] =	vst v38;
	v32 =	vld.idx.msk [tilespmem:v32+s24+$0x0], $0xffff  }
0x1c9: {  	v38 =	vand.u32 $0x1F, v52;
	v35 =	vor.u32 v24, v35;
	v39 =	vld.idx.msk [tilespmem:v39+s24+$0x0], $0xffff;
	[tilespmem:s9+$0x100] =	vst v31;
	v31 =	vadd.s32 v4, v30  }
0x1ca: {  	v38 =	vor.u32 v20, v38;
	[tilespmem:s1+$0x100] =	vst v47;
	v53 =	vld.idx.msk [tilespmem:v48+s24+$0x0], $0xffff;
	v31 =	vand.u32 $0x1F, v31  }
0x1cb: {  	s13 =	sor.u32 $0x300, s10;
	[tilespmem:s3+$0x200] =	vst v56;
	v55 =	vld.idx.msk [tilespmem:v40+s24+$0x0], $0xffff;
	v31 =	vor.u32 v29, v31  }
0x1cc: {  	v42 =	vadd.s32 v6, v25;
	[tilespmem:s13+$0x7880] =	vst v34;
	v26 =	vld.idx.msk [tilespmem:v26+s24+$0x0], $0xffff  }
0x1cd: {  	v63 =	vadd.s32 v6, v16;
	v16 =	vadd.s32 v7, v16;
	v27 =	vld.idx.msk [tilespmem:v36+s24+$0x0], $0xffff;
	[tilespmem:s7+$0x200] =	vst v32  }
0x1ce: {  	v16 =	vand.u32 $0x1F, v16;
	v58 =	vadd.s32 v5, v21;
	v32 =	vand.u32 $0x1F, v42;
	v35 =	vld.idx.msk [tilespmem:v35+s24+$0x0], $0xffff;
	[tilespmem:s8+$0x180] =	vst v39  }
0x1cf: {  	v60 =	vadd.s32 v5, v30;
	v36 =	vand.u32 $0x1F, v58;
	v32 =	vor.u32 v24, v32;
	v59 =	vld.idx.msk [tilespmem:v38+s24+$0x0], $0xffff;
	[tilespmem:s9+$0x180] =	vst v53  }
0x1d0: {  	v33 =	vand.u32 $0x1F, v60;
	v36 =	vor.u32 v20, v36;
	v61 =	vadd.s32 v5, v22;
	[tilespmem:s1+$0x180] =	vst v55;
	v31 =	vld.idx.msk [tilespmem:v31+s24+$0x0], $0xffff  }
0x1d1: {  	v33 =	vor.u32 v29, v33;
	[tilespmem:s3+$0x280] =	vst v26;
	v62 =	vadd.s32 v6, v18;
	v38 =	vand.u32 $0x1F, v61;
	v23 =	vld.idx.msk [tilespmem:v23+s24+$0x0], $0xffff  }
0x1d2: {  	s15 =	sadd.s32 $0x1, s23;
	v41 =	vand.u32 $0x1F, v63;
	v19 =	vld.idx.msk [tilespmem:v19+s24+$0x0], $0xffff;
	[tilespmem:s2+$0x280] =	vst v27;
	v34 =	vand.u32 $0x1F, v62;
	v27 =	vor.u32 v28, v38  }
0x1d3: {  	v43 =	vadd.s32 v6, v21;
	s2 =	sadd.s32 $0x1, s15;
	v34 =	vor.u32 v17, v34;
	[tilespmem:s7+$0x280] =	vst v35;
	v38 =	vor.u32 v15, v41  }
0x1d4: {  	s7 =	sand.u32 $0x3, s2;
	v15 =	vor.u32 v15, v16;
	v16 =	vadd.s32 v7, v21;
	v21 =	vld.idx.msk [tilespmem:v32+s24+$0x0], $0xffff;
	[tilespmem:s8+$0x200] =	vst v59  }
0x1d5: {  	v37 =	vand.u32 $0x1F, v43;
	s3 =	sshll.u32 s7, $0x5;
	v36 =	vld.idx.msk [tilespmem:v36+s24+$0x0], $0xffff;
	[tilespmem:s9+$0x200] =	vst v31;
	v31 =	vadd.s32 v6, v30  }
0x1d6: {  	s14 =	sor.u32 $0x380, s10;
	v37 =	vor.u32 v20, v37;
	s3 =	sadd.s32 s3, s20;
	[tilespmem:s1+$0x200] =	vst v23;
	v23 =	vadd.s32 v6, v22;
	v33 =	vld.idx.msk [tilespmem:v33+s24+$0x0], $0xffff;
	v31 =	vand.u32 $0x1F, v31  }
0x1d7: {  	[tilespmem:s14+$0x7880] =	vst v19;
	v18 =	vadd.s32 v7, v18;
	s11 =	sadd.s32 $0x10, s3;
	v27 =	vld.idx.msk [tilespmem:v27+s24+$0x0], $0xffff;
	v23 =	vand.u32 $0x1F, v23;
	v19 =	vor.u32 v29, v31  }
0x1d8: {  	s23 =	sand.u32 $0x3, s15;
	v25 =	vadd.s32 v7, v25;
	v18 =	vand.u32 $0x1F, v18;
	s12 =	sor.u32 $0x300, s11;
	v31 =	vld.idx.msk [tilespmem:v34+s24+$0x0], $0xffff;
	v23 =	vor.u32 v28, v23  }
0x1d9: {  	s6 =	sshll.u32 s23, $0x5;
	v25 =	vand.u32 $0x1F, v25;
	v17 =	vor.u32 v17, v18;
	v18 =	vld.idx.msk [tilespmem:v38+s24+$0x0], $0xffff;
	[tilespmem:s12+$0x7880] =	vst v21  }
0x1da: {  	s0 =	sadd.s32 s6, s0;
	v24 =	vor.u32 v24, v25;
	[tilespmem:s8+$0x280] =	vst v36  }
0x1db: {  	v26 =	vadd.s32 v7, v30;
	s2 =	sadd.s32 $0x1, s2;
	v16 =	vand.u32 $0x1F, v16;
	s8 =	sadd.s32 $0x10, s0;
	v25 =	vld.idx.msk [tilespmem:v37+s24+$0x0], $0xffff;
	[tilespmem:s9+$0x280] =	vst v33  }
0x1dc: {  	s2 =	sand.u32 $0x3, s2;
	v16 =	vor.u32 v20, v16;
	v20 =	vadd.s32 v7, v22;
	v22 =	vand.u32 $0x1F, v26;
	s9 =	sor.u32 $0x300, s8;
	[tilespmem:s1+$0x280] =	vst v27;
	v19 =	vld.idx.msk [tilespmem:v19+s24+$0x0], $0xffff  }
0x1dd: {  	s10 =	sor.u32 $0x300, s0;
	s2 =	sshll.u32 s2, $0x5;
	v20 =	vand.u32 $0x1F, v20;
	v22 =	vor.u32 v29, v22;
	[tilespmem:s9+$0x7880] =	vst v31;
	v23 =	vld.idx.msk [tilespmem:v23+s24+$0x0], $0xffff  }
0x1de: {  	s2 =	sadd.s32 s2, s28;
	[tilespmem:s10+$0x7880] =	vst v18;
	v18 =	vor.u32 v28, v20;
	v17 =	vld.idx.msk [tilespmem:v17+s24+$0x0], $0xffff  }
0x1df: {  	s13 =	sor.u32 $0x300, s3;
	s14 =	sadd.s32 $0x10, s2;
	v20 =	vld.idx.msk [tilespmem:v24+s24+$0x0], $0xffff  }
0x1e0: {  	s15 =	sor.u32 $0x300, s14;
	v15 =	vld.idx.msk [tilespmem:v15+s24+$0x0], $0xffff;
	[tilespmem:s13+$0x7880] =	vst v25  }
0x1e1: {  	s20 =	sor.u32 $0x300, s2;
	v16 =	vld.idx.msk [tilespmem:v16+s24+$0x0], $0xffff;
	[tilespmem:s15+$0x7880] =	vst v19  }
0x1e2: {  	s5 =	sor.u32 $0x380, s8;
	[tilespmem:s20+$0x7880] =	vst v23;
	v19 =	vld.idx.msk [tilespmem:v22+s24+$0x0], $0xffff  }
0x1e3: {  	s23 =	sor.u32 $0x380, s11;
	[tilespmem:s5+$0x7880] =	vst v17;
	v17 =	vld.idx.msk [tilespmem:v18+s24+$0x0], $0xffff  }
0x1e4: {  	s0 =	sor.u32 $0x380, s0;
	[tilespmem:s23+$0x7880] =	vst v20  }
0x1e5: {  	s3 =	sor.u32 $0x380, s3;
	[tilespmem:s0+$0x7880] =	vst v15  }
0x1e6: {  	[tilespmem:s3+$0x7880] =	vst v16;
	s5 =	sor.u32 $0x380, s14  }
0x1e7: {  	s6 =	sor.u32 $0x380, s2;
	[tilespmem:s5+$0x7880] =	vst v19  }
0x1e8: {  	[tilespmem:s6+$0x7880] =	vst v17  }
0x1e9: {  	s1 =	simm.s32 $0x0;
	s0 =	rddreg [dreg:$0xb]  }
0x1ea: {  	[hbm4b:s0+s1] =	stream.linear.scatter [tilespmem:s25], [sflag:$0x3], $0x8000, $0x38;
	[tilespmem:$0x17880] =	vst v63  }
0x1eb: {  	_ =	swait.ge [sflag:s26], $0x1000  }
0x1ec: {  	[sflag:s26] =	ssyncset.done $0x0  }
0x1ed: {  	s7 =	rddreg [dreg:$0xf];
	[sflag:s26] =	ssyncadd.s32 $0xFFFFF000  }
0x1ee: {  	[tilespmem:s18], [sflag:$0x1] =	stream.strided.gather [hbm4b:s7+s16], $0x1000, s17, s16, $0x38;
	[tilespmem:$0x17880] =	vst v63  }
0x1ef: {  	s8 =	sand.u32 $0x60, s1;
	_ =	swait.ge [sflag:s30], $0x8000  }
0x1f0: {  	s10 =	sand.u32 $0xF80, s1;
	s9 =	sor.u32 $0x10, s8;
	[sflag:s30] =	ssyncset.done $0x0  }
0x1f1: {  	s2 =	sor.u32 s9, s10;
	[sflag:s30] =	ssyncadd.s32 $0xFFFF8000  }
0x1f2: {  	v15 =	vld [tilespmem:s2+$0x6880]  }
0x1f3: {  	s11 =	simm.s32 $0x6880  }
0x1f4: {  	v16 =	vld [tilespmem:s11+$0x0];
	_ =	sdelay $0x2  }
0x1f5: {  	v15 =	vmul.u32 $0xA, v15;
	_ =	sdelay $0x1  }
0x1f6: {  	v28 =	vadd.s32 v12, v15;
	v15 =	vmul.u32 $0xA, v16  }
0x1f7: {  	v16 =	vadd.s32 v0, v28  }
0x1f8: {  	v23 =	vshll.u32 v28, $0x7;
	v16 =	vand.u32 $0x1F, v16;
	v27 =	vadd.s32 v12, v15  }
0x1f9: {  	s12 =	simm.s32 $0x20;
	v15 =	vor.u32 v23, v16;
	v16 =	vadd.s32 v0, v27  }
0x1fa: {  	s14 =	sand.u32 $0x60, s12;
	v19 =	vshll.u32 v27, $0x7;
	v16 =	vand.u32 $0x1F, v16  }
0x1fb: {  	s13 =	simm.s32 $0x68A0;
	s15 =	sor.u32 $0x10, s14;
	s6 =	sand.u32 $0xF80, s12;
	v16 =	vor.u32 v19, v16  }
0x1fc: {  	s6 =	sor.u32 s15, s6;
	v17 =	vld [tilespmem:s13+$0x0]  }
0x1fd: {  	v20 =	vld [tilespmem:s6+$0x6880];
	v18 =	vadd.s32 v1, v28  }
0x1fe: {  	v18 =	vand.u32 $0x1F, v18;
	v15 =	vld.idx.msk [tilespmem:v15+s24+$0x0], $0xffff  }
0x1ff: {  	v21 =	vadd.s32 v1, v27;
	v18 =	vor.u32 v23, v18  }
0x200: {  	s20 =	sand.u32 $0x7C00, s1;
	v22 =	vld.idx.msk [tilespmem:v16+s24+$0x0], $0xffff;
	v16 =	vand.u32 $0x1F, v21  }
0x201: {  	s6 =	sadd.s32 $0xF880, s20;
	v21 =	vor.u32 v19, v16  }
0x202: {  	s7 =	sor.u32 s9, s6  }
0x203: {  	v16 =	vmul.u32 $0xA, v17;
	v17 =	vmul.u32 $0xA, v20;
	[tilespmem:s7+$0x0] =	vst v15;
	v15 =	vadd.s32 v2, v28  }
0x204: {  	s6 =	sor.u32 s8, s6;
	v24 =	vadd.s32 v2, v27;
	v20 =	vld.idx.msk [tilespmem:v18+s24+$0x0], $0xffff;
	v15 =	vand.u32 $0x1F, v15  }
0x205: {  	v16 =	vadd.s32 v12, v16;
	v18 =	vadd.s32 v12, v17;
	[tilespmem:s6+$0x0] =	vst v22;
	v22 =	vor.u32 v23, v15  }
0x206: {  	v15 =	vand.u32 $0x1F, v24;
	v24 =	vadd.s32 v0, v16;
	v17 =	vadd.s32 v0, v18;
	v21 =	vld.idx.msk [tilespmem:v21+s24+$0x0], $0xffff  }
0x207: {  	s5 =	simm.s32 $0x40;
	v25 =	vor.u32 v19, v15;
	v26 =	vand.u32 $0x1F, v17;
	v17 =	vshll.u32 v18, $0x7  }
0x208: {  	s23 =	simm.s32 $0x68C0;
	s8 =	sand.u32 $0x60, s5;
	v15 =	vshll.u32 v16, $0x7;
	v24 =	vand.u32 $0x1F, v24;
	v26 =	vor.u32 v17, v26  }
0x209: {  	s0 =	sand.u32 $0xF80, s5;
	v29 =	vld [tilespmem:s23+$0x0];
	s12 =	sor.u32 $0x10, s8;
	v24 =	vor.u32 v15, v24;
	[tilespmem:s7+$0x80] =	vst v20;
	v20 =	vadd.s32 v3, v28  }
0x20a: {  	s9 =	sor.u32 s12, s0;
	v22 =	vld.idx.msk [tilespmem:v22+s24+$0x0], $0xffff;
	v20 =	vand.u32 $0x1F, v20  }
0x20b: {  	v44 =	vld [tilespmem:s9+$0x6880];
	[tilespmem:s6+$0x80] =	vst v21;
	v20 =	vor.u32 v23, v20;
	v21 =	vadd.s32 v3, v27  }
0x20c: {  	v30 =	vadd.s32 v1, v18;
	v25 =	vld.idx.msk [tilespmem:v25+s24+$0x0], $0xffff;
	v21 =	vand.u32 $0x1F, v21  }
0x20d: {  	v30 =	vand.u32 $0x1F, v30;
	v26 =	vld.idx.msk [tilespmem:v26+s24+$0x0], $0xffff;
	v31 =	vor.u32 v19, v21  }
0x20e: {  	s0 =	simm.s32 $0x100;
	v30 =	vor.u32 v17, v30;
	v24 =	vld.idx.msk [tilespmem:v24+s24+$0x0], $0xffff;
	v21 =	vadd.s32 v1, v16  }
0x20f: {  	s10 =	sand.u32 $0x7C00, s0;
	v29 =	vmul.u32 $0xA, v29;
	v21 =	vand.u32 $0x1F, v21;
	[tilespmem:s7+$0x100] =	vst v22;
	v22 =	vadd.s32 v4, v28  }
0x210: {  	s5 =	sadd.s32 $0xF880, s10;
	v45 =	vor.u32 v15, v21;
	v46 =	vld.idx.msk [tilespmem:v20+s24+$0x0], $0xffff;
	v20 =	vand.u32 $0x1F, v22  }
0x211: {  	s2 =	sor.u32 s15, s5;
	v21 =	vadd.s32 v12, v29;
	[tilespmem:s6+$0x100] =	vst v25;
	v22 =	vor.u32 v23, v20;
	v20 =	vadd.s32 v4, v27  }
0x212: {  	s3 =	sor.u32 s14, s5;
	v29 =	vadd.s32 v5, v27;
	v25 =	vadd.s32 v2, v16;
	[tilespmem:s2+$0x0] =	vst v26;
	v31 =	vld.idx.msk [tilespmem:v31+s24+$0x0], $0xffff;
	v20 =	vand.u32 $0x1F, v20  }
0x213: {  	v32 =	vmul.u32 $0xA, v44;
	[tilespmem:s3+$0x0] =	vst v24;
	v24 =	vadd.s32 v2, v18;
	v26 =	vld.idx.msk [tilespmem:v30+s24+$0x0], $0xffff;
	v30 =	vor.u32 v19, v20  }
0x214: {  	v49 =	vadd.s32 v0, v21;
	v25 =	vand.u32 $0x1F, v25;
	v24 =	vand.u32 $0x1F, v24  }
0x215: {  	v20 =	vshll.u32 v21, $0x7;
	v48 =	vor.u32 v17, v24;
	v24 =	vadd.s32 v5, v28;
	v33 =	vld.idx.msk [tilespmem:v45+s24+$0x0], $0xffff;
	[tilespmem:s7+$0x180] =	vst v46  }
0x216: {  	v50 =	vor.u32 v15, v25;
	v25 =	vadd.s32 v12, v32;
	v24 =	vand.u32 $0x1F, v24;
	v22 =	vld.idx.msk [tilespmem:v22+s24+$0x0], $0xffff  }
0x217: {  	v32 =	vadd.s32 v0, v25;
	[tilespmem:s6+$0x180] =	vst v31;
	v31 =	vor.u32 v23, v24;
	v24 =	vand.u32 $0x1F, v49  }
0x218: {  	s11 =	simm.s32 $0x68E0;
	v32 =	vand.u32 $0x1F, v32;
	v30 =	vld.idx.msk [tilespmem:v30+s24+$0x0], $0xffff;
	v36 =	vor.u32 v20, v24;
	v24 =	vshll.u32 v25, $0x7  }
0x219: {  	v47 =	vld [tilespmem:s11+$0x0];
	v55 =	vadd.s32 v6, v28;
	v29 =	vand.u32 $0x1F, v29;
	[tilespmem:s2+$0x80] =	vst v26;
	v26 =	vor.u32 v24, v32  }
0x21a: {  	v51 =	vadd.s32 v3, v18;
	v29 =	vor.u32 v19, v29;
	v52 =	vld.idx.msk [tilespmem:v48+s24+$0x0], $0xffff;
	[tilespmem:s3+$0x80] =	vst v33  }
0x21b: {  	v57 =	vand.u32 $0x1F, v55;
	v61 =	vadd.s32 v6, v27;
	v32 =	vand.u32 $0x1F, v51;
	v53 =	vld.idx.msk [tilespmem:v50+s24+$0x0], $0xffff;
	[tilespmem:s7+$0x200] =	vst v22  }
0x21c: {  	s28 =	simm.s32 $0x60;
	v63 =	vand.u32 $0x1F, v61;
	v54 =	vor.u32 v17, v32;
	v56 =	vld.idx.msk [tilespmem:v31+s24+$0x0], $0xffff;
	v31 =	vadd.s32 v3, v16  }
0x21d: {  	s11 =	sand.u32 $0x60, s28;
	v34 =	vor.u32 v19, v63;
	v32 =	vld.idx.msk [tilespmem:v36+s24+$0x0], $0xffff;
	v31 =	vand.u32 $0x1F, v31;
	[tilespmem:s6+$0x200] =	vst v30;
	v30 =	vor.u32 v23, v57  }
0x21e: {  	s13 =	sand.u32 $0xF80, s28;
	s14 =	sor.u32 $0x10, s11;
	v41 =	vadd.s32 v4, v16;
	v58 =	vadd.s32 v1, v25;
	v37 =	vld.idx.msk [tilespmem:v26+s24+$0x0], $0xffff;
	v59 =	vor.u32 v15, v31  }
0x21f: {  	s20 =	simm.s32 $0x200;
	s5 =	sor.u32 s14, s13;
	v62 =	vadd.s32 v4, v18;
	v60 =	vadd.s32 v1, v21;
	v36 =	vand.u32 $0x1F, v58;
	v31 =	vld.idx.msk [tilespmem:v29+s24+$0x0], $0xffff  }
0x220: {  	s15 =	sand.u32 $0x7C00, s20;
	[tilespmem:s2+$0x100] =	vst v52;
	v26 =	vadd.s32 v7, v27;
	v27 =	vand.u32 $0x1F, v60;
	v39 =	vor.u32 v24, v36;
	v29 =	vld [tilespmem:s5+$0x6880]  }
0x221: {  	s23 =	sadd.s32 $0xF880, s15;
	v35 =	vand.u32 $0x1F, v62;
	v22 =	vmul.u32 $0xA, v47;
	v38 =	vld.idx.msk [tilespmem:v54+s24+$0x0], $0xffff;
	v40 =	vor.u32 v20, v27;
	[tilespmem:s7+$0x280] =	vst v56  }
0x222: {  	s9 =	simm.s32 $0x6;
	s10 =	simm.s32 $0x6900;
	s8 =	sor.u32 s8, s23;
	v28 =	vadd.s32 v7, v28;
	v36 =	vor.u32 v17, v35;
	[tilespmem:s3+$0x100] =	vst v53;
	v35 =	vld.idx.msk [tilespmem:v30+s24+$0x0], $0xffff  }
0x223: {  	v42 =	vand.u32 $0x1F, v28;
	v22 =	vadd.s32 v12, v22;
	v27 =	vadd.s32 v5, v16;
	s7 =	sor.u32 s12, s23;
	s12 =	sand.u32 $0x3, s1;
	s23 =	simm.s32 $0x0;
	v33 =	vld.idx.msk [tilespmem:v59+s24+$0x0], $0xffff  }
.LBB2_12:
0x224: {  	v30 =	vld [tilespmem:s10+$0x0];
	v44 =	vadd.s32 v2, v21;
	[tilespmem:s7+$0x0] =	vst v37;
	v37 =	vand.u32 $0x1F, v41;
	s5 =	sshll.u32 s12, $0x5;
	v41 =	vor.u32 v23, v42;
	v28 =	vmovc v25;
	s12 =	smov.u32 s11;
	s13 =	smov.u32 s14  }
0x225: {  	v23 =	vmov v17;
	[tilespmem:s8+$0x0] =	vst v32;
	v32 =	vld.idx.msk [tilespmem:v39+s24+$0x0], $0xffff;
	v25 =	vadd.s32 v2, v28;
	v37 =	vor.u32 v15, v37;
	s5 =	sadd.s32 s5, s1;
	s1 =	smov.u32 s0;
	s0 =	smov.u32 s20  }
0x226: {  	v17 =	vmovc v24;
	v43 =	vmovc v21;
	v39 =	vshll.u32 v22, $0x7;
	v42 =	vand.u32 $0x1F, v44;
	v40 =	vld.idx.msk [tilespmem:v40+s24+$0x0], $0xffff;
	v25 =	vand.u32 $0x1F, v25;
	[tilespmem:s2+$0x180] =	vst v38;
	s11 =	sor.u32 $0x300, s5;
	s15 =	sor.u32 $0x380, s5;
	s5 =	sadd.s32 $0x10, s5  }
0x227: {  	v24 =	vadd.s32 v5, v18;
	v21 =	vmul.u32 $0xA, v29;
	v29 =	vor.u32 v17, v25;
	v36 =	vld.idx.msk [tilespmem:v36+s24+$0x0], $0xffff;
	[tilespmem:s6+$0x280] =	vst v31;
	s14 =	sor.u32 $0x300, s5;
	s6 =	smov.u32 s3;
	s3 =	smov.u32 s8  }
0x228: {  	v24 =	vand.u32 $0x1F, v24;
	v38 =	vor.u32 v20, v42;
	v31 =	vadd.s32 v0, v22;
	v34 =	vld.idx.msk [tilespmem:v34+s24+$0x0], $0xffff;
	[tilespmem:s14+$0xF880] =	vst v35  }
0x229: {  	v25 =	vadd.s32 v12, v21;
	v21 =	vand.u32 $0x1F, v26;
	[tilespmem:s6+$0x180] =	vst v33;
	v33 =	vor.u32 v23, v24;
	v26 =	vld.idx.msk [tilespmem:v41+s24+$0x0], $0xffff  }
0x22a: {  	v24 =	vand.u32 $0x1F, v31;
	v31 =	vadd.s32 v0, v25;
	v35 =	vld.idx.msk [tilespmem:v37+s24+$0x0], $0xffff;
	v37 =	vor.u32 v19, v21;
	v19 =	vmovc v15  }
0x22b: {  	v41 =	vor.u32 v39, v24;
	v42 =	vand.u32 $0x1F, v31;
	v24 =	vshll.u32 v25, $0x7;
	v15 =	vmovc v20;
	v20 =	vmovc v39;
	[tilespmem:s7+$0x80] =	vst v32  }
0x22c: {  	v27 =	vand.u32 $0x1F, v27;
	v39 =	vadd.s32 v3, v28;
	v31 =	vor.u32 v24, v42;
	[tilespmem:s3+$0x80] =	vst v40;
	v29 =	vld.idx.msk [tilespmem:v29+s24+$0x0], $0xffff  }
0x22d: {  	v32 =	vand.u32 $0x1F, v39;
	v27 =	vor.u32 v19, v27;
	v21 =	vmov v22;
	v38 =	vld.idx.msk [tilespmem:v38+s24+$0x0], $0xffff;
	[tilespmem:s2+$0x200] =	vst v36  }
0x22e: {  	s5 =	sor.u32 $0x380, s5;
	v22 =	vmul.u32 $0xA, v30;
	v30 =	vor.u32 v17, v32;
	v32 =	vadd.s32 v6, v18;
	v33 =	vld.idx.msk [tilespmem:v33+s24+$0x0], $0xffff;
	[tilespmem:s11+$0xF880] =	vst v34  }
0x22f: {  	v36 =	vand.u32 $0x1F, v32;
	v34 =	vadd.s32 v3, v43;
	v42 =	vld.idx.msk [tilespmem:v37+s24+$0x0], $0xffff;
	[tilespmem:s5+$0xF880] =	vst v26  }
0x230: {  	s28 =	sadd.s32 $0x20, s28;
	s9 =	sadd.s32 $0x2, s9;
	v22 =	vadd.s32 v12, v22;
	v26 =	vand.u32 $0x1F, v34;
	v34 =	vor.u32 v23, v36;
	v32 =	vld.idx.msk [tilespmem:v41+s24+$0x0], $0xffff;
	[tilespmem:s6+$0x200] =	vst v35  }
0x231: {  	p0 =	slt.u32 s9, $0xFE;
	s11 =	sand.u32 $0x60, s28;
	v41 =	vor.u32 v15, v26;
	v26 =	vadd.s32 v7, v16;
	v37 =	vld.idx.msk [tilespmem:v31+s24+$0x0], $0xffff;
	v31 =	vadd.s32 v1, v25  }
.Ltmp5:
0x232: {  	v44 =	vadd.s32 v6, v16;
	s14 =	sor.u32 $0x10, s11;
	s5 =	sand.u32 $0xF80, s28;
	v35 =	vadd.s32 v1, v21;
	v36 =	vand.u32 $0x1F, v31;
	[tilespmem:s7+$0x100] =	vst v29;
	v31 =	vld.idx.msk [tilespmem:v27+s24+$0x0], $0xffff;
	(pc) =	sbr.rel @p0 .LBB2_12-.Ltmp5, $4  }
0x233: {  	s20 =	sadd.s32 $0x100, s20;
	s5 =	sor.u32 s14, s5;
	v35 =	vand.u32 $0x1F, v35;
	v39 =	vor.u32 v24, v36;
	[tilespmem:s3+$0x100] =	vst v38;
	v38 =	vld.idx.msk [tilespmem:v30+s24+$0x0], $0xffff;
	v30 =	vadd.s32 v4, v28  }
0x234: {  	v16 =	vmovc v43;
	v40 =	vor.u32 v20, v35;
	v27 =	vadd.s32 v5, v43;
	v29 =	vld [tilespmem:s5+$0x6880];
	s5 =	sand.u32 $0x7C00, s20;
	v30 =	vand.u32 $0x1F, v30;
	[tilespmem:s2+$0x280] =	vst v33;
	s2 =	smov.u32 s7  }
0x235: {  	s10 =	sadd.s32 $0x20, s10;
	s23 =	sadd.s32 $0x1, s23;
	v43 =	vadd.s32 v7, v18;
	s5 =	sadd.s32 $0xF880, s5;
	v36 =	vor.u32 v17, v30;
	v30 =	vand.u32 $0x1F, v44;
	v35 =	vld.idx.msk [tilespmem:v34+s24+$0x0], $0xffff;
	[tilespmem:s15+$0xF880] =	vst v42  }
0x236: {  	v18 =	vmovc v28;
	v42 =	vand.u32 $0x1F, v43;
	s8 =	sor.u32 s12, s5;
	s7 =	sor.u32 s13, s5;
	v33 =	vld.idx.msk [tilespmem:v41+s24+$0x0], $0xffff;
	v41 =	vadd.s32 v4, v16;
	s12 =	sand.u32 $0x3, s23;
	v34 =	vor.u32 v19, v30  }
0x237: {  	_ =	sdelay $0x1  }
0x238: {  	v28 =	vmul.u32 $0xA, v29;
	_ =	sdelay $0x1  }
0x239: {  	v30 =	vadd.s32 v12, v28  }
0x23a: {  	v28 =	vadd.s32 v0, v30  }
0x23b: {  	v43 =	vadd.s32 v0, v22;
	v29 =	vshll.u32 v30, $0x7;
	v44 =	vand.u32 $0x1F, v28  }
0x23c: {  	v43 =	vand.u32 $0x1F, v43;
	v28 =	vshll.u32 v22, $0x7;
	v44 =	vor.u32 v29, v44  }
0x23d: {  	v43 =	vor.u32 v28, v43  }
0x23e: {  	[tilespmem:s7+$0x0] =	vst v37;
	v56 =	vadd.s32 v2, v25  }
0x23f: {  	[tilespmem:s8+$0x0] =	vst v32;
	v39 =	vld.idx.msk [tilespmem:v39+s24+$0x0], $0xffff;
	v32 =	vand.u32 $0x1F, v56  }
0x240: {  	v32 =	vor.u32 v24, v32;
	v45 =	vadd.s32 v1, v30  }
0x241: {  	v46 =	vadd.s32 v1, v22;
	v45 =	vand.u32 $0x1F, v45;
	v44 =	vld.idx.msk [tilespmem:v44+s24+$0x0], $0xffff  }
0x242: {  	s28 =	sadd.s32 $0x100, s20;
	v46 =	vand.u32 $0x1F, v46;
	v45 =	vor.u32 v29, v45;
	v43 =	vld.idx.msk [tilespmem:v43+s24+$0x0], $0xffff  }
0x243: {  	[tilespmem:s6+$0x280] =	vst v31;
	s5 =	sand.u32 $0x7C00, s28;
	v55 =	vor.u32 v28, v46  }
0x244: {  	v57 =	vadd.s32 v2, v21;
	v63 =	vadd.s32 v3, v25;
	s5 =	sadd.s32 $0xF880, s5;
	[tilespmem:s7+$0x80] =	vst v39  }
0x245: {  	s10 =	sshll.u32 s12, $0x5;
	v59 =	vadd.s32 v2, v22;
	v23 =	vor.u32 v23, v42;
	[tilespmem:s2+$0x180] =	vst v38;
	v37 =	vand.u32 $0x1F, v63;
	s9 =	sor.u32 s14, s5;
	v32 =	vld.idx.msk [tilespmem:v32+s24+$0x0], $0xffff  }
0x246: {  	s10 =	sadd.s32 s10, s1;
	v40 =	vld.idx.msk [tilespmem:v40+s24+$0x0], $0xffff;
	v38 =	vand.u32 $0x1F, v57;
	v37 =	vor.u32 v24, v37;
	s1 =	sor.u32 s11, s5;
	v58 =	vadd.s32 v2, v30;
	[tilespmem:s9+$0x0] =	vst v44  }
0x247: {  	v50 =	vadd.s32 v5, v18;
	v38 =	vor.u32 v20, v38;
	s11 =	sadd.s32 $0x10, s10;
	[tilespmem:s1+$0x0] =	vst v43;
	v44 =	vand.u32 $0x1F, v58;
	v45 =	vld.idx.msk [tilespmem:v45+s24+$0x0], $0xffff  }
0x248: {  	v51 =	vadd.s32 v4, v25;
	v60 =	vand.u32 $0x1F, v59;
	s12 =	sor.u32 $0x300, s11;
	[tilespmem:s3+$0x180] =	vst v33;
	v31 =	vld.idx.msk [tilespmem:v55+s24+$0x0], $0xffff;
	v61 =	vor.u32 v29, v44  }
0x249: {  	v41 =	vand.u32 $0x1F, v41;
	v52 =	vadd.s32 v4, v21;
	v36 =	vld.idx.msk [tilespmem:v36+s24+$0x0], $0xffff;
	[tilespmem:s12+$0xF880] =	vst v35;
	v62 =	vor.u32 v28, v60  }
0x24a: {  	v54 =	vadd.s32 v4, v22;
	v41 =	vor.u32 v15, v41;
	v23 =	vld.idx.msk [tilespmem:v23+s24+$0x0], $0xffff;
	[tilespmem:s7+$0x100] =	vst v32  }
0x24b: {  	v26 =	vand.u32 $0x1F, v26;
	[tilespmem:s8+$0x80] =	vst v40;
	v32 =	vand.u32 $0x1F, v51;
	v37 =	vld.idx.msk [tilespmem:v37+s24+$0x0], $0xffff;
	v44 =	vadd.s32 v3, v21  }
0x24c: {  	v38 =	vld.idx.msk [tilespmem:v38+s24+$0x0], $0xffff;
	v32 =	vor.u32 v24, v32;
	v39 =	vand.u32 $0x1F, v44;
	[tilespmem:s9+$0x80] =	vst v45;
	v45 =	vadd.s32 v3, v30  }
0x24d: {  	v46 =	vadd.s32 v3, v22;
	v39 =	vor.u32 v20, v39;
	[tilespmem:s1+$0x80] =	vst v31;
	v31 =	vld.idx.msk [tilespmem:v61+s24+$0x0], $0xffff;
	v40 =	vand.u32 $0x1F, v45  }
0x24e: {  	v19 =	vor.u32 v19, v26;
	s5 =	sor.u32 $0x380, s11;
	[tilespmem:s2+$0x200] =	vst v36;
	v49 =	vand.u32 $0x1F, v46;
	v47 =	vld.idx.msk [tilespmem:v62+s24+$0x0], $0xffff;
	v48 =	vor.u32 v29, v40  }
0x24f: {  	v26 =	vand.u32 $0x1F, v27;
	v57 =	vadd.s32 v5, v25;
	v56 =	vld.idx.msk [tilespmem:v41+s24+$0x0], $0xffff;
	[tilespmem:s5+$0xF880] =	vst v23;
	v40 =	vor.u32 v28, v49  }
0x250: {  	v34 =	vld.idx.msk [tilespmem:v34+s24+$0x0], $0xffff;
	v26 =	vor.u32 v15, v26;
	v35 =	vand.u32 $0x1F, v54;
	v36 =	vand.u32 $0x1F, v50;
	[tilespmem:s7+$0x180] =	vst v37  }
0x251: {  	v36 =	vor.u32 v17, v36;
	v23 =	vor.u32 v28, v35;
	v35 =	vand.u32 $0x1F, v57;
	[tilespmem:s8+$0x100] =	vst v38;
	v32 =	vld.idx.msk [tilespmem:v32+s24+$0x0], $0xffff  }
0x252: {  	v38 =	vand.u32 $0x1F, v52;
	v35 =	vor.u32 v24, v35;
	v39 =	vld.idx.msk [tilespmem:v39+s24+$0x0], $0xffff;
	[tilespmem:s9+$0x100] =	vst v31;
	v31 =	vadd.s32 v4, v30  }
0x253: {  	v38 =	vor.u32 v20, v38;
	[tilespmem:s1+$0x100] =	vst v47;
	v53 =	vld.idx.msk [tilespmem:v48+s24+$0x0], $0xffff;
	v31 =	vand.u32 $0x1F, v31  }
0x254: {  	s13 =	sor.u32 $0x300, s10;
	[tilespmem:s3+$0x200] =	vst v56;
	v55 =	vld.idx.msk [tilespmem:v40+s24+$0x0], $0xffff;
	v31 =	vor.u32 v29, v31  }
0x255: {  	v42 =	vadd.s32 v6, v25;
	[tilespmem:s13+$0xF880] =	vst v34;
	v26 =	vld.idx.msk [tilespmem:v26+s24+$0x0], $0xffff  }
0x256: {  	v63 =	vadd.s32 v6, v16;
	v16 =	vadd.s32 v7, v16;
	v27 =	vld.idx.msk [tilespmem:v36+s24+$0x0], $0xffff;
	[tilespmem:s7+$0x200] =	vst v32  }
0x257: {  	v16 =	vand.u32 $0x1F, v16;
	v58 =	vadd.s32 v5, v21;
	v32 =	vand.u32 $0x1F, v42;
	v35 =	vld.idx.msk [tilespmem:v35+s24+$0x0], $0xffff;
	[tilespmem:s8+$0x180] =	vst v39  }
0x258: {  	v60 =	vadd.s32 v5, v30;
	v36 =	vand.u32 $0x1F, v58;
	v32 =	vor.u32 v24, v32;
	v59 =	vld.idx.msk [tilespmem:v38+s24+$0x0], $0xffff;
	[tilespmem:s9+$0x180] =	vst v53  }
0x259: {  	v33 =	vand.u32 $0x1F, v60;
	v36 =	vor.u32 v20, v36;
	v61 =	vadd.s32 v5, v22;
	[tilespmem:s1+$0x180] =	vst v55;
	v31 =	vld.idx.msk [tilespmem:v31+s24+$0x0], $0xffff  }
0x25a: {  	v33 =	vor.u32 v29, v33;
	[tilespmem:s3+$0x280] =	vst v26;
	v62 =	vadd.s32 v6, v18;
	v38 =	vand.u32 $0x1F, v61;
	v23 =	vld.idx.msk [tilespmem:v23+s24+$0x0], $0xffff  }
0x25b: {  	s15 =	sadd.s32 $0x1, s23;
	v41 =	vand.u32 $0x1F, v63;
	v19 =	vld.idx.msk [tilespmem:v19+s24+$0x0], $0xffff;
	[tilespmem:s2+$0x280] =	vst v27;
	v34 =	vand.u32 $0x1F, v62;
	v27 =	vor.u32 v28, v38  }
0x25c: {  	v43 =	vadd.s32 v6, v21;
	s2 =	sadd.s32 $0x1, s15;
	v34 =	vor.u32 v17, v34;
	[tilespmem:s7+$0x280] =	vst v35;
	v38 =	vor.u32 v15, v41  }
0x25d: {  	s7 =	sand.u32 $0x3, s2;
	v15 =	vor.u32 v15, v16;
	v16 =	vadd.s32 v7, v21;
	v21 =	vld.idx.msk [tilespmem:v32+s24+$0x0], $0xffff;
	[tilespmem:s8+$0x200] =	vst v59  }
0x25e: {  	v37 =	vand.u32 $0x1F, v43;
	s3 =	sshll.u32 s7, $0x5;
	v36 =	vld.idx.msk [tilespmem:v36+s24+$0x0], $0xffff;
	[tilespmem:s9+$0x200] =	vst v31;
	v31 =	vadd.s32 v6, v30  }
0x25f: {  	s14 =	sor.u32 $0x380, s10;
	v37 =	vor.u32 v20, v37;
	s3 =	sadd.s32 s3, s20;
	[tilespmem:s1+$0x200] =	vst v23;
	v23 =	vadd.s32 v6, v22;
	v33 =	vld.idx.msk [tilespmem:v33+s24+$0x0], $0xffff;
	v31 =	vand.u32 $0x1F, v31  }
0x260: {  	[tilespmem:s14+$0xF880] =	vst v19;
	v18 =	vadd.s32 v7, v18;
	s11 =	sadd.s32 $0x10, s3;
	v27 =	vld.idx.msk [tilespmem:v27+s24+$0x0], $0xffff;
	v23 =	vand.u32 $0x1F, v23;
	v19 =	vor.u32 v29, v31  }
0x261: {  	s23 =	sand.u32 $0x3, s15;
	v25 =	vadd.s32 v7, v25;
	v18 =	vand.u32 $0x1F, v18;
	s12 =	sor.u32 $0x300, s11;
	v31 =	vld.idx.msk [tilespmem:v34+s24+$0x0], $0xffff;
	v23 =	vor.u32 v28, v23  }
0x262: {  	s6 =	sshll.u32 s23, $0x5;
	v25 =	vand.u32 $0x1F, v25;
	v17 =	vor.u32 v17, v18;
	v18 =	vld.idx.msk [tilespmem:v38+s24+$0x0], $0xffff;
	[tilespmem:s12+$0xF880] =	vst v21  }
0x263: {  	s0 =	sadd.s32 s6, s0;
	v24 =	vor.u32 v24, v25;
	[tilespmem:s8+$0x280] =	vst v36  }
0x264: {  	v26 =	vadd.s32 v7, v30;
	s2 =	sadd.s32 $0x1, s2;
	v16 =	vand.u32 $0x1F, v16;
	s8 =	sadd.s32 $0x10, s0;
	v25 =	vld.idx.msk [tilespmem:v37+s24+$0x0], $0xffff;
	[tilespmem:s9+$0x280] =	vst v33  }
0x265: {  	s2 =	sand.u32 $0x3, s2;
	v16 =	vor.u32 v20, v16;
	v20 =	vadd.s32 v7, v22;
	v22 =	vand.u32 $0x1F, v26;
	s9 =	sor.u32 $0x300, s8;
	[tilespmem:s1+$0x280] =	vst v27;
	v19 =	vld.idx.msk [tilespmem:v19+s24+$0x0], $0xffff  }
0x266: {  	s10 =	sor.u32 $0x300, s0;
	s2 =	sshll.u32 s2, $0x5;
	v20 =	vand.u32 $0x1F, v20;
	v22 =	vor.u32 v29, v22;
	[tilespmem:s9+$0xF880] =	vst v31;
	v23 =	vld.idx.msk [tilespmem:v23+s24+$0x0], $0xffff  }
0x267: {  	s2 =	sadd.s32 s2, s28;
	[tilespmem:s10+$0xF880] =	vst v18;
	v18 =	vor.u32 v28, v20;
	v17 =	vld.idx.msk [tilespmem:v17+s24+$0x0], $0xffff  }
0x268: {  	s13 =	sor.u32 $0x300, s3;
	s14 =	sadd.s32 $0x10, s2;
	v20 =	vld.idx.msk [tilespmem:v24+s24+$0x0], $0xffff  }
0x269: {  	s15 =	sor.u32 $0x300, s14;
	v15 =	vld.idx.msk [tilespmem:v15+s24+$0x0], $0xffff;
	[tilespmem:s13+$0xF880] =	vst v25  }
0x26a: {  	s20 =	sor.u32 $0x300, s2;
	v16 =	vld.idx.msk [tilespmem:v16+s24+$0x0], $0xffff;
	[tilespmem:s15+$0xF880] =	vst v19  }
0x26b: {  	s5 =	sor.u32 $0x380, s8;
	[tilespmem:s20+$0xF880] =	vst v23;
	v19 =	vld.idx.msk [tilespmem:v22+s24+$0x0], $0xffff  }
0x26c: {  	s23 =	sor.u32 $0x380, s11;
	[tilespmem:s5+$0xF880] =	vst v17;
	v17 =	vld.idx.msk [tilespmem:v18+s24+$0x0], $0xffff  }
0x26d: {  	s0 =	sor.u32 $0x380, s0;
	[tilespmem:s23+$0xF880] =	vst v20  }
0x26e: {  	s3 =	sor.u32 $0x380, s3;
	[tilespmem:s0+$0xF880] =	vst v15  }
0x26f: {  	[tilespmem:s3+$0xF880] =	vst v16;
	s5 =	sor.u32 $0x380, s14  }
0x270: {  	s6 =	sor.u32 $0x380, s2;
	[tilespmem:s5+$0xF880] =	vst v19  }
0x271: {  	[tilespmem:s6+$0xF880] =	vst v17  }
0x272: {  	s7 =	simm.s32 $0xF880;
	s1 =	simm.s32 $0x0;
	s0 =	rddreg [dreg:$0xc]  }
0x273: {  	[hbm4b:s0+s1] =	stream.linear.scatter [tilespmem:s7], [sflag:$0x4], $0x8000, $0x38;
	[tilespmem:$0x17880] =	vst v63  }
0x274: {  	_ =	swait.ge [sflag:s22], $0x1000  }
0x275: {  	[sflag:s22] =	ssyncset.done $0x0  }
0x276: {  	[sflag:s22] =	ssyncadd.s32 $0xFFFFF000  }
0x277: {  	s8 =	sand.u32 $0x60, s1;
	_ =	swait.ge [sflag:s29], $0x8000  }
0x278: {  	s10 =	sand.u32 $0xF80, s1;
	s9 =	sor.u32 $0x10, s8;
	[sflag:s29] =	ssyncset.done $0x0  }
0x279: {  	s2 =	sor.u32 s9, s10;
	[sflag:s29] =	ssyncadd.s32 $0xFFFF8000  }
0x27a: {  	v15 =	vld [tilespmem:s2+$0x5880]  }
0x27b: {  	s11 =	simm.s32 $0x5880  }
0x27c: {  	v16 =	vld [tilespmem:s11+$0x0];
	_ =	sdelay $0x2  }
0x27d: {  	v15 =	vmul.u32 $0xA, v15;
	_ =	sdelay $0x1  }
0x27e: {  	v28 =	vadd.s32 v13, v15;
	v15 =	vmul.u32 $0xA, v16  }
0x27f: {  	v16 =	vadd.s32 v0, v28  }
0x280: {  	v23 =	vshll.u32 v28, $0x7;
	v16 =	vand.u32 $0x1F, v16;
	v27 =	vadd.s32 v13, v15  }
0x281: {  	s12 =	simm.s32 $0x20;
	v15 =	vor.u32 v23, v16;
	v16 =	vadd.s32 v0, v27  }
0x282: {  	s14 =	sand.u32 $0x60, s12;
	v19 =	vshll.u32 v27, $0x7;
	v16 =	vand.u32 $0x1F, v16  }
0x283: {  	s13 =	simm.s32 $0x58A0;
	s15 =	sor.u32 $0x10, s14;
	s6 =	sand.u32 $0xF80, s12;
	v16 =	vor.u32 v19, v16  }
0x284: {  	s6 =	sor.u32 s15, s6;
	v17 =	vld [tilespmem:s13+$0x0]  }
0x285: {  	v20 =	vld [tilespmem:s6+$0x5880];
	v18 =	vadd.s32 v1, v28  }
0x286: {  	v18 =	vand.u32 $0x1F, v18;
	v15 =	vld.idx.msk [tilespmem:v15+s24+$0x0], $0xffff  }
0x287: {  	v21 =	vadd.s32 v1, v27;
	v18 =	vor.u32 v23, v18  }
0x288: {  	s20 =	sand.u32 $0x7C00, s1;
	v22 =	vld.idx.msk [tilespmem:v16+s24+$0x0], $0xffff;
	v16 =	vand.u32 $0x1F, v21  }
0x289: {  	s6 =	sadd.s32 $0x7880, s20;
	v21 =	vor.u32 v19, v16  }
0x28a: {  	s7 =	sor.u32 s9, s6  }
0x28b: {  	v16 =	vmul.u32 $0xA, v17;
	v17 =	vmul.u32 $0xA, v20;
	[tilespmem:s7+$0x0] =	vst v15;
	v15 =	vadd.s32 v2, v28  }
0x28c: {  	s6 =	sor.u32 s8, s6;
	v24 =	vadd.s32 v2, v27;
	v20 =	vld.idx.msk [tilespmem:v18+s24+$0x0], $0xffff;
	v15 =	vand.u32 $0x1F, v15  }
0x28d: {  	v16 =	vadd.s32 v13, v16;
	v18 =	vadd.s32 v13, v17;
	[tilespmem:s6+$0x0] =	vst v22;
	v22 =	vor.u32 v23, v15  }
0x28e: {  	v15 =	vand.u32 $0x1F, v24;
	v24 =	vadd.s32 v0, v16;
	v17 =	vadd.s32 v0, v18;
	v21 =	vld.idx.msk [tilespmem:v21+s24+$0x0], $0xffff  }
0x28f: {  	s5 =	simm.s32 $0x40;
	v25 =	vor.u32 v19, v15;
	v26 =	vand.u32 $0x1F, v17;
	v17 =	vshll.u32 v18, $0x7  }
0x290: {  	s23 =	simm.s32 $0x58C0;
	s8 =	sand.u32 $0x60, s5;
	v15 =	vshll.u32 v16, $0x7;
	v24 =	vand.u32 $0x1F, v24;
	v26 =	vor.u32 v17, v26  }
0x291: {  	s0 =	sand.u32 $0xF80, s5;
	v29 =	vld [tilespmem:s23+$0x0];
	s12 =	sor.u32 $0x10, s8;
	v24 =	vor.u32 v15, v24;
	[tilespmem:s7+$0x80] =	vst v20;
	v20 =	vadd.s32 v3, v28  }
0x292: {  	s9 =	sor.u32 s12, s0;
	v22 =	vld.idx.msk [tilespmem:v22+s24+$0x0], $0xffff;
	v20 =	vand.u32 $0x1F, v20  }
0x293: {  	v44 =	vld [tilespmem:s9+$0x5880];
	[tilespmem:s6+$0x80] =	vst v21;
	v20 =	vor.u32 v23, v20;
	v21 =	vadd.s32 v3, v27  }
0x294: {  	v30 =	vadd.s32 v1, v18;
	v25 =	vld.idx.msk [tilespmem:v25+s24+$0x0], $0xffff;
	v21 =	vand.u32 $0x1F, v21  }
0x295: {  	v30 =	vand.u32 $0x1F, v30;
	v26 =	vld.idx.msk [tilespmem:v26+s24+$0x0], $0xffff;
	v31 =	vor.u32 v19, v21  }
0x296: {  	s0 =	simm.s32 $0x100;
	v30 =	vor.u32 v17, v30;
	v24 =	vld.idx.msk [tilespmem:v24+s24+$0x0], $0xffff;
	v21 =	vadd.s32 v1, v16  }
0x297: {  	s10 =	sand.u32 $0x7C00, s0;
	v29 =	vmul.u32 $0xA, v29;
	v21 =	vand.u32 $0x1F, v21;
	[tilespmem:s7+$0x100] =	vst v22;
	v22 =	vadd.s32 v4, v28  }
0x298: {  	s5 =	sadd.s32 $0x7880, s10;
	v45 =	vor.u32 v15, v21;
	v46 =	vld.idx.msk [tilespmem:v20+s24+$0x0], $0xffff;
	v20 =	vand.u32 $0x1F, v22  }
0x299: {  	s2 =	sor.u32 s15, s5;
	v21 =	vadd.s32 v13, v29;
	[tilespmem:s6+$0x100] =	vst v25;
	v22 =	vor.u32 v23, v20;
	v20 =	vadd.s32 v4, v27  }
0x29a: {  	s3 =	sor.u32 s14, s5;
	v29 =	vadd.s32 v5, v27;
	v25 =	vadd.s32 v2, v16;
	[tilespmem:s2+$0x0] =	vst v26;
	v31 =	vld.idx.msk [tilespmem:v31+s24+$0x0], $0xffff;
	v20 =	vand.u32 $0x1F, v20  }
0x29b: {  	v32 =	vmul.u32 $0xA, v44;
	[tilespmem:s3+$0x0] =	vst v24;
	v24 =	vadd.s32 v2, v18;
	v26 =	vld.idx.msk [tilespmem:v30+s24+$0x0], $0xffff;
	v30 =	vor.u32 v19, v20  }
0x29c: {  	v49 =	vadd.s32 v0, v21;
	v25 =	vand.u32 $0x1F, v25;
	v24 =	vand.u32 $0x1F, v24  }
0x29d: {  	v20 =	vshll.u32 v21, $0x7;
	v48 =	vor.u32 v17, v24;
	v24 =	vadd.s32 v5, v28;
	v33 =	vld.idx.msk [tilespmem:v45+s24+$0x0], $0xffff;
	[tilespmem:s7+$0x180] =	vst v46  }
0x29e: {  	v50 =	vor.u32 v15, v25;
	v25 =	vadd.s32 v13, v32;
	v24 =	vand.u32 $0x1F, v24;
	v22 =	vld.idx.msk [tilespmem:v22+s24+$0x0], $0xffff  }
0x29f: {  	v32 =	vadd.s32 v0, v25;
	[tilespmem:s6+$0x180] =	vst v31;
	v31 =	vor.u32 v23, v24;
	v24 =	vand.u32 $0x1F, v49  }
0x2a0: {  	s11 =	simm.s32 $0x58E0;
	v32 =	vand.u32 $0x1F, v32;
	v30 =	vld.idx.msk [tilespmem:v30+s24+$0x0], $0xffff;
	v36 =	vor.u32 v20, v24;
	v24 =	vshll.u32 v25, $0x7  }
0x2a1: {  	v47 =	vld [tilespmem:s11+$0x0];
	v55 =	vadd.s32 v6, v28;
	v29 =	vand.u32 $0x1F, v29;
	[tilespmem:s2+$0x80] =	vst v26;
	v26 =	vor.u32 v24, v32  }
0x2a2: {  	v51 =	vadd.s32 v3, v18;
	v29 =	vor.u32 v19, v29;
	v52 =	vld.idx.msk [tilespmem:v48+s24+$0x0], $0xffff;
	[tilespmem:s3+$0x80] =	vst v33  }
0x2a3: {  	v57 =	vand.u32 $0x1F, v55;
	v61 =	vadd.s32 v6, v27;
	v32 =	vand.u32 $0x1F, v51;
	v53 =	vld.idx.msk [tilespmem:v50+s24+$0x0], $0xffff;
	[tilespmem:s7+$0x200] =	vst v22  }
0x2a4: {  	s28 =	simm.s32 $0x60;
	v63 =	vand.u32 $0x1F, v61;
	v54 =	vor.u32 v17, v32;
	v56 =	vld.idx.msk [tilespmem:v31+s24+$0x0], $0xffff;
	v31 =	vadd.s32 v3, v16  }
0x2a5: {  	s11 =	sand.u32 $0x60, s28;
	v34 =	vor.u32 v19, v63;
	v32 =	vld.idx.msk [tilespmem:v36+s24+$0x0], $0xffff;
	v31 =	vand.u32 $0x1F, v31;
	[tilespmem:s6+$0x200] =	vst v30;
	v30 =	vor.u32 v23, v57  }
0x2a6: {  	s13 =	sand.u32 $0xF80, s28;
	s14 =	sor.u32 $0x10, s11;
	v41 =	vadd.s32 v4, v16;
	v58 =	vadd.s32 v1, v25;
	v37 =	vld.idx.msk [tilespmem:v26+s24+$0x0], $0xffff;
	v59 =	vor.u32 v15, v31  }
0x2a7: {  	s20 =	simm.s32 $0x200;
	s5 =	sor.u32 s14, s13;
	v62 =	vadd.s32 v4, v18;
	v60 =	vadd.s32 v1, v21;
	v36 =	vand.u32 $0x1F, v58;
	v31 =	vld.idx.msk [tilespmem:v29+s24+$0x0], $0xffff  }
0x2a8: {  	s15 =	sand.u32 $0x7C00, s20;
	[tilespmem:s2+$0x100] =	vst v52;
	v26 =	vadd.s32 v7, v27;
	v27 =	vand.u32 $0x1F, v60;
	v39 =	vor.u32 v24, v36;
	v29 =	vld [tilespmem:s5+$0x5880]  }
0x2a9: {  	s23 =	sadd.s32 $0x7880, s15;
	v35 =	vand.u32 $0x1F, v62;
	v22 =	vmul.u32 $0xA, v47;
	v38 =	vld.idx.msk [tilespmem:v54+s24+$0x0], $0xffff;
	v40 =	vor.u32 v20, v27;
	[tilespmem:s7+$0x280] =	vst v56  }
0x2aa: {  	s9 =	simm.s32 $0x6;
	s10 =	simm.s32 $0x5900;
	s8 =	sor.u32 s8, s23;
	v28 =	vadd.s32 v7, v28;
	v36 =	vor.u32 v17, v35;
	[tilespmem:s3+$0x100] =	vst v53;
	v35 =	vld.idx.msk [tilespmem:v30+s24+$0x0], $0xffff  }
0x2ab: {  	v42 =	vand.u32 $0x1F, v28;
	v22 =	vadd.s32 v13, v22;
	v27 =	vadd.s32 v5, v16;
	s7 =	sor.u32 s12, s23;
	s12 =	sand.u32 $0x3, s1;
	s23 =	simm.s32 $0x0;
	v33 =	vld.idx.msk [tilespmem:v59+s24+$0x0], $0xffff  }
.LBB2_14:
0x2ac: {  	v30 =	vld [tilespmem:s10+$0x0];
	v44 =	vadd.s32 v2, v21;
	[tilespmem:s7+$0x0] =	vst v37;
	v37 =	vand.u32 $0x1F, v41;
	s5 =	sshll.u32 s12, $0x5;
	v41 =	vor.u32 v23, v42;
	v28 =	vmovc v25;
	s12 =	smov.u32 s11;
	s13 =	smov.u32 s14  }
0x2ad: {  	v23 =	vmov v17;
	[tilespmem:s8+$0x0] =	vst v32;
	v32 =	vld.idx.msk [tilespmem:v39+s24+$0x0], $0xffff;
	v25 =	vadd.s32 v2, v28;
	v37 =	vor.u32 v15, v37;
	s5 =	sadd.s32 s5, s1;
	s1 =	smov.u32 s0;
	s0 =	smov.u32 s20  }
0x2ae: {  	v17 =	vmovc v24;
	v43 =	vmovc v21;
	v39 =	vshll.u32 v22, $0x7;
	v42 =	vand.u32 $0x1F, v44;
	v40 =	vld.idx.msk [tilespmem:v40+s24+$0x0], $0xffff;
	v25 =	vand.u32 $0x1F, v25;
	[tilespmem:s2+$0x180] =	vst v38;
	s11 =	sor.u32 $0x300, s5;
	s15 =	sor.u32 $0x380, s5;
	s5 =	sadd.s32 $0x10, s5  }
0x2af: {  	v24 =	vadd.s32 v5, v18;
	v21 =	vmul.u32 $0xA, v29;
	v29 =	vor.u32 v17, v25;
	v36 =	vld.idx.msk [tilespmem:v36+s24+$0x0], $0xffff;
	[tilespmem:s6+$0x280] =	vst v31;
	s14 =	sor.u32 $0x300, s5;
	s6 =	smov.u32 s3;
	s3 =	smov.u32 s8  }
0x2b0: {  	v24 =	vand.u32 $0x1F, v24;
	v38 =	vor.u32 v20, v42;
	v31 =	vadd.s32 v0, v22;
	v34 =	vld.idx.msk [tilespmem:v34+s24+$0x0], $0xffff;
	[tilespmem:s14+$0x7880] =	vst v35  }
0x2b1: {  	v25 =	vadd.s32 v13, v21;
	v21 =	vand.u32 $0x1F, v26;
	[tilespmem:s6+$0x180] =	vst v33;
	v33 =	vor.u32 v23, v24;
	v26 =	vld.idx.msk [tilespmem:v41+s24+$0x0], $0xffff  }
0x2b2: {  	v24 =	vand.u32 $0x1F, v31;
	v31 =	vadd.s32 v0, v25;
	v35 =	vld.idx.msk [tilespmem:v37+s24+$0x0], $0xffff;
	v37 =	vor.u32 v19, v21;
	v19 =	vmovc v15  }
0x2b3: {  	v41 =	vor.u32 v39, v24;
	v42 =	vand.u32 $0x1F, v31;
	v24 =	vshll.u32 v25, $0x7;
	v15 =	vmovc v20;
	v20 =	vmovc v39;
	[tilespmem:s7+$0x80] =	vst v32  }
0x2b4: {  	v27 =	vand.u32 $0x1F, v27;
	v39 =	vadd.s32 v3, v28;
	v31 =	vor.u32 v24, v42;
	[tilespmem:s3+$0x80] =	vst v40;
	v29 =	vld.idx.msk [tilespmem:v29+s24+$0x0], $0xffff  }
0x2b5: {  	v32 =	vand.u32 $0x1F, v39;
	v27 =	vor.u32 v19, v27;
	v21 =	vmov v22;
	v38 =	vld.idx.msk [tilespmem:v38+s24+$0x0], $0xffff;
	[tilespmem:s2+$0x200] =	vst v36  }
0x2b6: {  	s5 =	sor.u32 $0x380, s5;
	v22 =	vmul.u32 $0xA, v30;
	v30 =	vor.u32 v17, v32;
	v32 =	vadd.s32 v6, v18;
	v33 =	vld.idx.msk [tilespmem:v33+s24+$0x0], $0xffff;
	[tilespmem:s11+$0x7880] =	vst v34  }
0x2b7: {  	v36 =	vand.u32 $0x1F, v32;
	v34 =	vadd.s32 v3, v43;
	v42 =	vld.idx.msk [tilespmem:v37+s24+$0x0], $0xffff;
	[tilespmem:s5+$0x7880] =	vst v26  }
0x2b8: {  	s28 =	sadd.s32 $0x20, s28;
	s9 =	sadd.s32 $0x2, s9;
	v22 =	vadd.s32 v13, v22;
	v26 =	vand.u32 $0x1F, v34;
	v34 =	vor.u32 v23, v36;
	v32 =	vld.idx.msk [tilespmem:v41+s24+$0x0], $0xffff;
	[tilespmem:s6+$0x200] =	vst v35  }
0x2b9: {  	p0 =	slt.u32 s9, $0xFE;
	s11 =	sand.u32 $0x60, s28;
	v41 =	vor.u32 v15, v26;
	v26 =	vadd.s32 v7, v16;
	v37 =	vld.idx.msk [tilespmem:v31+s24+$0x0], $0xffff;
	v31 =	vadd.s32 v1, v25  }
.Ltmp6:
0x2ba: {  	v44 =	vadd.s32 v6, v16;
	s14 =	sor.u32 $0x10, s11;
	s5 =	sand.u32 $0xF80, s28;
	v35 =	vadd.s32 v1, v21;
	v36 =	vand.u32 $0x1F, v31;
	[tilespmem:s7+$0x100] =	vst v29;
	v31 =	vld.idx.msk [tilespmem:v27+s24+$0x0], $0xffff;
	(pc) =	sbr.rel @p0 .LBB2_14-.Ltmp6, $4  }
0x2bb: {  	s20 =	sadd.s32 $0x100, s20;
	s5 =	sor.u32 s14, s5;
	v35 =	vand.u32 $0x1F, v35;
	v39 =	vor.u32 v24, v36;
	[tilespmem:s3+$0x100] =	vst v38;
	v38 =	vld.idx.msk [tilespmem:v30+s24+$0x0], $0xffff;
	v30 =	vadd.s32 v4, v28  }
0x2bc: {  	v16 =	vmovc v43;
	v40 =	vor.u32 v20, v35;
	v27 =	vadd.s32 v5, v43;
	v29 =	vld [tilespmem:s5+$0x5880];
	s5 =	sand.u32 $0x7C00, s20;
	v30 =	vand.u32 $0x1F, v30;
	[tilespmem:s2+$0x280] =	vst v33;
	s2 =	smov.u32 s7  }
0x2bd: {  	s10 =	sadd.s32 $0x20, s10;
	s23 =	sadd.s32 $0x1, s23;
	v43 =	vadd.s32 v7, v18;
	s5 =	sadd.s32 $0x7880, s5;
	v36 =	vor.u32 v17, v30;
	v30 =	vand.u32 $0x1F, v44;
	v35 =	vld.idx.msk [tilespmem:v34+s24+$0x0], $0xffff;
	[tilespmem:s15+$0x7880] =	vst v42  }
0x2be: {  	v18 =	vmovc v28;
	v42 =	vand.u32 $0x1F, v43;
	s8 =	sor.u32 s12, s5;
	s7 =	sor.u32 s13, s5;
	v33 =	vld.idx.msk [tilespmem:v41+s24+$0x0], $0xffff;
	v41 =	vadd.s32 v4, v16;
	s12 =	sand.u32 $0x3, s23;
	v34 =	vor.u32 v19, v30  }
0x2bf: {  	_ =	sdelay $0x1  }
0x2c0: {  	v28 =	vmul.u32 $0xA, v29;
	_ =	sdelay $0x1  }
0x2c1: {  	v30 =	vadd.s32 v13, v28  }
0x2c2: {  	v28 =	vadd.s32 v0, v30  }
0x2c3: {  	v43 =	vadd.s32 v0, v22;
	v29 =	vshll.u32 v30, $0x7;
	v44 =	vand.u32 $0x1F, v28  }
0x2c4: {  	v43 =	vand.u32 $0x1F, v43;
	v28 =	vshll.u32 v22, $0x7;
	v44 =	vor.u32 v29, v44  }
0x2c5: {  	v43 =	vor.u32 v28, v43;
	_ =	sdelay $0x2  }
0x2c6: {  	v45 =	vadd.s32 v1, v30  }
0x2c7: {  	v46 =	vadd.s32 v1, v22;
	v45 =	vand.u32 $0x1F, v45;
	v44 =	vld.idx.msk [tilespmem:v44+s24+$0x0], $0xffff  }
0x2c8: {  	s28 =	sadd.s32 $0x100, s20;
	[tilespmem:s7+$0x0] =	vst v37;
	v46 =	vand.u32 $0x1F, v46;
	v45 =	vor.u32 v29, v45;
	v43 =	vld.idx.msk [tilespmem:v43+s24+$0x0], $0xffff  }
0x2c9: {  	[tilespmem:s8+$0x0] =	vst v32;
	v51 =	vadd.s32 v2, v21;
	s5 =	sand.u32 $0x7C00, s28;
	v49 =	vor.u32 v28, v46  }
0x2ca: {  	[tilespmem:s2+$0x180] =	vst v38;
	v40 =	vld.idx.msk [tilespmem:v40+s24+$0x0], $0xffff;
	v38 =	vand.u32 $0x1F, v51;
	s5 =	sadd.s32 $0x7880, s5  }
0x2cb: {  	v50 =	vadd.s32 v2, v25;
	s10 =	sshll.u32 s12, $0x5;
	v39 =	vld.idx.msk [tilespmem:v39+s24+$0x0], $0xffff;
	v38 =	vor.u32 v20, v38;
	s9 =	sor.u32 s14, s5  }
0x2cc: {  	v32 =	vand.u32 $0x1F, v50;
	s10 =	sadd.s32 s10, s1;
	s1 =	sor.u32 s11, s5;
	v52 =	vadd.s32 v2, v30;
	[tilespmem:s9+$0x0] =	vst v44  }
0x2cd: {  	v53 =	vadd.s32 v2, v22;
	v32 =	vor.u32 v24, v32;
	[tilespmem:s1+$0x0] =	vst v43;
	v44 =	vand.u32 $0x1F, v52;
	v45 =	vld.idx.msk [tilespmem:v45+s24+$0x0], $0xffff  }
0x2ce: {  	[tilespmem:s6+$0x280] =	vst v31;
	v55 =	vand.u32 $0x1F, v53;
	v54 =	vld.idx.msk [tilespmem:v49+s24+$0x0], $0xffff;
	v56 =	vor.u32 v29, v44  }
0x2cf: {  	v59 =	vadd.s32 v3, v21;
	v34 =	vld.idx.msk [tilespmem:v34+s24+$0x0], $0xffff;
	s13 =	sadd.s32 $0x10, s10;
	[tilespmem:s8+$0x80] =	vst v40;
	v57 =	vor.u32 v28, v55  }
0x2d0: {  	v23 =	vor.u32 v23, v42;
	s14 =	sor.u32 $0x300, s13;
	[tilespmem:s7+$0x80] =	vst v39;
	v39 =	vand.u32 $0x1F, v59;
	v38 =	vld.idx.msk [tilespmem:v38+s24+$0x0], $0xffff  }
0x2d1: {  	v58 =	vadd.s32 v3, v25;
	v41 =	vand.u32 $0x1F, v41;
	v36 =	vld.idx.msk [tilespmem:v36+s24+$0x0], $0xffff;
	[tilespmem:s14+$0x7880] =	vst v35;
	v39 =	vor.u32 v20, v39  }
0x2d2: {  	v37 =	vand.u32 $0x1F, v58;
	v41 =	vor.u32 v15, v41;
	v60 =	vadd.s32 v3, v30;
	v32 =	vld.idx.msk [tilespmem:v32+s24+$0x0], $0xffff;
	[tilespmem:s9+$0x80] =	vst v45  }
0x2d3: {  	v62 =	vadd.s32 v3, v22;
	v37 =	vor.u32 v24, v37;
	v40 =	vand.u32 $0x1F, v60;
	[tilespmem:s1+$0x80] =	vst v54;
	v61 =	vld.idx.msk [tilespmem:v56+s24+$0x0], $0xffff  }
0x2d4: {  	[tilespmem:s3+$0x180] =	vst v33;
	v44 =	vor.u32 v29, v40;
	v45 =	vand.u32 $0x1F, v62;
	v63 =	vld.idx.msk [tilespmem:v57+s24+$0x0], $0xffff  }
0x2d5: {  	v48 =	vadd.s32 v4, v21;
	v26 =	vand.u32 $0x1F, v26;
	v23 =	vld.idx.msk [tilespmem:v23+s24+$0x0], $0xffff;
	[tilespmem:s8+$0x100] =	vst v38;
	v40 =	vor.u32 v28, v45  }
0x2d6: {  	v19 =	vor.u32 v19, v26;
	[tilespmem:s2+$0x200] =	vst v36;
	v46 =	vadd.s32 v5, v18;
	v38 =	vand.u32 $0x1F, v48;
	v39 =	vld.idx.msk [tilespmem:v39+s24+$0x0], $0xffff  }
0x2d7: {  	v47 =	vadd.s32 v4, v25;
	v53 =	vld.idx.msk [tilespmem:v41+s24+$0x0], $0xffff;
	v36 =	vand.u32 $0x1F, v46;
	[tilespmem:s7+$0x100] =	vst v32;
	v38 =	vor.u32 v20, v38  }
0x2d8: {  	v36 =	vor.u32 v17, v36;
	v32 =	vand.u32 $0x1F, v47;
	v37 =	vld.idx.msk [tilespmem:v37+s24+$0x0], $0xffff;
	v49 =	vadd.s32 v4, v30;
	[tilespmem:s9+$0x100] =	vst v61  }
0x2d9: {  	v51 =	vadd.s32 v4, v22;
	s15 =	sor.u32 $0x300, s10;
	v32 =	vor.u32 v24, v32;
	v31 =	vand.u32 $0x1F, v49;
	[tilespmem:s1+$0x100] =	vst v63;
	v50 =	vld.idx.msk [tilespmem:v44+s24+$0x0], $0xffff  }
0x2da: {  	v35 =	vand.u32 $0x1F, v51;
	[tilespmem:s15+$0x7880] =	vst v34;
	v31 =	vor.u32 v29, v31;
	v52 =	vld.idx.msk [tilespmem:v40+s24+$0x0], $0xffff  }
0x2db: {  	s5 =	sor.u32 $0x380, s13;
	v19 =	vld.idx.msk [tilespmem:v19+s24+$0x0], $0xffff;
	[tilespmem:s8+$0x180] =	vst v39;
	v54 =	vor.u32 v28, v35  }
0x2dc: {  	v58 =	vadd.s32 v5, v21;
	v55 =	vand.u32 $0x1F, v27;
	[tilespmem:s5+$0x7880] =	vst v23;
	v59 =	vld.idx.msk [tilespmem:v38+s24+$0x0], $0xffff  }
0x2dd: {  	v26 =	vor.u32 v15, v55;
	[tilespmem:s7+$0x180] =	vst v37;
	v56 =	vld.idx.msk [tilespmem:v36+s24+$0x0], $0xffff;
	v57 =	vadd.s32 v5, v25;
	v36 =	vand.u32 $0x1F, v58  }
0x2de: {  	v60 =	vadd.s32 v5, v30;
	v32 =	vld.idx.msk [tilespmem:v32+s24+$0x0], $0xffff;
	v35 =	vand.u32 $0x1F, v57;
	v36 =	vor.u32 v20, v36;
	[tilespmem:s9+$0x180] =	vst v50  }
0x2df: {  	v33 =	vand.u32 $0x1F, v60;
	v35 =	vor.u32 v24, v35;
	v61 =	vadd.s32 v5, v22;
	[tilespmem:s1+$0x180] =	vst v52;
	v31 =	vld.idx.msk [tilespmem:v31+s24+$0x0], $0xffff  }
0x2e0: {  	s11 =	sor.u32 $0x380, s10;
	v33 =	vor.u32 v29, v33;
	[tilespmem:s3+$0x200] =	vst v53;
	v62 =	vadd.s32 v6, v18;
	v38 =	vand.u32 $0x1F, v61;
	v23 =	vld.idx.msk [tilespmem:v54+s24+$0x0], $0xffff  }
0x2e1: {  	[tilespmem:s11+$0x7880] =	vst v19;
	v34 =	vand.u32 $0x1F, v62;
	v63 =	vadd.s32 v6, v16;
	v41 =	vor.u32 v28, v38  }
0x2e2: {  	v26 =	vld.idx.msk [tilespmem:v26+s24+$0x0], $0xffff;
	[tilespmem:s8+$0x200] =	vst v59;
	v34 =	vor.u32 v17, v34;
	v42 =	vand.u32 $0x1F, v63;
	v44 =	vadd.s32 v6, v21  }
0x2e3: {  	v43 =	vadd.s32 v6, v25;
	[tilespmem:s7+$0x200] =	vst v32;
	v36 =	vld.idx.msk [tilespmem:v36+s24+$0x0], $0xffff;
	v38 =	vor.u32 v15, v42;
	v37 =	vand.u32 $0x1F, v44  }
0x2e4: {  	v32 =	vand.u32 $0x1F, v43;
	v45 =	vadd.s32 v6, v30;
	v35 =	vld.idx.msk [tilespmem:v35+s24+$0x0], $0xffff;
	v37 =	vor.u32 v20, v37;
	[tilespmem:s9+$0x200] =	vst v31  }
0x2e5: {  	v46 =	vadd.s32 v6, v22;
	v32 =	vor.u32 v24, v32;
	v31 =	vand.u32 $0x1F, v45;
	[tilespmem:s1+$0x200] =	vst v23;
	v33 =	vld.idx.msk [tilespmem:v33+s24+$0x0], $0xffff  }
0x2e6: {  	s12 =	sadd.s32 $0x1, s23;
	v47 =	vadd.s32 v7, v18;
	[tilespmem:s2+$0x280] =	vst v56;
	v23 =	vand.u32 $0x1F, v46;
	v48 =	vor.u32 v29, v31;
	v27 =	vld.idx.msk [tilespmem:v41+s24+$0x0], $0xffff  }
0x2e7: {  	s13 =	sand.u32 $0x3, s12;
	[tilespmem:s3+$0x280] =	vst v26;
	v49 =	vadd.s32 v7, v16;
	v18 =	vand.u32 $0x1F, v47;
	v50 =	vld.idx.msk [tilespmem:v34+s24+$0x0], $0xffff;
	v23 =	vor.u32 v28, v23  }
0x2e8: {  	s14 =	sshll.u32 s13, $0x5;
	v51 =	vor.u32 v17, v18;
	v16 =	vand.u32 $0x1F, v49;
	[tilespmem:s8+$0x280] =	vst v36;
	v52 =	vld.idx.msk [tilespmem:v38+s24+$0x0], $0xffff;
	v54 =	vadd.s32 v7, v21  }
0x2e9: {  	s0 =	sadd.s32 s14, s0;
	v53 =	vadd.s32 v7, v25;
	s2 =	sadd.s32 $0x1, s12;
	v15 =	vor.u32 v15, v16;
	[tilespmem:s7+$0x280] =	vst v35;
	v57 =	vld.idx.msk [tilespmem:v37+s24+$0x0], $0xffff;
	v16 =	vand.u32 $0x1F, v54  }
0x2ea: {  	s23 =	sadd.s32 $0x10, s0;
	v25 =	vand.u32 $0x1F, v53;
	v58 =	vadd.s32 v7, v30;
	s15 =	sand.u32 $0x3, s2;
	s2 =	sadd.s32 $0x1, s2;
	v55 =	vld.idx.msk [tilespmem:v32+s24+$0x0], $0xffff;
	v16 =	vor.u32 v20, v16;
	[tilespmem:s9+$0x280] =	vst v33  }
0x2eb: {  	v59 =	vadd.s32 v7, v22;
	v60 =	vand.u32 $0x1F, v58;
	v56 =	vor.u32 v24, v25;
	s3 =	sshll.u32 s15, $0x5;
	s2 =	sand.u32 $0x3, s2;
	s7 =	sor.u32 $0x300, s23;
	[tilespmem:s1+$0x280] =	vst v27;
	v19 =	vld.idx.msk [tilespmem:v48+s24+$0x0], $0xffff  }
0x2ec: {  	v22 =	vor.u32 v29, v60;
	s3 =	sadd.s32 s3, s20;
	s2 =	sshll.u32 s2, $0x5;
	s8 =	sor.u32 $0x300, s0;
	v20 =	vand.u32 $0x1F, v59;
	[tilespmem:s7+$0x7880] =	vst v50;
	v23 =	vld.idx.msk [tilespmem:v23+s24+$0x0], $0xffff  }
0x2ed: {  	s2 =	sadd.s32 s2, s28;
	s11 =	sor.u32 $0x300, s3;
	v61 =	vor.u32 v28, v20;
	v17 =	vld.idx.msk [tilespmem:v51+s24+$0x0], $0xffff;
	[tilespmem:s8+$0x7880] =	vst v52;
	s9 =	sadd.s32 $0x10, s3  }
0x2ee: {  	s12 =	sadd.s32 $0x10, s2;
	v15 =	vld.idx.msk [tilespmem:v15+s24+$0x0], $0xffff;
	[tilespmem:s11+$0x7880] =	vst v57;
	s10 =	sor.u32 $0x300, s9  }
0x2ef: {  	s13 =	sor.u32 $0x300, s12;
	v16 =	vld.idx.msk [tilespmem:v16+s24+$0x0], $0xffff;
	[tilespmem:s10+$0x7880] =	vst v55  }
0x2f0: {  	s14 =	sor.u32 $0x300, s2;
	v62 =	vld.idx.msk [tilespmem:v56+s24+$0x0], $0xffff;
	[tilespmem:s13+$0x7880] =	vst v19  }
0x2f1: {  	s5 =	sor.u32 $0x380, s23;
	[tilespmem:s14+$0x7880] =	vst v23;
	v19 =	vld.idx.msk [tilespmem:v22+s24+$0x0], $0xffff  }
0x2f2: {  	s0 =	sor.u32 $0x380, s0;
	[tilespmem:s5+$0x7880] =	vst v17;
	v63 =	vld.idx.msk [tilespmem:v61+s24+$0x0], $0xffff  }
0x2f3: {  	[tilespmem:s0+$0x7880] =	vst v15;
	s3 =	sor.u32 $0x380, s3  }
0x2f4: {  	s15 =	sor.u32 $0x380, s9;
	[tilespmem:s3+$0x7880] =	vst v16  }
0x2f5: {  	s20 =	sor.u32 $0x380, s12;
	[tilespmem:s15+$0x7880] =	vst v62  }
0x2f6: {  	s23 =	sor.u32 $0x380, s2;
	[tilespmem:s20+$0x7880] =	vst v19  }
0x2f7: {  	[tilespmem:s23+$0x7880] =	vst v63  }
0x2f8: {  	s0 =	rddreg [dreg:$0xd]  }
0x2f9: {  	[hbm4b:s0+s4] =	stream.linear.scatter [tilespmem:s25], [sflag:$0x3], $0x8000, $0x38;
	[tilespmem:$0x17880] =	vst v63  }
0x2fa: {  	_ =	swait.ge [sflag:s30], $0x8000  }
0x2fb: {  	[sflag:s30] =	ssyncset.done $0x0  }
0x2fc: {  	[sflag:s30] =	ssyncadd.s32 $0xFFFF8000  }
0x2fd: {  	_ =	swait.ge [sflag:s29], $0x8000  }
0x2fe: {  	s31 =	sadd.s32 $0x1, s31;
	s28 =	rddreg [dreg:$0xe]  }
0x2ff: {  	p0 =	sne.s32 s31, s28  }
.Ltmp7:
0x300: {  	_ = 	snop;
	(pc) =	sbr.rel @p0 .LBB2_1-.Ltmp7, $3  }
0x301: {  	_ =	sdelay $0x1  }
0x302: {  	[sflag:s29] =	ssyncset.done $0x0  }
0x303: {  	[sflag:s29] =	ssyncadd.s32 $0xFFFF8000  }
0x304: {  	_ =	sfence.sel $0x180000  }
0x305: {  	[bflag:$0x0] =	sbarrier.arrive $0xFFFF  }
0x306: {  	_ =	strace $0x90000047  }
0x307: {  	s0 =	stileid.u32;
	[bflag:$0x2] =	sbarrier.arrive $0xFFFF  }
0x308: {  	p0 =	sne.s32 s0, $0x0;
	s0 =	rddreg [dreg:$0x4]  }
0x309: {  	s0 =	sadd.s32 @!p0 $0x100000, s0  }
0x30a: {  	[sflag:s0] =	ssyncadd.tile.s32 @!p0 $0x1;
	_ =	shalt  }
.Lfunc_end2:
_tile_overlayer_lowered:
.L_overlay_start_2:
0x30b: {  	(tag) =	ssettag $0x2  }
0x30c: {  	s0 =	rddreg [dreg:$0x0];
	s2 =	stileid.u32  }
0x30d: {  	s1 =	rddreg [dreg:$0x1];
	p0 =	sne.s32 s2, $0x0  }
0x30e: {  	s3 =	rddreg [dreg:$0x2];
	[bflag:$0x3] =	sbarrier.arrive $0xFFFF;
	s2 =	simm.s32 @!p0 $0x1C05  }
0x30f: {  	[timem:s3], [sflag:s2] =	dma.local @!p0 [hbm:s0], s1  }
0x310: {  	s0 =	simm.s32 @!p0 $0x5  }
0x311: {  	_ =	swait.ge @!p0 [sflag:s0], s1  }
0x312: {  	s1 =	ssub.s32 @!p0 $0x0, s1;
	[sflag:s0] =	ssyncset.done @!p0 $0x0  }
0x313: {  	[sflag:s0] =	ssyncadd.s32 @!p0 s1  }
0x314: {  	[bflag:$0x3] =	sbarrier.arrive $0xFFFF  }
0x315: {  	_ =	shalt  }

</sc_bundles>
